<compile_context>
chip_gen: v7x
topology: tpu7x:2x2x1
jax: 0.10.2.dev20260603
libtpu: 0.0.44.dev20260713+nightly
codegen_flags: <defaults>
</compile_context>

<pallas_src>
import functools

import jax
import jax.numpy as jnp
from jax import lax
from jax.experimental import pallas as pl
from jax.experimental.pallas import tpu as pltpu
from jax.experimental.pallas import tpu_sc as plsc

_BATCH = 16384
_HIST = 50
_DIM = 64
_PDIM = 128
_NB = _BATCH * _HIST
_VOCAB = 1000000

_INFO = plsc.get_sparse_core_info()
_NC = _INFO.num_cores
_NS = _INFO.num_subcores
_NW = _NC * _NS

_CHUNK = 128
_TBB = _BATCH // _CHUNK
_NBLK = _NB // _CHUNK
_BLK_PER_W = _NBLK // _NW
_ROWS_PER_W = _NB // _NW


def _lookup_kernel(idx_hbm, tbl_hbm, out_hbm, ibuf, gb0, gb1, ob0, ob1,
                   gs0, gs1, os0, os1):
    wid = lax.axis_index("s") * _NC + lax.axis_index("c")
    wbase = wid * _ROWS_PER_W
    gbase = wid * _BLK_PER_W
    gbs = (gb0, gb1)
    obs = (ob0, ob1)
    gss = (gs0, gs1)
    oss = (os0, os1)
    lanes = lax.iota(jnp.int32, 16)

    pltpu.sync_copy(idx_hbm.at[pl.ds(wbase, _ROWS_PER_W)], ibuf)

    def fire_gather(k, buf, sem):
        pltpu.async_copy(tbl_hbm.at[ibuf.at[pl.ds(k * _CHUNK, _CHUNK)]],
                         buf, sem)

    def absorb_gather(buf, sem):
        pltpu.make_async_copy(tbl_hbm.at[pl.ds(0, _CHUNK)], buf, sem).wait()

    def absorb_wb(buf, sem):
        pltpu.make_async_copy(buf, out_hbm.at[0, :, pl.ds(0, _CHUNK)],
                              sem).wait()

    def transpose(k, gb, ob):
        def lg_body(lg):
            lvec = lanes + lg * 16
            for c0 in range(0, _DIM, 16):
                xs = [
                    plsc.load_gather(
                        gb, [lvec, jnp.full((16,), c0 + i, jnp.int32)])
                    for i in range(16)
                ]
                for i in range(16):
                    ob[c0 + i, pl.ds(lg * 16, 16)] = xs[i]
        plsc.parallel_loop(0, _CHUNK // 16, unroll=1)(lg_body)

    def writeback(g, ob, sem):
        h = g // _TBB
        tb = g % _TBB
        pltpu.async_copy(ob, out_hbm.at[h, :, pl.ds(tb * _CHUNK, _CHUNK)],
                         sem)

    fire_gather(0, gbs[0], gss[0])
    fire_gather(1, gbs[1], gss[1])

    def body(kk):
        for b in range(2):
            k = kk + b
            absorb_gather(gbs[b], gss[b])

            @pl.when(kk >= 2)
            def _():
                absorb_wb(obs[b], oss[b])

            transpose(k, gbs[b], obs[b])
            writeback(gbase + k, obs[b], oss[b])

            @pl.when(kk < _BLK_PER_W - 2)
            def _():
                fire_gather(k + 2, gbs[b], gss[b])

    pl.loop(0, _BLK_PER_W, step=2)(body)

    absorb_wb(obs[0], oss[0])
    absorb_wb(obs[1], oss[1])


@jax.jit
def _run(indices, table):
    padded = jnp.pad(table, ((0, 0), (0, _PDIM - _DIM)))
    idx_hm = jnp.transpose(indices).reshape(-1)
    mesh = plsc.VectorSubcoreMesh(core_axis_name="c", subcore_axis_name="s")
    lookup = functools.partial(
        pl.kernel,
        mesh=mesh,
        out_type=jax.ShapeDtypeStruct((_HIST, _DIM, _BATCH), jnp.float32),
        scratch_types=[
            pltpu.VMEM((_ROWS_PER_W,), jnp.int32),
            pltpu.VMEM((_CHUNK, _PDIM), jnp.float32),
            pltpu.VMEM((_CHUNK, _PDIM), jnp.float32),
            pltpu.VMEM((_DIM, _CHUNK), jnp.float32),
            pltpu.VMEM((_DIM, _CHUNK), jnp.float32),
            pltpu.SemaphoreType.DMA,
            pltpu.SemaphoreType.DMA,
            pltpu.SemaphoreType.DMA,
            pltpu.SemaphoreType.DMA,
        ],
        compiler_params=pltpu.CompilerParams(use_tc_tiling_on_sc=True,
                                             needs_layout_passes=False,
                                             disable_bounds_checks=True),
    )(_lookup_kernel)
    out3 = lookup(idx_hm, padded)
    return jnp.transpose(out3, (2, 0, 1))


def kernel(indices, table):
    return _run(indices, table)

# --- scband reference (transcript-rebuilt; emitter-appended) ---
"""Pipeline reference for scband-hierarchical-hash-embedding-3401614098798 (READ-ONLY COPY).

The authoritative reference and input builder live on the scoring server;
editing this copy changes nothing except your own understanding.
"""

import jax, jax.numpy as jnp
import numpy as np

VOCAB = 1000000
EMBED_DIM = 64
BATCH = 16384
HIST = 50

def setup_inputs(seed: int = 0) -> dict:
    key = jax.random.key(seed)
    k1, k2 = jax.random.split(key)
    indices = jax.random.randint(k1, (BATCH, HIST), 0, VOCAB, dtype=jnp.int32)
    init_std = float(np.sqrt(2.0 / EMBED_DIM))
    table = jax.random.normal(k2, (VOCAB, EMBED_DIM), dtype=jnp.float32) * init_std
    return {"indices": indices, "table": table}

def reference(indices, table):
    # HierarchicalHashEmbedding.forward: flatten indices, gather embeddings from
    # the hash table (modeled here as a dense table keyed by index), then
    # reshape to (*original_shape, embedding_dim).
    original_shape = indices.shape
    indices_flat = indices.reshape(-1)
    embeddings = jnp.take(table, indices_flat, axis=0)
    return embeddings.reshape(*original_shape, table.shape[1])

if __name__ == "__main__":
    import jax
    _d = setup_inputs()
    print(jax.jit(kernel)(*tuple(_d.values())))

</pallas_src>

<mosaic_0001>
#map = affine_map<(d0, d1) -> (0)>
#map1 = affine_map<(d0, d1) -> (0, 0)>
#map2 = affine_map<(d0, d1) -> (0, 0, 0)>
module attributes {stable_mosaic.version = 14 : i64} {
  func.func @_lookup_kernel(%arg0: i32, %arg1: i32, %arg2: memref<819200xi32, #tpu.memory_space<hbm>>, %arg3: memref<1000000x128xf32, #tpu.memory_space<hbm>>, %arg4: memref<50x64x16384xf32, #tpu.memory_space<hbm>>, %arg5: memref<25600xi32, #tpu.memory_space<vmem>>, %arg6: memref<128x128xf32, #tpu.memory_space<vmem>>, %arg7: memref<128x128xf32, #tpu.memory_space<vmem>>, %arg8: memref<64x128xf32, #tpu.memory_space<vmem>>, %arg9: memref<64x128xf32, #tpu.memory_space<vmem>>, %arg10: memref<!tpu.dma_semaphore, #tpu.memory_space<semaphore_mem>>, %arg11: memref<!tpu.dma_semaphore, #tpu.memory_space<semaphore_mem>>, %arg12: memref<!tpu.dma_semaphore, #tpu.memory_space<semaphore_mem>>, %arg13: memref<!tpu.dma_semaphore, #tpu.memory_space<semaphore_mem>>) attributes {dimension_semantics = [#tpu.dimension_semantics<core_parallel>, #tpu.dimension_semantics<subcore_parallel>], iteration_bounds = array<i64: 2, 16>, scalar_prefetch = 0 : i64, scratch_operands = 9 : i64, tpu.core_type = #tpu.core_type<sc_vector_subcore>, window_params = [{transform_indices = #map}, {transform_indices = #map1}, {transform_indices = #map2}]} {
    %mul3A = arith.constant 2 : i32
    %mul3A_0 = arith.muli %arg1, %mul3A : i32
    %add3A = arith.addi %mul3A_0, %arg0 : i32
    %mul3A_1 = arith.constant 25600 : i32
    %mul3A_2 = arith.muli %add3A, %mul3A_1 : i32
    %mul3A_3 = arith.constant 200 : i32
    %mul3A_4 = arith.muli %add3A, %mul3A_3 : i32
    %iota3A = tpu.iota {dimensions = array<i32: 0>} : vector<16xi32>
    "tpu.region"() ({
      %run_scoped3A = tpu.sem_alloc : memref<!tpu.dma_semaphore, #tpu.memory_space<semaphore_mem>>
      %dma_start3A_35 = tpu.memref_slice %arg2[%mul3A_2] : memref<819200xi32, #tpu.memory_space<hbm>> -> memref<25600xi32, #tpu.memory_space<hbm>>
      %dma_start3A_36 = tpu.memref_slice %arg2[%mul3A_2] : memref<819200xi32, #tpu.memory_space<hbm>> -> memref<25600xi32, #tpu.memory_space<hbm>>
      tpu.enqueue_dma source(%dma_start3A_36 : memref<25600xi32, #tpu.memory_space<hbm>>) target(%arg5 : memref<25600xi32, #tpu.memory_space<vmem>>) target_semaphore(%run_scoped3A : memref<!tpu.dma_semaphore, #tpu.memory_space<semaphore_mem>>)
      %dma_wait3A_37 = tpu.memref_slice %arg2[%mul3A_2] : memref<819200xi32, #tpu.memory_space<hbm>> -> memref<25600xi32, #tpu.memory_space<hbm>>
      %dma_wait3A_38 = tpu.memref_slice %arg2[%mul3A_2] : memref<819200xi32, #tpu.memory_space<hbm>> -> memref<25600xi32, #tpu.memory_space<hbm>>
      tpu.wait_dma2 semaphore(%run_scoped3A : memref<!tpu.dma_semaphore, #tpu.memory_space<semaphore_mem>>) src(%dma_wait3A_38 : memref<25600xi32, #tpu.memory_space<hbm>>) dst(%arg5 : memref<25600xi32, #tpu.memory_space<vmem>>)
      tpu.yield
    }) : () -> ()
    %dma_start3A = arith.constant 0 : i32
    %dma_start3A_5 = tpu.memref_slice %arg5[%dma_start3A] : memref<25600xi32, #tpu.memory_space<vmem>> -> memref<128xi32, #tpu.memory_space<vmem>>
    %dma_start3A_6 = arith.constant 0 : i32
    %dma_start3A_7 = arith.constant 0 : i32
    %dma_start3A_8 = tpu.memref_slice %arg3[%dma_start3A_6, %dma_start3A_7] : memref<1000000x128xf32, #tpu.memory_space<hbm>> -> memref<1000000x128xf32, #tpu.memory_space<hbm>>
    tpu.enqueue_indirect_dma source(%dma_start3A_8 : memref<1000000x128xf32, #tpu.memory_space<hbm>>) target(%arg6 : memref<128x128xf32, #tpu.memory_space<vmem>>) offsets(%dma_start3A_5 : memref<128xi32, #tpu.memory_space<vmem>>) semaphore(%arg10 : memref<!tpu.dma_semaphore, #tpu.memory_space<semaphore_mem>>)
    %dma_start3A_9 = arith.constant 128 : i32
    %dma_start3A_10 = tpu.memref_slice %arg5[%dma_start3A_9] : memref<25600xi32, #tpu.memory_space<vmem>> -> memref<128xi32, #tpu.memory_space<vmem>>
    %dma_start3A_11 = arith.constant 0 : i32
    %dma_start3A_12 = arith.constant 0 : i32
    %dma_start3A_13 = tpu.memref_slice %arg3[%dma_start3A_11, %dma_start3A_12] : memref<1000000x128xf32, #tpu.memory_space<hbm>> -> memref<1000000x128xf32, #tpu.memory_space<hbm>>
    tpu.enqueue_indirect_dma source(%dma_start3A_13 : memref<1000000x128xf32, #tpu.memory_space<hbm>>) target(%arg7 : memref<128x128xf32, #tpu.memory_space<vmem>>) offsets(%dma_start3A_10 : memref<128xi32, #tpu.memory_space<vmem>>) semaphore(%arg11 : memref<!tpu.dma_semaphore, #tpu.memory_space<semaphore_mem>>)
    %scan3A = arith.constant 0 : i32
    %scan3A_14 = arith.constant 100 : i32
    %scan3A_15 = arith.addi %scan3A, %scan3A_14 : i32
    %scan3A_16 = arith.constant 1 : i32
    scf.for %scan3A_35 = %scan3A to %scan3A_15 step %scan3A_16  : i32 {
      %mul3A_36 = arith.constant 2 : i32
      %mul3A_37 = arith.muli %scan3A_35, %mul3A_36 : i32
      %add3A_38 = arith.constant 0 : i32
      %add3A_39 = arith.addi %add3A_38, %mul3A_37 : i32
      %add3A_40 = arith.constant 0 : i32
      %add3A_41 = arith.addi %add3A_39, %add3A_40 : i32
      %dma_wait3A_42 = arith.constant 0 : i32
      %dma_wait3A_43 = arith.constant 0 : i32
      %dma_wait3A_44 = tpu.memref_slice %arg3[%dma_wait3A_42, %dma_wait3A_43] : memref<1000000x128xf32, #tpu.memory_space<hbm>> -> memref<128x128xf32, #tpu.memory_space<hbm>>
      %dma_wait3A_45 = arith.constant 0 : i32
      %dma_wait3A_46 = arith.constant 0 : i32
      %dma_wait3A_47 = tpu.memref_slice %arg3[%dma_wait3A_45, %dma_wait3A_46] : memref<1000000x128xf32, #tpu.memory_space<hbm>> -> memref<128x128xf32, #tpu.memory_space<hbm>>
      tpu.wait_dma2 semaphore(%arg10 : memref<!tpu.dma_semaphore, #tpu.memory_space<semaphore_mem>>) src(%dma_wait3A_47 : memref<128x128xf32, #tpu.memory_space<hbm>>) dst(%arg6 : memref<128x128xf32, #tpu.memory_space<vmem>>)
      %ge3A = arith.constant 2 : i32
      %ge3A_48 = arith.cmpi sge, %add3A_39, %ge3A : i32
      %convert_element_type3A = arith.extui %ge3A_48 : i1 to i32
      %cond3A = arith.constant 0 : i32
      %cond3A_49 = arith.cmpi ne, %convert_element_type3A, %cond3A : i32
      scf.if %cond3A_49 {
        %dma_wait3A_166 = arith.constant 0 : i32
        %dma_wait3A_167 = arith.constant 0 : i32
        %dma_wait3A_168 = arith.constant 0 : i32
        %dma_wait3A_169 = tpu.memref_slice %arg4[%dma_wait3A_166, %dma_wait3A_167, %dma_wait3A_168] : memref<50x64x16384xf32, #tpu.memory_space<hbm>> -> memref<1x64x128xf32, #tpu.memory_space<hbm>>
        %dma_wait3A_170 = tpu.memref_squeeze %dma_wait3A_169 : memref<1x64x128xf32, #tpu.memory_space<hbm>> -> memref<64x128xf32, #tpu.memory_space<hbm>>
        %dma_wait3A_171 = arith.constant 0 : i32
        %dma_wait3A_172 = arith.constant 0 : i32
        %dma_wait3A_173 = tpu.memref_slice %arg4[%dma_wait3A_166, %dma_wait3A_171, %dma_wait3A_172] : memref<50x64x16384xf32, #tpu.memory_space<hbm>> -> memref<1x64x128xf32, #tpu.memory_space<hbm>>
        %dma_wait3A_174 = tpu.memref_squeeze %dma_wait3A_173 : memref<1x64x128xf32, #tpu.memory_space<hbm>> -> memref<64x128xf32, #tpu.memory_space<hbm>>
        tpu.wait_dma2 semaphore(%arg12 : memref<!tpu.dma_semaphore, #tpu.memory_space<semaphore_mem>>) src(%arg8 : memref<64x128xf32, #tpu.memory_space<vmem>>) dst(%dma_wait3A_174 : memref<64x128xf32, #tpu.memory_space<hbm>>)
      } else {
      }
      %parallel_loop3A = arith.constant 0 : i32
      %parallel_loop3A_50 = arith.constant 8 : i32
      %parallel_loop3A_51 = arith.constant 1 : i32
      scf.for %parallel_loop3A_166 = %parallel_loop3A to %parallel_loop3A_50 step %parallel_loop3A_51  : i32 {
        %parallel_loop3A_167 = arith.constant 16 : i32
        %parallel_loop3A_168 = arith.muli %parallel_loop3A_166, %parallel_loop3A_167 : i32
        %parallel_loop3A_169 = vector.broadcast %parallel_loop3A_168 : i32 to vector<16xi32>
        %parallel_loop3A_170 = arith.addi %iota3A, %parallel_loop3A_169 : vector<16xi32>
        %parallel_loop3A_171 = arith.constant 0 : i32
        %parallel_loop3A_172 = vector.broadcast %parallel_loop3A_171 : i32 to vector<16xi32>
        %parallel_loop3A_173 = tpu.vector_load_idx %arg6[%parallel_loop3A_170, %parallel_loop3A_172] : memref<128x128xf32, #tpu.memory_space<vmem>>[vector<16xi32>, vector<16xi32>], vector<16xf32>,
        %parallel_loop3A_174 = arith.constant 1 : i32
        %parallel_loop3A_175 = vector.broadcast %parallel_loop3A_174 : i32 to vector<16xi32>
        %parallel_loop3A_176 = tpu.vector_load_idx %arg6[%parallel_loop3A_170, %parallel_loop3A_175] : memref<128x128xf32, #tpu.memory_space<vmem>>[vector<16xi32>, vector<16xi32>], vector<16xf32>,
        %parallel_loop3A_177 = arith.constant 2 : i32
        %parallel_loop3A_178 = vector.broadcast %parallel_loop3A_177 : i32 to vector<16xi32>
        %parallel_loop3A_179 = tpu.vector_load_idx %arg6[%parallel_loop3A_170, %parallel_loop3A_178] : memref<128x128xf32, #tpu.memory_space<vmem>>[vector<16xi32>, vector<16xi32>], vector<16xf32>,
        %parallel_loop3A_180 = arith.constant 3 : i32
        %parallel_loop3A_181 = vector.broadcast %parallel_loop3A_180 : i32 to vector<16xi32>
        %parallel_loop3A_182 = tpu.vector_load_idx %arg6[%parallel_loop3A_170, %parallel_loop3A_181] : memref<128x128xf32, #tpu.memory_space<vmem>>[vector<16xi32>, vector<16xi32>], vector<16xf32>,
        %parallel_loop3A_183 = arith.constant 4 : i32
        %parallel_loop3A_184 = vector.broadcast %parallel_loop3A_183 : i32 to vector<16xi32>
        %parallel_loop3A_185 = tpu.vector_load_idx %arg6[%parallel_loop3A_170, %parallel_loop3A_184] : memref<128x128xf32, #tpu.memory_space<vmem>>[vector<16xi32>, vector<16xi32>], vector<16xf32>,
        %parallel_loop3A_186 = arith.constant 5 : i32
        %parallel_loop3A_187 = vector.broadcast %parallel_loop3A_186 : i32 to vector<16xi32>
        %parallel_loop3A_188 = tpu.vector_load_idx %arg6[%parallel_loop3A_170, %parallel_loop3A_187] : memref<128x128xf32, #tpu.memory_space<vmem>>[vector<16xi32>, vector<16xi32>], vector<16xf32>,
        %parallel_loop3A_189 = arith.constant 6 : i32
        %parallel_loop3A_190 = vector.broadcast %parallel_loop3A_189 : i32 to vector<16xi32>
        %parallel_loop3A_191 = tpu.vector_load_idx %arg6[%parallel_loop3A_170, %parallel_loop3A_190] : memref<128x128xf32, #tpu.memory_space<vmem>>[vector<16xi32>, vector<16xi32>], vector<16xf32>,
        %parallel_loop3A_192 = arith.constant 7 : i32
        %parallel_loop3A_193 = vector.broadcast %parallel_loop3A_192 : i32 to vector<16xi32>
        %parallel_loop3A_194 = tpu.vector_load_idx %arg6[%parallel_loop3A_170, %parallel_loop3A_193] : memref<128x128xf32, #tpu.memory_space<vmem>>[vector<16xi32>, vector<16xi32>], vector<16xf32>,
        %parallel_loop3A_195 = arith.constant 8 : i32
        %parallel_loop3A_196 = vector.broadcast %parallel_loop3A_195 : i32 to vector<16xi32>
        %parallel_loop3A_197 = tpu.vector_load_idx %arg6[%parallel_loop3A_170, %parallel_loop3A_196] : memref<128x128xf32, #tpu.memory_space<vmem>>[vector<16xi32>, vector<16xi32>], vector<16xf32>,
        %parallel_loop3A_198 = arith.constant 9 : i32
        %parallel_loop3A_199 = vector.broadcast %parallel_loop3A_198 : i32 to vector<16xi32>
        %parallel_loop3A_200 = tpu.vector_load_idx %arg6[%parallel_loop3A_170, %parallel_loop3A_199] : memref<128x128xf32, #tpu.memory_space<vmem>>[vector<16xi32>, vector<16xi32>], vector<16xf32>,
        %parallel_loop3A_201 = arith.constant 10 : i32
        %parallel_loop3A_202 = vector.broadcast %parallel_loop3A_201 : i32 to vector<16xi32>
        %parallel_loop3A_203 = tpu.vector_load_idx %arg6[%parallel_loop3A_170, %parallel_loop3A_202] : memref<128x128xf32, #tpu.memory_space<vmem>>[vector<16xi32>, vector<16xi32>], vector<16xf32>,
        %parallel_loop3A_204 = arith.constant 11 : i32
        %parallel_loop3A_205 = vector.broadcast %parallel_loop3A_204 : i32 to vector<16xi32>
        %parallel_loop3A_206 = tpu.vector_load_idx %arg6[%parallel_loop3A_170, %parallel_loop3A_205] : memref<128x128xf32, #tpu.memory_space<vmem>>[vector<16xi32>, vector<16xi32>], vector<16xf32>,
        %parallel_loop3A_207 = arith.constant 12 : i32
        %parallel_loop3A_208 = vector.broadcast %parallel_loop3A_207 : i32 to vector<16xi32>
        %parallel_loop3A_209 = tpu.vector_load_idx %arg6[%parallel_loop3A_170, %parallel_loop3A_208] : memref<128x128xf32, #tpu.memory_space<vmem>>[vector<16xi32>, vector<16xi32>], vector<16xf32>,
        %parallel_loop3A_210 = arith.constant 13 : i32
        %parallel_loop3A_211 = vector.broadcast %parallel_loop3A_210 : i32 to vector<16xi32>
        %parallel_loop3A_212 = tpu.vector_load_idx %arg6[%parallel_loop3A_170, %parallel_loop3A_211] : memref<128x128xf32, #tpu.memory_space<vmem>>[vector<16xi32>, vector<16xi32>], vector<16xf32>,
        %parallel_loop3A_213 = arith.constant 14 : i32
        %parallel_loop3A_214 = vector.broadcast %parallel_loop3A_213 : i32 to vector<16xi32>
        %parallel_loop3A_215 = tpu.vector_load_idx %arg6[%parallel_loop3A_170, %parallel_loop3A_214] : memref<128x128xf32, #tpu.memory_space<vmem>>[vector<16xi32>, vector<16xi32>], vector<16xf32>,
        %parallel_loop3A_216 = arith.constant 15 : i32
        %parallel_loop3A_217 = vector.broadcast %parallel_loop3A_216 : i32 to vector<16xi32>
        %parallel_loop3A_218 = tpu.vector_load_idx %arg6[%parallel_loop3A_170, %parallel_loop3A_217] : memref<128x128xf32, #tpu.memory_space<vmem>>[vector<16xi32>, vector<16xi32>], vector<16xf32>,
        %parallel_loop3A_219 = arith.constant 16 : i32
        %parallel_loop3A_220 = arith.muli %parallel_loop3A_166, %parallel_loop3A_219 : i32
        %parallel_loop3A_221 = arith.constant 0 : i32
        %parallel_loop3A_222 = arith.index_cast %parallel_loop3A_221 : i32 to index
        %parallel_loop3A_223 = arith.index_cast %parallel_loop3A_220 : i32 to index
        %parallel_loop3A_224 = tpu.vector_load %arg8[%parallel_loop3A_222, %parallel_loop3A_223] {strides = array<i32>} : memref<64x128xf32, #tpu.memory_space<vmem>>, vector<16xf32>,
        tpu.vector_store %arg8[%parallel_loop3A_222, %parallel_loop3A_223], %parallel_loop3A_173 {strides = array<i32>} : memref<64x128xf32, #tpu.memory_space<vmem>>, vector<16xf32>,
        %parallel_loop3A_225 = arith.constant 16 : i32
        %parallel_loop3A_226 = arith.muli %parallel_loop3A_166, %parallel_loop3A_225 : i32
        %parallel_loop3A_227 = arith.constant 1 : i32
        %parallel_loop3A_228 = arith.index_cast %parallel_loop3A_227 : i32 to index
        %parallel_loop3A_229 = arith.index_cast %parallel_loop3A_226 : i32 to index
        %parallel_loop3A_230 = tpu.vector_load %arg8[%parallel_loop3A_228, %parallel_loop3A_229] {strides = array<i32>} : memref<64x128xf32, #tpu.memory_space<vmem>>, vector<16xf32>,
        tpu.vector_store %arg8[%parallel_loop3A_228, %parallel_loop3A_229], %parallel_loop3A_176 {strides = array<i32>} : memref<64x128xf32, #tpu.memory_space<vmem>>, vector<16xf32>,
        %parallel_loop3A_231 = arith.constant 16 : i32
        %parallel_loop3A_232 = arith.muli %parallel_loop3A_166, %parallel_loop3A_231 : i32
        %parallel_loop3A_233 = arith.constant 2 : i32
        %parallel_loop3A_234 = arith.index_cast %parallel_loop3A_233 : i32 to index
        %parallel_loop3A_235 = arith.index_cast %parallel_loop3A_232 : i32 to index
        %parallel_loop3A_236 = tpu.vector_load %arg8[%parallel_loop3A_234, %parallel_loop3A_235] {strides = array<i32>} : memref<64x128xf32, #tpu.memory_space<vmem>>, vector<16xf32>,
        tpu.vector_store %arg8[%parallel_loop3A_234, %parallel_loop3A_235], %parallel_loop3A_179 {strides = array<i32>} : memref<64x128xf32, #tpu.memory_space<vmem>>, vector<16xf32>,
        %parallel_loop3A_237 = arith.constant 16 : i32
        %parallel_loop3A_238 = arith.muli %parallel_loop3A_166, %parallel_loop3A_237 : i32
        %parallel_loop3A_239 = arith.constant 3 : i32
        %parallel_loop3A_240 = arith.index_cast %parallel_loop3A_239 : i32 to index
        %parallel_loop3A_241 = arith.index_cast %parallel_loop3A_238 : i32 to index
        %parallel_loop3A_242 = tpu.vector_load %arg8[%parallel_loop3A_240, %parallel_loop3A_241] {strides = array<i32>} : memref<64x128xf32, #tpu.memory_space<vmem>>, vector<16xf32>,
        tpu.vector_store %arg8[%parallel_loop3A_240, %parallel_loop3A_241], %parallel_loop3A_182 {strides = array<i32>} : memref<64x128xf32, #tpu.memory_space<vmem>>, vector<16xf32>,
        %parallel_loop3A_243 = arith.constant 16 : i32
        %parallel_loop3A_244 = arith.muli %parallel_loop3A_166, %parallel_loop3A_243 : i32
        %parallel_loop3A_245 = arith.constant 4 : i32
        %parallel_loop3A_246 = arith.index_cast %parallel_loop3A_245 : i32 to index
        %parallel_loop3A_247 = arith.index_cast %parallel_loop3A_244 : i32 to index
        %parallel_loop3A_248 = tpu.vector_load %arg8[%parallel_loop3A_246, %parallel_loop3A_247] {strides = array<i32>} : memref<64x128xf32, #tpu.memory_space<vmem>>, vector<16xf32>,
        tpu.vector_store %arg8[%parallel_loop3A_246, %parallel_loop3A_247], %parallel_loop3A_185 {strides = array<i32>} : memref<64x128xf32, #tpu.memory_space<vmem>>, vector<16xf32>,
        %parallel_loop3A_249 = arith.constant 16 : i32
        %parallel_loop3A_250 = arith.muli %parallel_loop3A_166, %parallel_loop3A_249 : i32
        %parallel_loop3A_251 = arith.constant 5 : i32
        %parallel_loop3A_252 = arith.index_cast %parallel_loop3A_251 : i32 to index
        %parallel_loop3A_253 = arith.index_cast %parallel_loop3A_250 : i32 to index
        %parallel_loop3A_254 = tpu.vector_load %arg8[%parallel_loop3A_252, %parallel_loop3A_253] {strides = array<i32>} : memref<64x128xf32, #tpu.memory_space<vmem>>, vector<16xf32>,
        tpu.vector_store %arg8[%parallel_loop3A_252, %parallel_loop3A_253], %parallel_loop3A_188 {strides = array<i32>} : memref<64x128xf32, #tpu.memory_space<vmem>>, vector<16xf32>,
        %parallel_loop3A_255 = arith.constant 16 : i32
        %parallel_loop3A_256 = arith.muli %parallel_loop3A_166, %parallel_loop3A_255 : i32
        %parallel_loop3A_257 = arith.constant 6 : i32
        %parallel_loop3A_258 = arith.index_cast %parallel_loop3A_257 : i32 to index
        %parallel_loop3A_259 = arith.index_cast %parallel_loop3A_256 : i32 to index
        %parallel_loop3A_260 = tpu.vector_load %arg8[%parallel_loop3A_258, %parallel_loop3A_259] {strides = array<i32>} : memref<64x128xf32, #tpu.memory_space<vmem>>, vector<16xf32>,
        tpu.vector_store %arg8[%parallel_loop3A_258, %parallel_loop3A_259], %parallel_loop3A_191 {strides = array<i32>} : memref<64x128xf32, #tpu.memory_space<vmem>>, vector<16xf32>,
        %parallel_loop3A_261 = arith.constant 16 : i32
        %parallel_loop3A_262 = arith.muli %parallel_loop3A_166, %parallel_loop3A_261 : i32
        %parallel_loop3A_263 = arith.constant 7 : i32
        %parallel_loop3A_264 = arith.index_cast %parallel_loop3A_263 : i32 to index
        %parallel_loop3A_265 = arith.index_cast %parallel_loop3A_262 : i32 to index
        %parallel_loop3A_266 = tpu.vector_load %arg8[%parallel_loop3A_264, %parallel_loop3A_265] {strides = array<i32>} : memref<64x128xf32, #tpu.memory_space<vmem>>, vector<16xf32>,
        tpu.vector_store %arg8[%parallel_loop3A_264, %parallel_loop3A_265], %parallel_loop3A_194 {strides = array<i32>} : memref<64x128xf32, #tpu.memory_space<vmem>>, vector<16xf32>,
        %parallel_loop3A_267 = arith.constant 16 : i32
        %parallel_loop3A_268 = arith.muli %parallel_loop3A_166, %parallel_loop3A_267 : i32
        %parallel_loop3A_269 = arith.constant 8 : i32
        %parallel_loop3A_270 = arith.index_cast %parallel_loop3A_269 : i32 to index
        %parallel_loop3A_271 = arith.index_cast %parallel_loop3A_268 : i32 to index
        %parallel_loop3A_272 = tpu.vector_load %arg8[%parallel_loop3A_270, %parallel_loop3A_271] {strides = array<i32>} : memref<64x128xf32, #tpu.memory_space<vmem>>, vector<16xf32>,
        tpu.vector_store %arg8[%parallel_loop3A_270, %parallel_loop3A_271], %parallel_loop3A_197 {strides = array<i32>} : memref<64x128xf32, #tpu.memory_space<vmem>>, vector<16xf32>,
        %parallel_loop3A_273 = arith.constant 16 : i32
        %parallel_loop3A_274 = arith.muli %parallel_loop3A_166, %parallel_loop3A_273 : i32
        %parallel_loop3A_275 = arith.constant 9 : i32
        %parallel_loop3A_276 = arith.index_cast %parallel_loop3A_275 : i32 to index
        %parallel_loop3A_277 = arith.index_cast %parallel_loop3A_274 : i32 to index
        %parallel_loop3A_278 = tpu.vector_load %arg8[%parallel_loop3A_276, %parallel_loop3A_277] {strides = array<i32>} : memref<64x128xf32, #tpu.memory_space<vmem>>, vector<16xf32>,
        tpu.vector_store %arg8[%parallel_loop3A_276, %parallel_loop3A_277], %parallel_loop3A_200 {strides = array<i32>} : memref<64x128xf32, #tpu.memory_space<vmem>>, vector<16xf32>,
        %parallel_loop3A_279 = arith.constant 16 : i32
        %parallel_loop3A_280 = arith.muli %parallel_loop3A_166, %parallel_loop3A_279 : i32
        %parallel_loop3A_281 = arith.constant 10 : i32
        %parallel_loop3A_282 = arith.index_cast %parallel_loop3A_281 : i32 to index
        %parallel_loop3A_283 = arith.index_cast %parallel_loop3A_280 : i32 to index
        %parallel_loop3A_284 = tpu.vector_load %arg8[%parallel_loop3A_282, %parallel_loop3A_283] {strides = array<i32>} : memref<64x128xf32, #tpu.memory_space<vmem>>, vector<16xf32>,
        tpu.vector_store %arg8[%parallel_loop3A_282, %parallel_loop3A_283], %parallel_loop3A_203 {strides = array<i32>} : memref<64x128xf32, #tpu.memory_space<vmem>>, vector<16xf32>,
        %parallel_loop3A_285 = arith.constant 16 : i32
        %parallel_loop3A_286 = arith.muli %parallel_loop3A_166, %parallel_loop3A_285 : i32
        %parallel_loop3A_287 = arith.constant 11 : i32
        %parallel_loop3A_288 = arith.index_cast %parallel_loop3A_287 : i32 to index
        %parallel_loop3A_289 = arith.index_cast %parallel_loop3A_286 : i32 to index
        %parallel_loop3A_290 = tpu.vector_load %arg8[%parallel_loop3A_288, %parallel_loop3A_289] {strides = array<i32>} : memref<64x128xf32, #tpu.memory_space<vmem>>, vector<16xf32>,
        tpu.vector_store %arg8[%parallel_loop3A_288, %parallel_loop3A_289], %parallel_loop3A_206 {strides = array<i32>} : memref<64x128xf32, #tpu.memory_space<vmem>>, vector<16xf32>,
        %parallel_loop3A_291 = arith.constant 16 : i32
        %parallel_loop3A_292 = arith.muli %parallel_loop3A_166, %parallel_loop3A_291 : i32
        %parallel_loop3A_293 = arith.constant 12 : i32
        %parallel_loop3A_294 = arith.index_cast %parallel_loop3A_293 : i32 to index
        %parallel_loop3A_295 = arith.index_cast %parallel_loop3A_292 : i32 to index
        %parallel_loop3A_296 = tpu.vector_load %arg8[%parallel_loop3A_294, %parallel_loop3A_295] {strides = array<i32>} : memref<64x128xf32, #tpu.memory_space<vmem>>, vector<16xf32>,
        tpu.vector_store %arg8[%parallel_loop3A_294, %parallel_loop3A_295], %parallel_loop3A_209 {strides = array<i32>} : memref<64x128xf32, #tpu.memory_space<vmem>>, vector<16xf32>,
        %parallel_loop3A_297 = arith.constant 16 : i32
        %parallel_loop3A_298 = arith.muli %parallel_loop3A_166, %parallel_loop3A_297 : i32
        %parallel_loop3A_299 = arith.constant 13 : i32
        %parallel_loop3A_300 = arith.index_cast %parallel_loop3A_299 : i32 to index
        %parallel_loop3A_301 = arith.index_cast %parallel_loop3A_298 : i32 to index
        %parallel_loop3A_302 = tpu.vector_load %arg8[%parallel_loop3A_300, %parallel_loop3A_301] {strides = array<i32>} : memref<64x128xf32, #tpu.memory_space<vmem>>, vector<16xf32>,
        tpu.vector_store %arg8[%parallel_loop3A_300, %parallel_loop3A_301], %parallel_loop3A_212 {strides = array<i32>} : memref<64x128xf32, #tpu.memory_space<vmem>>, vector<16xf32>,
        %parallel_loop3A_303 = arith.constant 16 : i32
        %parallel_loop3A_304 = arith.muli %parallel_loop3A_166, %parallel_loop3A_303 : i32
        %parallel_loop3A_305 = arith.constant 14 : i32
        %parallel_loop3A_306 = arith.index_cast %parallel_loop3A_305 : i32 to index
        %parallel_loop3A_307 = arith.index_cast %parallel_loop3A_304 : i32 to index
        %parallel_loop3A_308 = tpu.vector_load %arg8[%parallel_loop3A_306, %parallel_loop3A_307] {strides = array<i32>} : memref<64x128xf32, #tpu.memory_space<vmem>>, vector<16xf32>,
        tpu.vector_store %arg8[%parallel_loop3A_306, %parallel_loop3A_307], %parallel_loop3A_215 {strides = array<i32>} : memref<64x128xf32, #tpu.memory_space<vmem>>, vector<16xf32>,
        %parallel_loop3A_309 = arith.constant 16 : i32
        %parallel_loop3A_310 = arith.muli %parallel_loop3A_166, %parallel_loop3A_309 : i32
        %parallel_loop3A_311 = arith.constant 15 : i32
        %parallel_loop3A_312 = arith.index_cast %parallel_loop3A_311 : i32 to index
        %parallel_loop3A_313 = arith.index_cast %parallel_loop3A_310 : i32 to index
        %parallel_loop3A_314 = tpu.vector_load %arg8[%parallel_loop3A_312, %parallel_loop3A_313] {strides = array<i32>} : memref<64x128xf32, #tpu.memory_space<vmem>>, vector<16xf32>,
        tpu.vector_store %arg8[%parallel_loop3A_312, %parallel_loop3A_313], %parallel_loop3A_218 {strides = array<i32>} : memref<64x128xf32, #tpu.memory_space<vmem>>, vector<16xf32>,
        %parallel_loop3A_315 = arith.constant 16 : i32
        %parallel_loop3A_316 = vector.broadcast %parallel_loop3A_315 : i32 to vector<16xi32>
        %parallel_loop3A_317 = tpu.vector_load_idx %arg6[%parallel_loop3A_170, %parallel_loop3A_316] : memref<128x128xf32, #tpu.memory_space<vmem>>[vector<16xi32>, vector<16xi32>], vector<16xf32>,
        %parallel_loop3A_318 = arith.constant 17 : i32
        %parallel_loop3A_319 = vector.broadcast %parallel_loop3A_318 : i32 to vector<16xi32>
        %parallel_loop3A_320 = tpu.vector_load_idx %arg6[%parallel_loop3A_170, %parallel_loop3A_319] : memref<128x128xf32, #tpu.memory_space<vmem>>[vector<16xi32>, vector<16xi32>], vector<16xf32>,
        %parallel_loop3A_321 = arith.constant 18 : i32
        %parallel_loop3A_322 = vector.broadcast %parallel_loop3A_321 : i32 to vector<16xi32>
        %parallel_loop3A_323 = tpu.vector_load_idx %arg6[%parallel_loop3A_170, %parallel_loop3A_322] : memref<128x128xf32, #tpu.memory_space<vmem>>[vector<16xi32>, vector<16xi32>], vector<16xf32>,
        %parallel_loop3A_324 = arith.constant 19 : i32
        %parallel_loop3A_325 = vector.broadcast %parallel_loop3A_324 : i32 to vector<16xi32>
        %parallel_loop3A_326 = tpu.vector_load_idx %arg6[%parallel_loop3A_170, %parallel_loop3A_325] : memref<128x128xf32, #tpu.memory_space<vmem>>[vector<16xi32>, vector<16xi32>], vector<16xf32>,
        %parallel_loop3A_327 = arith.constant 20 : i32
        %parallel_loop3A_328 = vector.broadcast %parallel_loop3A_327 : i32 to vector<16xi32>
        %parallel_loop3A_329 = tpu.vector_load_idx %arg6[%parallel_loop3A_170, %parallel_loop3A_328] : memref<128x128xf32, #tpu.memory_space<vmem>>[vector<16xi32>, vector<16xi32>], vector<16xf32>,
        %parallel_loop3A_330 = arith.constant 21 : i32
        %parallel_loop3A_331 = vector.broadcast %parallel_loop3A_330 : i32 to vector<16xi32>
        %parallel_loop3A_332 = tpu.vector_load_idx %arg6[%parallel_loop3A_170, %parallel_loop3A_331] : memref<128x128xf32, #tpu.memory_space<vmem>>[vector<16xi32>, vector<16xi32>], vector<16xf32>,
        %parallel_loop3A_333 = arith.constant 22 : i32
        %parallel_loop3A_334 = vector.broadcast %parallel_loop3A_333 : i32 to vector<16xi32>
        %parallel_loop3A_335 = tpu.vector_load_idx %arg6[%parallel_loop3A_170, %parallel_loop3A_334] : memref<128x128xf32, #tpu.memory_space<vmem>>[vector<16xi32>, vector<16xi32>], vector<16xf32>,
        %parallel_loop3A_336 = arith.constant 23 : i32
        %parallel_loop3A_337 = vector.broadcast %parallel_loop3A_336 : i32 to vector<16xi32>
        %parallel_loop3A_338 = tpu.vector_load_idx %arg6[%parallel_loop3A_170, %parallel_loop3A_337] : memref<128x128xf32, #tpu.memory_space<vmem>>[vector<16xi32>, vector<16xi32>], vector<16xf32>,
        %parallel_loop3A_339 = arith.constant 24 : i32
        %parallel_loop3A_340 = vector.broadcast %parallel_loop3A_339 : i32 to vector<16xi32>
        %parallel_loop3A_341 = tpu.vector_load_idx %arg6[%parallel_loop3A_170, %parallel_loop3A_340] : memref<128x128xf32, #tpu.memory_space<vmem>>[vector<16xi32>, vector<16xi32>], vector<16xf32>,
        %parallel_loop3A_342 = arith.constant 25 : i32
        %parallel_loop3A_343 = vector.broadcast %parallel_loop3A_342 : i32 to vector<16xi32>
        %parallel_loop3A_344 = tpu.vector_load_idx %arg6[%parallel_loop3A_170, %parallel_loop3A_343] : memref<128x128xf32, #tpu.memory_space<vmem>>[vector<16xi32>, vector<16xi32>], vector<16xf32>,
        %parallel_loop3A_345 = arith.constant 26 : i32
        %parallel_loop3A_346 = vector.broadcast %parallel_loop3A_345 : i32 to vector<16xi32>
        %parallel_loop3A_347 = tpu.vector_load_idx %arg6[%parallel_loop3A_170, %parallel_loop3A_346] : memref<128x128xf32, #tpu.memory_space<vmem>>[vector<16xi32>, vector<16xi32>], vector<16xf32>,
        %parallel_loop3A_348 = arith.constant 27 : i32
        %parallel_loop3A_349 = vector.broadcast %parallel_loop3A_348 : i32 to vector<16xi32>
        %parallel_loop3A_350 = tpu.vector_load_idx %arg6[%parallel_loop3A_170, %parallel_loop3A_349] : memref<128x128xf32, #tpu.memory_space<vmem>>[vector<16xi32>, vector<16xi32>], vector<16xf32>,
        %parallel_loop3A_351 = arith.constant 28 : i32
        %parallel_loop3A_352 = vector.broadcast %parallel_loop3A_351 : i32 to vector<16xi32>
        %parallel_loop3A_353 = tpu.vector_load_idx %arg6[%parallel_loop3A_170, %parallel_loop3A_352] : memref<128x128xf32, #tpu.memory_space<vmem>>[vector<16xi32>, vector<16xi32>], vector<16xf32>,
        %parallel_loop3A_354 = arith.constant 29 : i32
        %parallel_loop3A_355 = vector.broadcast %parallel_loop3A_354 : i32 to vector<16xi32>
        %parallel_loop3A_356 = tpu.vector_load_idx %arg6[%parallel_loop3A_170, %parallel_loop3A_355] : memref<128x128xf32, #tpu.memory_space<vmem>>[vector<16xi32>, vector<16xi32>], vector<16xf32>,
        %parallel_loop3A_357 = arith.constant 30 : i32
        %parallel_loop3A_358 = vector.broadcast %parallel_loop3A_357 : i32 to vector<16xi32>
        %parallel_loop3A_359 = tpu.vector_load_idx %arg6[%parallel_loop3A_170, %parallel_loop3A_358] : memref<128x128xf32, #tpu.memory_space<vmem>>[vector<16xi32>, vector<16xi32>], vector<16xf32>,
        %parallel_loop3A_360 = arith.constant 31 : i32
        %parallel_loop3A_361 = vector.broadcast %parallel_loop3A_360 : i32 to vector<16xi32>
        %parallel_loop3A_362 = tpu.vector_load_idx %arg6[%parallel_loop3A_170, %parallel_loop3A_361] : memref<128x128xf32, #tpu.memory_space<vmem>>[vector<16xi32>, vector<16xi32>], vector<16xf32>,
        %parallel_loop3A_363 = arith.constant 16 : i32
        %parallel_loop3A_364 = arith.muli %parallel_loop3A_166, %parallel_loop3A_363 : i32
        %parallel_loop3A_365 = arith.constant 16 : i32
        %parallel_loop3A_366 = arith.index_cast %parallel_loop3A_365 : i32 to index
        %parallel_loop3A_367 = arith.index_cast %parallel_loop3A_364 : i32 to index
        %parallel_loop3A_368 = tpu.vector_load %arg8[%parallel_loop3A_366, %parallel_loop3A_367] {strides = array<i32>} : memref<64x128xf32, #tpu.memory_space<vmem>>, vector<16xf32>,
        tpu.vector_store %arg8[%parallel_loop3A_366, %parallel_loop3A_367], %parallel_loop3A_317 {strides = array<i32>} : memref<64x128xf32, #tpu.memory_space<vmem>>, vector<16xf32>,
        %parallel_loop3A_369 = arith.constant 16 : i32
        %parallel_loop3A_370 = arith.muli %parallel_loop3A_166, %parallel_loop3A_369 : i32
        %parallel_loop3A_371 = arith.constant 17 : i32
        %parallel_loop3A_372 = arith.index_cast %parallel_loop3A_371 : i32 to index
        %parallel_loop3A_373 = arith.index_cast %parallel_loop3A_370 : i32 to index
        %parallel_loop3A_374 = tpu.vector_load %arg8[%parallel_loop3A_372, %parallel_loop3A_373] {strides = array<i32>} : memref<64x128xf32, #tpu.memory_space<vmem>>, vector<16xf32>,
        tpu.vector_store %arg8[%parallel_loop3A_372, %parallel_loop3A_373], %parallel_loop3A_320 {strides = array<i32>} : memref<64x128xf32, #tpu.memory_space<vmem>>, vector<16xf32>,
        %parallel_loop3A_375 = arith.constant 16 : i32
        %parallel_loop3A_376 = arith.muli %parallel_loop3A_166, %parallel_loop3A_375 : i32
        %parallel_loop3A_377 = arith.constant 18 : i32
        %parallel_loop3A_378 = arith.index_cast %parallel_loop3A_377 : i32 to index
        %parallel_loop3A_379 = arith.index_cast %parallel_loop3A_376 : i32 to index
        %parallel_loop3A_380 = tpu.vector_load %arg8[%parallel_loop3A_378, %parallel_loop3A_379] {strides = array<i32>} : memref<64x128xf32, #tpu.memory_space<vmem>>, vector<16xf32>,
        tpu.vector_store %arg8[%parallel_loop3A_378, %parallel_loop3A_379], %parallel_loop3A_323 {strides = array<i32>} : memref<64x128xf32, #tpu.memory_space<vmem>>, vector<16xf32>,
        %parallel_loop3A_381 = arith.constant 16 : i32
        %parallel_loop3A_382 = arith.muli %parallel_loop3A_166, %parallel_loop3A_381 : i32
        %parallel_loop3A_383 = arith.constant 19 : i32
        %parallel_loop3A_384 = arith.index_cast %parallel_loop3A_383 : i32 to index
        %parallel_loop3A_385 = arith.index_cast %parallel_loop3A_382 : i32 to index
        %parallel_loop3A_386 = tpu.vector_load %arg8[%parallel_loop3A_384, %parallel_loop3A_385] {strides = array<i32>} : memref<64x128xf32, #tpu.memory_space<vmem>>, vector<16xf32>,
        tpu.vector_store %arg8[%parallel_loop3A_384, %parallel_loop3A_385], %parallel_loop3A_326 {strides = array<i32>} : memref<64x128xf32, #tpu.memory_space<vmem>>, vector<16xf32>,
        %parallel_loop3A_387 = arith.constant 16 : i32
        %parallel_loop3A_388 = arith.muli %parallel_loop3A_166, %parallel_loop3A_387 : i32
        %parallel_loop3A_389 = arith.constant 20 : i32
        %parallel_loop3A_390 = arith.index_cast %parallel_loop3A_389 : i32 to index
        %parallel_loop3A_391 = arith.index_cast %parallel_loop3A_388 : i32 to index
        %parallel_loop3A_392 = tpu.vector_load %arg8[%parallel_loop3A_390, %parallel_loop3A_391] {strides = array<i32>} : memref<64x128xf32, #tpu.memory_space<vmem>>, vector<16xf32>,
        tpu.vector_store %arg8[%parallel_loop3A_390, %parallel_loop3A_391], %parallel_loop3A_329 {strides = array<i32>} : memref<64x128xf32, #tpu.memory_space<vmem>>, vector<16xf32>,
        %parallel_loop3A_393 = arith.constant 16 : i32
        %parallel_loop3A_394 = arith.muli %parallel_loop3A_166, %parallel_loop3A_393 : i32
        %parallel_loop3A_395 = arith.constant 21 : i32
        %parallel_loop3A_396 = arith.index_cast %parallel_loop3A_395 : i32 to index
        %parallel_loop3A_397 = arith.index_cast %parallel_loop3A_394 : i32 to index
        %parallel_loop3A_398 = tpu.vector_load %arg8[%parallel_loop3A_396, %parallel_loop3A_397] {strides = array<i32>} : memref<64x128xf32, #tpu.memory_space<vmem>>, vector<16xf32>,
        tpu.vector_store %arg8[%parallel_loop3A_396, %parallel_loop3A_397], %parallel_loop3A_332 {strides = array<i32>} : memref<64x128xf32, #tpu.memory_space<vmem>>, vector<16xf32>,
        %parallel_loop3A_399 = arith.constant 16 : i32
        %parallel_loop3A_400 = arith.muli %parallel_loop3A_166, %parallel_loop3A_399 : i32
        %parallel_loop3A_401 = arith.constant 22 : i32
        %parallel_loop3A_402 = arith.index_cast %parallel_loop3A_401 : i32 to index
        %parallel_loop3A_403 = arith.index_cast %parallel_loop3A_400 : i32 to index
        %parallel_loop3A_404 = tpu.vector_load %arg8[%parallel_loop3A_402, %parallel_loop3A_403] {strides = array<i32>} : memref<64x128xf32, #tpu.memory_space<vmem>>, vector<16xf32>,
        tpu.vector_store %arg8[%parallel_loop3A_402, %parallel_loop3A_403], %parallel_loop3A_335 {strides = array<i32>} : memref<64x128xf32, #tpu.memory_space<vmem>>, vector<16xf32>,
        %parallel_loop3A_405 = arith.constant 16 : i32
        %parallel_loop3A_406 = arith.muli %parallel_loop3A_166, %parallel_loop3A_405 : i32
        %parallel_loop3A_407 = arith.constant 23 : i32
        %parallel_loop3A_408 = arith.index_cast %parallel_loop3A_407 : i32 to index
        %parallel_loop3A_409 = arith.index_cast %parallel_loop3A_406 : i32 to index
        %parallel_loop3A_410 = tpu.vector_load %arg8[%parallel_loop3A_408, %parallel_loop3A_409] {strides = array<i32>} : memref<64x128xf32, #tpu.memory_space<vmem>>, vector<16xf32>,
        tpu.vector_store %arg8[%parallel_loop3A_408, %parallel_loop3A_409], %parallel_loop3A_338 {strides = array<i32>} : memref<64x128xf32, #tpu.memory_space<vmem>>, vector<16xf32>,
        %parallel_loop3A_411 = arith.constant 16 : i32
        %parallel_loop3A_412 = arith.muli %parallel_loop3A_166, %parallel_loop3A_411 : i32
        %parallel_loop3A_413 = arith.constant 24 : i32
        %parallel_loop3A_414 = arith.index_cast %parallel_loop3A_413 : i32 to index
        %parallel_loop3A_415 = arith.index_cast %parallel_loop3A_412 : i32 to index
        %parallel_loop3A_416 = tpu.vector_load %arg8[%parallel_loop3A_414, %parallel_loop3A_415] {strides = array<i32>} : memref<64x128xf32, #tpu.memory_space<vmem>>, vector<16xf32>,
        tpu.vector_store %arg8[%parallel_loop3A_414, %parallel_loop3A_415], %parallel_loop3A_341 {strides = array<i32>} : memref<64x128xf32, #tpu.memory_space<vmem>>, vector<16xf32>,
        %parallel_loop3A_417 = arith.constant 16 : i32
        %parallel_loop3A_418 = arith.muli %parallel_loop3A_166, %parallel_loop3A_417 : i32
        %parallel_loop3A_419 = arith.constant 25 : i32
        %parallel_loop3A_420 = arith.index_cast %parallel_loop3A_419 : i32 to index
        %parallel_loop3A_421 = arith.index_cast %parallel_loop3A_418 : i32 to index
        %parallel_loop3A_422 = tpu.vector_load %arg8[%parallel_loop3A_420, %parallel_loop3A_421] {strides = array<i32>} : memref<64x128xf32, #tpu.memory_space<vmem>>, vector<16xf32>,
        tpu.vector_store %arg8[%parallel_loop3A_420, %parallel_loop3A_421], %parallel_loop3A_344 {strides = array<i32>} : memref<64x128xf32, #tpu.memory_space<vmem>>, vector<16xf32>,
        %parallel_loop3A_423 = arith.constant 16 : i32
        %parallel_loop3A_424 = arith.muli %parallel_loop3A_166, %parallel_loop3A_423 : i32
        %parallel_loop3A_425 = arith.constant 26 : i32
        %parallel_loop3A_426 = arith.index_cast %parallel_loop3A_425 : i32 to index
        %parallel_loop3A_427 = arith.index_cast %parallel_loop3A_424 : i32 to index
        %parallel_loop3A_428 = tpu.vector_load %arg8[%parallel_loop3A_426, %parallel_loop3A_427] {strides = array<i32>} : memref<64x128xf32, #tpu.memory_space<vmem>>, vector<16xf32>,
        tpu.vector_store %arg8[%parallel_loop3A_426, %parallel_loop3A_427], %parallel_loop3A_347 {strides = array<i32>} : memref<64x128xf32, #tpu.memory_space<vmem>>, vector<16xf32>,
        %parallel_loop3A_429 = arith.constant 16 : i32
        %parallel_loop3A_430 = arith.muli %parallel_loop3A_166, %parallel_loop3A_429 : i32
        %parallel_loop3A_431 = arith.constant 27 : i32
        %parallel_loop3A_432 = arith.index_cast %parallel_loop3A_431 : i32 to index
        %parallel_loop3A_433 = arith.index_cast %parallel_loop3A_430 : i32 to index
        %parallel_loop3A_434 = tpu.vector_load %arg8[%parallel_loop3A_432, %parallel_loop3A_433] {strides = array<i32>} : memref<64x128xf32, #tpu.memory_space<vmem>>, vector<16xf32>,
        tpu.vector_store %arg8[%parallel_loop3A_432, %parallel_loop3A_433], %parallel_loop3A_350 {strides = array<i32>} : memref<64x128xf32, #tpu.memory_space<vmem>>, vector<16xf32>,
        %parallel_loop3A_435 = arith.constant 16 : i32
        %parallel_loop3A_436 = arith.muli %parallel_loop3A_166, %parallel_loop3A_435 : i32
        %parallel_loop3A_437 = arith.constant 28 : i32
        %parallel_loop3A_438 = arith.index_cast %parallel_loop3A_437 : i32 to index
        %parallel_loop3A_439 = arith.index_cast %parallel_loop3A_436 : i32 to index
        %parallel_loop3A_440 = tpu.vector_load %arg8[%parallel_loop3A_438, %parallel_loop3A_439] {strides = array<i32>} : memref<64x128xf32, #tpu.memory_space<vmem>>, vector<16xf32>,
        tpu.vector_store %arg8[%parallel_loop3A_438, %parallel_loop3A_439], %parallel_loop3A_353 {strides = array<i32>} : memref<64x128xf32, #tpu.memory_space<vmem>>, vector<16xf32>,
        %parallel_loop3A_441 = arith.constant 16 : i32
        %parallel_loop3A_442 = arith.muli %parallel_loop3A_166, %parallel_loop3A_441 : i32
        %parallel_loop3A_443 = arith.constant 29 : i32
        %parallel_loop3A_444 = arith.index_cast %parallel_loop3A_443 : i32 to index
        %parallel_loop3A_445 = arith.index_cast %parallel_loop3A_442 : i32 to index
        %parallel_loop3A_446 = tpu.vector_load %arg8[%parallel_loop3A_444, %parallel_loop3A_445] {strides = array<i32>} : memref<64x128xf32, #tpu.memory_space<vmem>>, vector<16xf32>,
        tpu.vector_store %arg8[%parallel_loop3A_444, %parallel_loop3A_445], %parallel_loop3A_356 {strides = array<i32>} : memref<64x128xf32, #tpu.memory_space<vmem>>, vector<16xf32>,
        %parallel_loop3A_447 = arith.constant 16 : i32
        %parallel_loop3A_448 = arith.muli %parallel_loop3A_166, %parallel_loop3A_447 : i32
        %parallel_loop3A_449 = arith.constant 30 : i32
        %parallel_loop3A_450 = arith.index_cast %parallel_loop3A_449 : i32 to index
        %parallel_loop3A_451 = arith.index_cast %parallel_loop3A_448 : i32 to index
        %parallel_loop3A_452 = tpu.vector_load %arg8[%parallel_loop3A_450, %parallel_loop3A_451] {strides = array<i32>} : memref<64x128xf32, #tpu.memory_space<vmem>>, vector<16xf32>,
        tpu.vector_store %arg8[%parallel_loop3A_450, %parallel_loop3A_451], %parallel_loop3A_359 {strides = array<i32>} : memref<64x128xf32, #tpu.memory_space<vmem>>, vector<16xf32>,
        %parallel_loop3A_453 = arith.constant 16 : i32
        %parallel_loop3A_454 = arith.muli %parallel_loop3A_166, %parallel_loop3A_453 : i32
        %parallel_loop3A_455 = arith.constant 31 : i32
        %parallel_loop3A_456 = arith.index_cast %parallel_loop3A_455 : i32 to index
        %parallel_loop3A_457 = arith.index_cast %parallel_loop3A_454 : i32 to index
        %parallel_loop3A_458 = tpu.vector_load %arg8[%parallel_loop3A_456, %parallel_loop3A_457] {strides = array<i32>} : memref<64x128xf32, #tpu.memory_space<vmem>>, vector<16xf32>,
        tpu.vector_store %arg8[%parallel_loop3A_456, %parallel_loop3A_457], %parallel_loop3A_362 {strides = array<i32>} : memref<64x128xf32, #tpu.memory_space<vmem>>, vector<16xf32>,
        %parallel_loop3A_459 = arith.constant 32 : i32
        %parallel_loop3A_460 = vector.broadcast %parallel_loop3A_459 : i32 to vector<16xi32>
        %parallel_loop3A_461 = tpu.vector_load_idx %arg6[%parallel_loop3A_170, %parallel_loop3A_460] : memref<128x128xf32, #tpu.memory_space<vmem>>[vector<16xi32>, vector<16xi32>], vector<16xf32>,
        %parallel_loop3A_462 = arith.constant 33 : i32
        %parallel_loop3A_463 = vector.broadcast %parallel_loop3A_462 : i32 to vector<16xi32>
        %parallel_loop3A_464 = tpu.vector_load_idx %arg6[%parallel_loop3A_170, %parallel_loop3A_463] : memref<128x128xf32, #tpu.memory_space<vmem>>[vector<16xi32>, vector<16xi32>], vector<16xf32>,
        %parallel_loop3A_465 = arith.constant 34 : i32
        %parallel_loop3A_466 = vector.broadcast %parallel_loop3A_465 : i32 to vector<16xi32>
        %parallel_loop3A_467 = tpu.vector_load_idx %arg6[%parallel_loop3A_170, %parallel_loop3A_466] : memref<128x128xf32, #tpu.memory_space<vmem>>[vector<16xi32>, vector<16xi32>], vector<16xf32>,
        %parallel_loop3A_468 = arith.constant 35 : i32
        %parallel_loop3A_469 = vector.broadcast %parallel_loop3A_468 : i32 to vector<16xi32>
        %parallel_loop3A_470 = tpu.vector_load_idx %arg6[%parallel_loop3A_170, %parallel_loop3A_469] : memref<128x128xf32, #tpu.memory_space<vmem>>[vector<16xi32>, vector<16xi32>], vector<16xf32>,
        %parallel_loop3A_471 = arith.constant 36 : i32
        %parallel_loop3A_472 = vector.broadcast %parallel_loop3A_471 : i32 to vector<16xi32>
        %parallel_loop3A_473 = tpu.vector_load_idx %arg6[%parallel_loop3A_170, %parallel_loop3A_472] : memref<128x128xf32, #tpu.memory_space<vmem>>[vector<16xi32>, vector<16xi32>], vector<16xf32>,
        %parallel_loop3A_474 = arith.constant 37 : i32
        %parallel_loop3A_475 = vector.broadcast %parallel_loop3A_474 : i32 to vector<16xi32>
        %parallel_loop3A_476 = tpu.vector_load_idx %arg6[%parallel_loop3A_170, %parallel_loop3A_475] : memref<128x128xf32, #tpu.memory_space<vmem>>[vector<16xi32>, vector<16xi32>], vector<16xf32>,
        %parallel_loop3A_477 = arith.constant 38 : i32
        %parallel_loop3A_478 = vector.broadcast %parallel_loop3A_477 : i32 to vector<16xi32>
        %parallel_loop3A_479 = tpu.vector_load_idx %arg6[%parallel_loop3A_170, %parallel_loop3A_478] : memref<128x128xf32, #tpu.memory_space<vmem>>[vector<16xi32>, vector<16xi32>], vector<16xf32>,
        %parallel_loop3A_480 = arith.constant 39 : i32
        %parallel_loop3A_481 = vector.broadcast %parallel_loop3A_480 : i32 to vector<16xi32>
        %parallel_loop3A_482 = tpu.vector_load_idx %arg6[%parallel_loop3A_170, %parallel_loop3A_481] : memref<128x128xf32, #tpu.memory_space<vmem>>[vector<16xi32>, vector<16xi32>], vector<16xf32>,
        %parallel_loop3A_483 = arith.constant 40 : i32
        %parallel_loop3A_484 = vector.broadcast %parallel_loop3A_483 : i32 to vector<16xi32>
        %parallel_loop3A_485 = tpu.vector_load_idx %arg6[%parallel_loop3A_170, %parallel_loop3A_484] : memref<128x128xf32, #tpu.memory_space<vmem>>[vector<16xi32>, vector<16xi32>], vector<16xf32>,
        %parallel_loop3A_486 = arith.constant 41 : i32
        %parallel_loop3A_487 = vector.broadcast %parallel_loop3A_486 : i32 to vector<16xi32>
        %parallel_loop3A_488 = tpu.vector_load_idx %arg6[%parallel_loop3A_170, %parallel_loop3A_487] : memref<128x128xf32, #tpu.memory_space<vmem>>[vector<16xi32>, vector<16xi32>], vector<16xf32>,
        %parallel_loop3A_489 = arith.constant 42 : i32
        %parallel_loop3A_490 = vector.broadcast %parallel_loop3A_489 : i32 to vector<16xi32>
        %parallel_loop3A_491 = tpu.vector_load_idx %arg6[%parallel_loop3A_170, %parallel_loop3A_490] : memref<128x128xf32, #tpu.memory_space<vmem>>[vector<16xi32>, vector<16xi32>], vector<16xf32>,
        %parallel_loop3A_492 = arith.constant 43 : i32
        %parallel_loop3A_493 = vector.broadcast %parallel_loop3A_492 : i32 to vector<16xi32>
        %parallel_loop3A_494 = tpu.vector_load_idx %arg6[%parallel_loop3A_170, %parallel_loop3A_493] : memref<128x128xf32, #tpu.memory_space<vmem>>[vector<16xi32>, vector<16xi32>], vector<16xf32>,
        %parallel_loop3A_495 = arith.constant 44 : i32
        %parallel_loop3A_496 = vector.broadcast %parallel_loop3A_495 : i32 to vector<16xi32>
        %parallel_loop3A_497 = tpu.vector_load_idx %arg6[%parallel_loop3A_170, %parallel_loop3A_496] : memref<128x128xf32, #tpu.memory_space<vmem>>[vector<16xi32>, vector<16xi32>], vector<16xf32>,
        %parallel_loop3A_498 = arith.constant 45 : i32
        %parallel_loop3A_499 = vector.broadcast %parallel_loop3A_498 : i32 to vector<16xi32>
        %parallel_loop3A_500 = tpu.vector_load_idx %arg6[%parallel_loop3A_170, %parallel_loop3A_499] : memref<128x128xf32, #tpu.memory_space<vmem>>[vector<16xi32>, vector<16xi32>], vector<16xf32>,
        %parallel_loop3A_501 = arith.constant 46 : i32
        %parallel_loop3A_502 = vector.broadcast %parallel_loop3A_501 : i32 to vector<16xi32>
        %parallel_loop3A_503 = tpu.vector_load_idx %arg6[%parallel_loop3A_170, %parallel_loop3A_502] : memref<128x128xf32, #tpu.memory_space<vmem>>[vector<16xi32>, vector<16xi32>], vector<16xf32>,
        %parallel_loop3A_504 = arith.constant 47 : i32
        %parallel_loop3A_505 = vector.broadcast %parallel_loop3A_504 : i32 to vector<16xi32>
        %parallel_loop3A_506 = tpu.vector_load_idx %arg6[%parallel_loop3A_170, %parallel_loop3A_505] : memref<128x128xf32, #tpu.memory_space<vmem>>[vector<16xi32>, vector<16xi32>], vector<16xf32>,
        %parallel_loop3A_507 = arith.constant 16 : i32
        %parallel_loop3A_508 = arith.muli %parallel_loop3A_166, %parallel_loop3A_507 : i32
        %parallel_loop3A_509 = arith.constant 32 : i32
        %parallel_loop3A_510 = arith.index_cast %parallel_loop3A_509 : i32 to index
        %parallel_loop3A_511 = arith.index_cast %parallel_loop3A_508 : i32 to index
        %parallel_loop3A_512 = tpu.vector_load %arg8[%parallel_loop3A_510, %parallel_loop3A_511] {strides = array<i32>} : memref<64x128xf32, #tpu.memory_space<vmem>>, vector<16xf32>,
        tpu.vector_store %arg8[%parallel_loop3A_510, %parallel_loop3A_511], %parallel_loop3A_461 {strides = array<i32>} : memref<64x128xf32, #tpu.memory_space<vmem>>, vector<16xf32>,
        %parallel_loop3A_513 = arith.constant 16 : i32
        %parallel_loop3A_514 = arith.muli %parallel_loop3A_166, %parallel_loop3A_513 : i32
        %parallel_loop3A_515 = arith.constant 33 : i32
        %parallel_loop3A_516 = arith.index_cast %parallel_loop3A_515 : i32 to index
        %parallel_loop3A_517 = arith.index_cast %parallel_loop3A_514 : i32 to index
        %parallel_loop3A_518 = tpu.vector_load %arg8[%parallel_loop3A_516, %parallel_loop3A_517] {strides = array<i32>} : memref<64x128xf32, #tpu.memory_space<vmem>>, vector<16xf32>,
        tpu.vector_store %arg8[%parallel_loop3A_516, %parallel_loop3A_517], %parallel_loop3A_464 {strides = array<i32>} : memref<64x128xf32, #tpu.memory_space<vmem>>, vector<16xf32>,
        %parallel_loop3A_519 = arith.constant 16 : i32
        %parallel_loop3A_520 = arith.muli %parallel_loop3A_166, %parallel_loop3A_519 : i32
        %parallel_loop3A_521 = arith.constant 34 : i32
        %parallel_loop3A_522 = arith.index_cast %parallel_loop3A_521 : i32 to index
        %parallel_loop3A_523 = arith.index_cast %parallel_loop3A_520 : i32 to index
        %parallel_loop3A_524 = tpu.vector_load %arg8[%parallel_loop3A_522, %parallel_loop3A_523] {strides = array<i32>} : memref<64x128xf32, #tpu.memory_space<vmem>>, vector<16xf32>,
        tpu.vector_store %arg8[%parallel_loop3A_522, %parallel_loop3A_523], %parallel_loop3A_467 {strides = array<i32>} : memref<64x128xf32, #tpu.memory_space<vmem>>, vector<16xf32>,
        %parallel_loop3A_525 = arith.constant 16 : i32
        %parallel_loop3A_526 = arith.muli %parallel_loop3A_166, %parallel_loop3A_525 : i32
        %parallel_loop3A_527 = arith.constant 35 : i32
        %parallel_loop3A_528 = arith.index_cast %parallel_loop3A_527 : i32 to index
        %parallel_loop3A_529 = arith.index_cast %parallel_loop3A_526 : i32 to index
        %parallel_loop3A_530 = tpu.vector_load %arg8[%parallel_loop3A_528, %parallel_loop3A_529] {strides = array<i32>} : memref<64x128xf32, #tpu.memory_space<vmem>>, vector<16xf32>,
        tpu.vector_store %arg8[%parallel_loop3A_528, %parallel_loop3A_529], %parallel_loop3A_470 {strides = array<i32>} : memref<64x128xf32, #tpu.memory_space<vmem>>, vector<16xf32>,
        %parallel_loop3A_531 = arith.constant 16 : i32
        %parallel_loop3A_532 = arith.muli %parallel_loop3A_166, %parallel_loop3A_531 : i32
        %parallel_loop3A_533 = arith.constant 36 : i32
        %parallel_loop3A_534 = arith.index_cast %parallel_loop3A_533 : i32 to index
        %parallel_loop3A_535 = arith.index_cast %parallel_loop3A_532 : i32 to index
        %parallel_loop3A_536 = tpu.vector_load %arg8[%parallel_loop3A_534, %parallel_loop3A_535] {strides = array<i32>} : memref<64x128xf32, #tpu.memory_space<vmem>>, vector<16xf32>,
        tpu.vector_store %arg8[%parallel_loop3A_534, %parallel_loop3A_535], %parallel_loop3A_473 {strides = array<i32>} : memref<64x128xf32, #tpu.memory_space<vmem>>, vector<16xf32>,
        %parallel_loop3A_537 = arith.constant 16 : i32
        %parallel_loop3A_538 = arith.muli %parallel_loop3A_166, %parallel_loop3A_537 : i32
        %parallel_loop3A_539 = arith.constant 37 : i32
        %parallel_loop3A_540 = arith.index_cast %parallel_loop3A_539 : i32 to index
        %parallel_loop3A_541 = arith.index_cast %parallel_loop3A_538 : i32 to index
        %parallel_loop3A_542 = tpu.vector_load %arg8[%parallel_loop3A_540, %parallel_loop3A_541] {strides = array<i32>} : memref<64x128xf32, #tpu.memory_space<vmem>>, vector<16xf32>,
        tpu.vector_store %arg8[%parallel_loop3A_540, %parallel_loop3A_541], %parallel_loop3A_476 {strides = array<i32>} : memref<64x128xf32, #tpu.memory_space<vmem>>, vector<16xf32>,
        %parallel_loop3A_543 = arith.constant 16 : i32
        %parallel_loop3A_544 = arith.muli %parallel_loop3A_166, %parallel_loop3A_543 : i32
        %parallel_loop3A_545 = arith.constant 38 : i32
        %parallel_loop3A_546 = arith.index_cast %parallel_loop3A_545 : i32 to index
        %parallel_loop3A_547 = arith.index_cast %parallel_loop3A_544 : i32 to index
        %parallel_loop3A_548 = tpu.vector_load %arg8[%parallel_loop3A_546, %parallel_loop3A_547] {strides = array<i32>} : memref<64x128xf32, #tpu.memory_space<vmem>>, vector<16xf32>,
        tpu.vector_store %arg8[%parallel_loop3A_546, %parallel_loop3A_547], %parallel_loop3A_479 {strides = array<i32>} : memref<64x128xf32, #tpu.memory_space<vmem>>, vector<16xf32>,
        %parallel_loop3A_549 = arith.constant 16 : i32
        %parallel_loop3A_550 = arith.muli %parallel_loop3A_166, %parallel_loop3A_549 : i32
        %parallel_loop3A_551 = arith.constant 39 : i32
        %parallel_loop3A_552 = arith.index_cast %parallel_loop3A_551 : i32 to index
        %parallel_loop3A_553 = arith.index_cast %parallel_loop3A_550 : i32 to index
        %parallel_loop3A_554 = tpu.vector_load %arg8[%parallel_loop3A_552, %parallel_loop3A_553] {strides = array<i32>} : memref<64x128xf32, #tpu.memory_space<vmem>>, vector<16xf32>,
        tpu.vector_store %arg8[%parallel_loop3A_552, %parallel_loop3A_553], %parallel_loop3A_482 {strides = array<i32>} : memref<64x128xf32, #tpu.memory_space<vmem>>, vector<16xf32>,
        %parallel_loop3A_555 = arith.constant 16 : i32
        %parallel_loop3A_556 = arith.muli %parallel_loop3A_166, %parallel_loop3A_555 : i32
        %parallel_loop3A_557 = arith.constant 40 : i32
        %parallel_loop3A_558 = arith.index_cast %parallel_loop3A_557 : i32 to index
        %parallel_loop3A_559 = arith.index_cast %parallel_loop3A_556 : i32 to index
        %parallel_loop3A_560 = tpu.vector_load %arg8[%parallel_loop3A_558, %parallel_loop3A_559] {strides = array<i32>} : memref<64x128xf32, #tpu.memory_space<vmem>>, vector<16xf32>,
        tpu.vector_store %arg8[%parallel_loop3A_558, %parallel_loop3A_559], %parallel_loop3A_485 {strides = array<i32>} : memref<64x128xf32, #tpu.memory_space<vmem>>, vector<16xf32>,
        %parallel_loop3A_561 = arith.constant 16 : i32
        %parallel_loop3A_562 = arith.muli %parallel_loop3A_166, %parallel_loop3A_561 : i32
        %parallel_loop3A_563 = arith.constant 41 : i32
        %parallel_loop3A_564 = arith.index_cast %parallel_loop3A_563 : i32 to index
        %parallel_loop3A_565 = arith.index_cast %parallel_loop3A_562 : i32 to index
        %parallel_loop3A_566 = tpu.vector_load %arg8[%parallel_loop3A_564, %parallel_loop3A_565] {strides = array<i32>} : memref<64x128xf32, #tpu.memory_space<vmem>>, vector<16xf32>,
        tpu.vector_store %arg8[%parallel_loop3A_564, %parallel_loop3A_565], %parallel_loop3A_488 {strides = array<i32>} : memref<64x128xf32, #tpu.memory_space<vmem>>, vector<16xf32>,
        %parallel_loop3A_567 = arith.constant 16 : i32
        %parallel_loop3A_568 = arith.muli %parallel_loop3A_166, %parallel_loop3A_567 : i32
        %parallel_loop3A_569 = arith.constant 42 : i32
        %parallel_loop3A_570 = arith.index_cast %parallel_loop3A_569 : i32 to index
        %parallel_loop3A_571 = arith.index_cast %parallel_loop3A_568 : i32 to index
        %parallel_loop3A_572 = tpu.vector_load %arg8[%parallel_loop3A_570, %parallel_loop3A_571] {strides = array<i32>} : memref<64x128xf32, #tpu.memory_space<vmem>>, vector<16xf32>,
        tpu.vector_store %arg8[%parallel_loop3A_570, %parallel_loop3A_571], %parallel_loop3A_491 {strides = array<i32>} : memref<64x128xf32, #tpu.memory_space<vmem>>, vector<16xf32>,
        %parallel_loop3A_573 = arith.constant 16 : i32
        %parallel_loop3A_574 = arith.muli %parallel_loop3A_166, %parallel_loop3A_573 : i32
        %parallel_loop3A_575 = arith.constant 43 : i32
        %parallel_loop3A_576 = arith.index_cast %parallel_loop3A_575 : i32 to index
        %parallel_loop3A_577 = arith.index_cast %parallel_loop3A_574 : i32 to index
        %parallel_loop3A_578 = tpu.vector_load %arg8[%parallel_loop3A_576, %parallel_loop3A_577] {strides = array<i32>} : memref<64x128xf32, #tpu.memory_space<vmem>>, vector<16xf32>,
        tpu.vector_store %arg8[%parallel_loop3A_576, %parallel_loop3A_577], %parallel_loop3A_494 {strides = array<i32>} : memref<64x128xf32, #tpu.memory_space<vmem>>, vector<16xf32>,
        %parallel_loop3A_579 = arith.constant 16 : i32
        %parallel_loop3A_580 = arith.muli %parallel_loop3A_166, %parallel_loop3A_579 : i32
        %parallel_loop3A_581 = arith.constant 44 : i32
        %parallel_loop3A_582 = arith.index_cast %parallel_loop3A_581 : i32 to index
        %parallel_loop3A_583 = arith.index_cast %parallel_loop3A_580 : i32 to index
        %parallel_loop3A_584 = tpu.vector_load %arg8[%parallel_loop3A_582, %parallel_loop3A_583] {strides = array<i32>} : memref<64x128xf32, #tpu.memory_space<vmem>>, vector<16xf32>,
        tpu.vector_store %arg8[%parallel_loop3A_582, %parallel_loop3A_583], %parallel_loop3A_497 {strides = array<i32>} : memref<64x128xf32, #tpu.memory_space<vmem>>, vector<16xf32>,
        %parallel_loop3A_585 = arith.constant 16 : i32
        %parallel_loop3A_586 = arith.muli %parallel_loop3A_166, %parallel_loop3A_585 : i32
        %parallel_loop3A_587 = arith.constant 45 : i32
        %parallel_loop3A_588 = arith.index_cast %parallel_loop3A_587 : i32 to index
        %parallel_loop3A_589 = arith.index_cast %parallel_loop3A_586 : i32 to index
        %parallel_loop3A_590 = tpu.vector_load %arg8[%parallel_loop3A_588, %parallel_loop3A_589] {strides = array<i32>} : memref<64x128xf32, #tpu.memory_space<vmem>>, vector<16xf32>,
        tpu.vector_store %arg8[%parallel_loop3A_588, %parallel_loop3A_589], %parallel_loop3A_500 {strides = array<i32>} : memref<64x128xf32, #tpu.memory_space<vmem>>, vector<16xf32>,
        %parallel_loop3A_591 = arith.constant 16 : i32
        %parallel_loop3A_592 = arith.muli %parallel_loop3A_166, %parallel_loop3A_591 : i32
        %parallel_loop3A_593 = arith.constant 46 : i32
        %parallel_loop3A_594 = arith.index_cast %parallel_loop3A_593 : i32 to index
        %parallel_loop3A_595 = arith.index_cast %parallel_loop3A_592 : i32 to index
        %parallel_loop3A_596 = tpu.vector_load %arg8[%parallel_loop3A_594, %parallel_loop3A_595] {strides = array<i32>} : memref<64x128xf32, #tpu.memory_space<vmem>>, vector<16xf32>,
        tpu.vector_store %arg8[%parallel_loop3A_594, %parallel_loop3A_595], %parallel_loop3A_503 {strides = array<i32>} : memref<64x128xf32, #tpu.memory_space<vmem>>, vector<16xf32>,
        %parallel_loop3A_597 = arith.constant 16 : i32
        %parallel_loop3A_598 = arith.muli %parallel_loop3A_166, %parallel_loop3A_597 : i32
        %parallel_loop3A_599 = arith.constant 47 : i32
        %parallel_loop3A_600 = arith.index_cast %parallel_loop3A_599 : i32 to index
        %parallel_loop3A_601 = arith.index_cast %parallel_loop3A_598 : i32 to index
        %parallel_loop3A_602 = tpu.vector_load %arg8[%parallel_loop3A_600, %parallel_loop3A_601] {strides = array<i32>} : memref<64x128xf32, #tpu.memory_space<vmem>>, vector<16xf32>,
        tpu.vector_store %arg8[%parallel_loop3A_600, %parallel_loop3A_601], %parallel_loop3A_506 {strides = array<i32>} : memref<64x128xf32, #tpu.memory_space<vmem>>, vector<16xf32>,
        %parallel_loop3A_603 = arith.constant 48 : i32
        %parallel_loop3A_604 = vector.broadcast %parallel_loop3A_603 : i32 to vector<16xi32>
        %parallel_loop3A_605 = tpu.vector_load_idx %arg6[%parallel_loop3A_170, %parallel_loop3A_604] : memref<128x128xf32, #tpu.memory_space<vmem>>[vector<16xi32>, vector<16xi32>], vector<16xf32>,
        %parallel_loop3A_606 = arith.constant 49 : i32
        %parallel_loop3A_607 = vector.broadcast %parallel_loop3A_606 : i32 to vector<16xi32>
        %parallel_loop3A_608 = tpu.vector_load_idx %arg6[%parallel_loop3A_170, %parallel_loop3A_607] : memref<128x128xf32, #tpu.memory_space<vmem>>[vector<16xi32>, vector<16xi32>], vector<16xf32>,
        %parallel_loop3A_609 = arith.constant 50 : i32
        %parallel_loop3A_610 = vector.broadcast %parallel_loop3A_609 : i32 to vector<16xi32>
        %parallel_loop3A_611 = tpu.vector_load_idx %arg6[%parallel_loop3A_170, %parallel_loop3A_610] : memref<128x128xf32, #tpu.memory_space<vmem>>[vector<16xi32>, vector<16xi32>], vector<16xf32>,
        %parallel_loop3A_612 = arith.constant 51 : i32
        %parallel_loop3A_613 = vector.broadcast %parallel_loop3A_612 : i32 to vector<16xi32>
        %parallel_loop3A_614 = tpu.vector_load_idx %arg6[%parallel_loop3A_170, %parallel_loop3A_613] : memref<128x128xf32, #tpu.memory_space<vmem>>[vector<16xi32>, vector<16xi32>], vector<16xf32>,
        %parallel_loop3A_615 = arith.constant 52 : i32
        %parallel_loop3A_616 = vector.broadcast %parallel_loop3A_615 : i32 to vector<16xi32>
        %parallel_loop3A_617 = tpu.vector_load_idx %arg6[%parallel_loop3A_170, %parallel_loop3A_616] : memref<128x128xf32, #tpu.memory_space<vmem>>[vector<16xi32>, vector<16xi32>], vector<16xf32>,
        %parallel_loop3A_618 = arith.constant 53 : i32
        %parallel_loop3A_619 = vector.broadcast %parallel_loop3A_618 : i32 to vector<16xi32>
        %parallel_loop3A_620 = tpu.vector_load_idx %arg6[%parallel_loop3A_170, %parallel_loop3A_619] : memref<128x128xf32, #tpu.memory_space<vmem>>[vector<16xi32>, vector<16xi32>], vector<16xf32>,
        %parallel_loop3A_621 = arith.constant 54 : i32
        %parallel_loop3A_622 = vector.broadcast %parallel_loop3A_621 : i32 to vector<16xi32>
        %parallel_loop3A_623 = tpu.vector_load_idx %arg6[%parallel_loop3A_170, %parallel_loop3A_622] : memref<128x128xf32, #tpu.memory_space<vmem>>[vector<16xi32>, vector<16xi32>], vector<16xf32>,
        %parallel_loop3A_624 = arith.constant 55 : i32
        %parallel_loop3A_625 = vector.broadcast %parallel_loop3A_624 : i32 to vector<16xi32>
        %parallel_loop3A_626 = tpu.vector_load_idx %arg6[%parallel_loop3A_170, %parallel_loop3A_625] : memref<128x128xf32, #tpu.memory_space<vmem>>[vector<16xi32>, vector<16xi32>], vector<16xf32>,
        %parallel_loop3A_627 = arith.constant 56 : i32
        %parallel_loop3A_628 = vector.broadcast %parallel_loop3A_627 : i32 to vector<16xi32>
        %parallel_loop3A_629 = tpu.vector_load_idx %arg6[%parallel_loop3A_170, %parallel_loop3A_628] : memref<128x128xf32, #tpu.memory_space<vmem>>[vector<16xi32>, vector<16xi32>], vector<16xf32>,
        %parallel_loop3A_630 = arith.constant 57 : i32
        %parallel_loop3A_631 = vector.broadcast %parallel_loop3A_630 : i32 to vector<16xi32>
        %parallel_loop3A_632 = tpu.vector_load_idx %arg6[%parallel_loop3A_170, %parallel_loop3A_631] : memref<128x128xf32, #tpu.memory_space<vmem>>[vector<16xi32>, vector<16xi32>], vector<16xf32>,
        %parallel_loop3A_633 = arith.constant 58 : i32
        %parallel_loop3A_634 = vector.broadcast %parallel_loop3A_633 : i32 to vector<16xi32>
        %parallel_loop3A_635 = tpu.vector_load_idx %arg6[%parallel_loop3A_170, %parallel_loop3A_634] : memref<128x128xf32, #tpu.memory_space<vmem>>[vector<16xi32>, vector<16xi32>], vector<16xf32>,
        %parallel_loop3A_636 = arith.constant 59 : i32
        %parallel_loop3A_637 = vector.broadcast %parallel_loop3A_636 : i32 to vector<16xi32>
        %parallel_loop3A_638 = tpu.vector_load_idx %arg6[%parallel_loop3A_170, %parallel_loop3A_637] : memref<128x128xf32, #tpu.memory_space<vmem>>[vector<16xi32>, vector<16xi32>], vector<16xf32>,
        %parallel_loop3A_639 = arith.constant 60 : i32
        %parallel_loop3A_640 = vector.broadcast %parallel_loop3A_639 : i32 to vector<16xi32>
        %parallel_loop3A_641 = tpu.vector_load_idx %arg6[%parallel_loop3A_170, %parallel_loop3A_640] : memref<128x128xf32, #tpu.memory_space<vmem>>[vector<16xi32>, vector<16xi32>], vector<16xf32>,
        %parallel_loop3A_642 = arith.constant 61 : i32
        %parallel_loop3A_643 = vector.broadcast %parallel_loop3A_642 : i32 to vector<16xi32>
        %parallel_loop3A_644 = tpu.vector_load_idx %arg6[%parallel_loop3A_170, %parallel_loop3A_643] : memref<128x128xf32, #tpu.memory_space<vmem>>[vector<16xi32>, vector<16xi32>], vector<16xf32>,
        %parallel_loop3A_645 = arith.constant 62 : i32
        %parallel_loop3A_646 = vector.broadcast %parallel_loop3A_645 : i32 to vector<16xi32>
        %parallel_loop3A_647 = tpu.vector_load_idx %arg6[%parallel_loop3A_170, %parallel_loop3A_646] : memref<128x128xf32, #tpu.memory_space<vmem>>[vector<16xi32>, vector<16xi32>], vector<16xf32>,
        %parallel_loop3A_648 = arith.constant 63 : i32
        %parallel_loop3A_649 = vector.broadcast %parallel_loop3A_648 : i32 to vector<16xi32>
        %parallel_loop3A_650 = tpu.vector_load_idx %arg6[%parallel_loop3A_170, %parallel_loop3A_649] : memref<128x128xf32, #tpu.memory_space<vmem>>[vector<16xi32>, vector<16xi32>], vector<16xf32>,
        %parallel_loop3A_651 = arith.constant 16 : i32
        %parallel_loop3A_652 = arith.muli %parallel_loop3A_166, %parallel_loop3A_651 : i32
        %parallel_loop3A_653 = arith.constant 48 : i32
        %parallel_loop3A_654 = arith.index_cast %parallel_loop3A_653 : i32 to index
        %parallel_loop3A_655 = arith.index_cast %parallel_loop3A_652 : i32 to index
        %parallel_loop3A_656 = tpu.vector_load %arg8[%parallel_loop3A_654, %parallel_loop3A_655] {strides = array<i32>} : memref<64x128xf32, #tpu.memory_space<vmem>>, vector<16xf32>,
        tpu.vector_store %arg8[%parallel_loop3A_654, %parallel_loop3A_655], %parallel_loop3A_605 {strides = array<i32>} : memref<64x128xf32, #tpu.memory_space<vmem>>, vector<16xf32>,
        %parallel_loop3A_657 = arith.constant 16 : i32
        %parallel_loop3A_658 = arith.muli %parallel_loop3A_166, %parallel_loop3A_657 : i32
        %parallel_loop3A_659 = arith.constant 49 : i32
        %parallel_loop3A_660 = arith.index_cast %parallel_loop3A_659 : i32 to index
        %parallel_loop3A_661 = arith.index_cast %parallel_loop3A_658 : i32 to index
        %parallel_loop3A_662 = tpu.vector_load %arg8[%parallel_loop3A_660, %parallel_loop3A_661] {strides = array<i32>} : memref<64x128xf32, #tpu.memory_space<vmem>>, vector<16xf32>,
        tpu.vector_store %arg8[%parallel_loop3A_660, %parallel_loop3A_661], %parallel_loop3A_608 {strides = array<i32>} : memref<64x128xf32, #tpu.memory_space<vmem>>, vector<16xf32>,
        %parallel_loop3A_663 = arith.constant 16 : i32
        %parallel_loop3A_664 = arith.muli %parallel_loop3A_166, %parallel_loop3A_663 : i32
        %parallel_loop3A_665 = arith.constant 50 : i32
        %parallel_loop3A_666 = arith.index_cast %parallel_loop3A_665 : i32 to index
        %parallel_loop3A_667 = arith.index_cast %parallel_loop3A_664 : i32 to index
        %parallel_loop3A_668 = tpu.vector_load %arg8[%parallel_loop3A_666, %parallel_loop3A_667] {strides = array<i32>} : memref<64x128xf32, #tpu.memory_space<vmem>>, vector<16xf32>,
        tpu.vector_store %arg8[%parallel_loop3A_666, %parallel_loop3A_667], %parallel_loop3A_611 {strides = array<i32>} : memref<64x128xf32, #tpu.memory_space<vmem>>, vector<16xf32>,
        %parallel_loop3A_669 = arith.constant 16 : i32
        %parallel_loop3A_670 = arith.muli %parallel_loop3A_166, %parallel_loop3A_669 : i32
        %parallel_loop3A_671 = arith.constant 51 : i32
        %parallel_loop3A_672 = arith.index_cast %parallel_loop3A_671 : i32 to index
        %parallel_loop3A_673 = arith.index_cast %parallel_loop3A_670 : i32 to index
        %parallel_loop3A_674 = tpu.vector_load %arg8[%parallel_loop3A_672, %parallel_loop3A_673] {strides = array<i32>} : memref<64x128xf32, #tpu.memory_space<vmem>>, vector<16xf32>,
        tpu.vector_store %arg8[%parallel_loop3A_672, %parallel_loop3A_673], %parallel_loop3A_614 {strides = array<i32>} : memref<64x128xf32, #tpu.memory_space<vmem>>, vector<16xf32>,
        %parallel_loop3A_675 = arith.constant 16 : i32
        %parallel_loop3A_676 = arith.muli %parallel_loop3A_166, %parallel_loop3A_675 : i32
        %parallel_loop3A_677 = arith.constant 52 : i32
        %parallel_loop3A_678 = arith.index_cast %parallel_loop3A_677 : i32 to index
        %parallel_loop3A_679 = arith.index_cast %parallel_loop3A_676 : i32 to index
        %parallel_loop3A_680 = tpu.vector_load %arg8[%parallel_loop3A_678, %parallel_loop3A_679] {strides = array<i32>} : memref<64x128xf32, #tpu.memory_space<vmem>>, vector<16xf32>,
        tpu.vector_store %arg8[%parallel_loop3A_678, %parallel_loop3A_679], %parallel_loop3A_617 {strides = array<i32>} : memref<64x128xf32, #tpu.memory_space<vmem>>, vector<16xf32>,
        %parallel_loop3A_681 = arith.constant 16 : i32
        %parallel_loop3A_682 = arith.muli %parallel_loop3A_166, %parallel_loop3A_681 : i32
        %parallel_loop3A_683 = arith.constant 53 : i32
        %parallel_loop3A_684 = arith.index_cast %parallel_loop3A_683 : i32 to index
        %parallel_loop3A_685 = arith.index_cast %parallel_loop3A_682 : i32 to index
        %parallel_loop3A_686 = tpu.vector_load %arg8[%parallel_loop3A_684, %parallel_loop3A_685] {strides = array<i32>} : memref<64x128xf32, #tpu.memory_space<vmem>>, vector<16xf32>,
        tpu.vector_store %arg8[%parallel_loop3A_684, %parallel_loop3A_685], %parallel_loop3A_620 {strides = array<i32>} : memref<64x128xf32, #tpu.memory_space<vmem>>, vector<16xf32>,
        %parallel_loop3A_687 = arith.constant 16 : i32
        %parallel_loop3A_688 = arith.muli %parallel_loop3A_166, %parallel_loop3A_687 : i32
        %parallel_loop3A_689 = arith.constant 54 : i32
        %parallel_loop3A_690 = arith.index_cast %parallel_loop3A_689 : i32 to index
        %parallel_loop3A_691 = arith.index_cast %parallel_loop3A_688 : i32 to index
        %parallel_loop3A_692 = tpu.vector_load %arg8[%parallel_loop3A_690, %parallel_loop3A_691] {strides = array<i32>} : memref<64x128xf32, #tpu.memory_space<vmem>>, vector<16xf32>,
        tpu.vector_store %arg8[%parallel_loop3A_690, %parallel_loop3A_691], %parallel_loop3A_623 {strides = array<i32>} : memref<64x128xf32, #tpu.memory_space<vmem>>, vector<16xf32>,
        %parallel_loop3A_693 = arith.constant 16 : i32
        %parallel_loop3A_694 = arith.muli %parallel_loop3A_166, %parallel_loop3A_693 : i32
        %parallel_loop3A_695 = arith.constant 55 : i32
        %parallel_loop3A_696 = arith.index_cast %parallel_loop3A_695 : i32 to index
        %parallel_loop3A_697 = arith.index_cast %parallel_loop3A_694 : i32 to index
        %parallel_loop3A_698 = tpu.vector_load %arg8[%parallel_loop3A_696, %parallel_loop3A_697] {strides = array<i32>} : memref<64x128xf32, #tpu.memory_space<vmem>>, vector<16xf32>,
        tpu.vector_store %arg8[%parallel_loop3A_696, %parallel_loop3A_697], %parallel_loop3A_626 {strides = array<i32>} : memref<64x128xf32, #tpu.memory_space<vmem>>, vector<16xf32>,
        %parallel_loop3A_699 = arith.constant 16 : i32
        %parallel_loop3A_700 = arith.muli %parallel_loop3A_166, %parallel_loop3A_699 : i32
        %parallel_loop3A_701 = arith.constant 56 : i32
        %parallel_loop3A_702 = arith.index_cast %parallel_loop3A_701 : i32 to index
        %parallel_loop3A_703 = arith.index_cast %parallel_loop3A_700 : i32 to index
        %parallel_loop3A_704 = tpu.vector_load %arg8[%parallel_loop3A_702, %parallel_loop3A_703] {strides = array<i32>} : memref<64x128xf32, #tpu.memory_space<vmem>>, vector<16xf32>,
        tpu.vector_store %arg8[%parallel_loop3A_702, %parallel_loop3A_703], %parallel_loop3A_629 {strides = array<i32>} : memref<64x128xf32, #tpu.memory_space<vmem>>, vector<16xf32>,
        %parallel_loop3A_705 = arith.constant 16 : i32
        %parallel_loop3A_706 = arith.muli %parallel_loop3A_166, %parallel_loop3A_705 : i32
        %parallel_loop3A_707 = arith.constant 57 : i32
        %parallel_loop3A_708 = arith.index_cast %parallel_loop3A_707 : i32 to index
        %parallel_loop3A_709 = arith.index_cast %parallel_loop3A_706 : i32 to index
        %parallel_loop3A_710 = tpu.vector_load %arg8[%parallel_loop3A_708, %parallel_loop3A_709] {strides = array<i32>} : memref<64x128xf32, #tpu.memory_space<vmem>>, vector<16xf32>,
        tpu.vector_store %arg8[%parallel_loop3A_708, %parallel_loop3A_709], %parallel_loop3A_632 {strides = array<i32>} : memref<64x128xf32, #tpu.memory_space<vmem>>, vector<16xf32>,
        %parallel_loop3A_711 = arith.constant 16 : i32
        %parallel_loop3A_712 = arith.muli %parallel_loop3A_166, %parallel_loop3A_711 : i32
        %parallel_loop3A_713 = arith.constant 58 : i32
        %parallel_loop3A_714 = arith.index_cast %parallel_loop3A_713 : i32 to index
        %parallel_loop3A_715 = arith.index_cast %parallel_loop3A_712 : i32 to index
        %parallel_loop3A_716 = tpu.vector_load %arg8[%parallel_loop3A_714, %parallel_loop3A_715] {strides = array<i32>} : memref<64x128xf32, #tpu.memory_space<vmem>>, vector<16xf32>,
        tpu.vector_store %arg8[%parallel_loop3A_714, %parallel_loop3A_715], %parallel_loop3A_635 {strides = array<i32>} : memref<64x128xf32, #tpu.memory_space<vmem>>, vector<16xf32>,
        %parallel_loop3A_717 = arith.constant 16 : i32
        %parallel_loop3A_718 = arith.muli %parallel_loop3A_166, %parallel_loop3A_717 : i32
        %parallel_loop3A_719 = arith.constant 59 : i32
        %parallel_loop3A_720 = arith.index_cast %parallel_loop3A_719 : i32 to index
        %parallel_loop3A_721 = arith.index_cast %parallel_loop3A_718 : i32 to index
        %parallel_loop3A_722 = tpu.vector_load %arg8[%parallel_loop3A_720, %parallel_loop3A_721] {strides = array<i32>} : memref<64x128xf32, #tpu.memory_space<vmem>>, vector<16xf32>,
        tpu.vector_store %arg8[%parallel_loop3A_720, %parallel_loop3A_721], %parallel_loop3A_638 {strides = array<i32>} : memref<64x128xf32, #tpu.memory_space<vmem>>, vector<16xf32>,
        %parallel_loop3A_723 = arith.constant 16 : i32
        %parallel_loop3A_724 = arith.muli %parallel_loop3A_166, %parallel_loop3A_723 : i32
        %parallel_loop3A_725 = arith.constant 60 : i32
        %parallel_loop3A_726 = arith.index_cast %parallel_loop3A_725 : i32 to index
        %parallel_loop3A_727 = arith.index_cast %parallel_loop3A_724 : i32 to index
        %parallel_loop3A_728 = tpu.vector_load %arg8[%parallel_loop3A_726, %parallel_loop3A_727] {strides = array<i32>} : memref<64x128xf32, #tpu.memory_space<vmem>>, vector<16xf32>,
        tpu.vector_store %arg8[%parallel_loop3A_726, %parallel_loop3A_727], %parallel_loop3A_641 {strides = array<i32>} : memref<64x128xf32, #tpu.memory_space<vmem>>, vector<16xf32>,
        %parallel_loop3A_729 = arith.constant 16 : i32
        %parallel_loop3A_730 = arith.muli %parallel_loop3A_166, %parallel_loop3A_729 : i32
        %parallel_loop3A_731 = arith.constant 61 : i32
        %parallel_loop3A_732 = arith.index_cast %parallel_loop3A_731 : i32 to index
        %parallel_loop3A_733 = arith.index_cast %parallel_loop3A_730 : i32 to index
        %parallel_loop3A_734 = tpu.vector_load %arg8[%parallel_loop3A_732, %parallel_loop3A_733] {strides = array<i32>} : memref<64x128xf32, #tpu.memory_space<vmem>>, vector<16xf32>,
        tpu.vector_store %arg8[%parallel_loop3A_732, %parallel_loop3A_733], %parallel_loop3A_644 {strides = array<i32>} : memref<64x128xf32, #tpu.memory_space<vmem>>, vector<16xf32>,
        %parallel_loop3A_735 = arith.constant 16 : i32
        %parallel_loop3A_736 = arith.muli %parallel_loop3A_166, %parallel_loop3A_735 : i32
        %parallel_loop3A_737 = arith.constant 62 : i32
        %parallel_loop3A_738 = arith.index_cast %parallel_loop3A_737 : i32 to index
        %parallel_loop3A_739 = arith.index_cast %parallel_loop3A_736 : i32 to index
        %parallel_loop3A_740 = tpu.vector_load %arg8[%parallel_loop3A_738, %parallel_loop3A_739] {strides = array<i32>} : memref<64x128xf32, #tpu.memory_space<vmem>>, vector<16xf32>,
        tpu.vector_store %arg8[%parallel_loop3A_738, %parallel_loop3A_739], %parallel_loop3A_647 {strides = array<i32>} : memref<64x128xf32, #tpu.memory_space<vmem>>, vector<16xf32>,
        %parallel_loop3A_741 = arith.constant 16 : i32
        %parallel_loop3A_742 = arith.muli %parallel_loop3A_166, %parallel_loop3A_741 : i32
        %parallel_loop3A_743 = arith.constant 63 : i32
        %parallel_loop3A_744 = arith.index_cast %parallel_loop3A_743 : i32 to index
        %parallel_loop3A_745 = arith.index_cast %parallel_loop3A_742 : i32 to index
        %parallel_loop3A_746 = tpu.vector_load %arg8[%parallel_loop3A_744, %parallel_loop3A_745] {strides = array<i32>} : memref<64x128xf32, #tpu.memory_space<vmem>>, vector<16xf32>,
        tpu.vector_store %arg8[%parallel_loop3A_744, %parallel_loop3A_745], %parallel_loop3A_650 {strides = array<i32>} : memref<64x128xf32, #tpu.memory_space<vmem>>, vector<16xf32>,
      } {sc.loop_unroll_factor = 1 : i64, sc.parallel_access}
      %add3A_52 = arith.addi %mul3A_4, %add3A_41 : i32
      %jit3A = arith.constant 128 : i32
      %div3A = arith.divsi %add3A_52, %jit3A : i32
      %sign3A = arith.constant 0 : i32
      %sign3A_53 = arith.cmpi sgt, %add3A_52, %sign3A : i32
      %sign3A_54 = arith.extui %sign3A_53 : i1 to i32
      %sign3A_55 = arith.constant 0 : i32
      %sign3A_56 = arith.cmpi slt, %add3A_52, %sign3A_55 : i32
      %sign3A_57 = arith.extui %sign3A_56 : i1 to i32
      %sign3A_58 = arith.subi %sign3A_54, %sign3A_57 : i32
      %sign3A_59 = arith.constant 0 : i32
      %sign3A_60 = arith.cmpi sgt, %jit3A, %sign3A_59 : i32
      %sign3A_61 = arith.extui %sign3A_60 : i1 to i32
      %sign3A_62 = arith.constant 0 : i32
      %sign3A_63 = arith.cmpi slt, %jit3A, %sign3A_62 : i32
      %sign3A_64 = arith.extui %sign3A_63 : i1 to i32
      %sign3A_65 = arith.subi %sign3A_61, %sign3A_64 : i32
      %ne3A = arith.cmpi ne, %sign3A_58, %sign3A_65 : i32
      %rem3A = arith.remsi %add3A_52, %jit3A : i32
      %ne3A_66 = arith.constant 0 : i32
      %ne3A_67 = arith.cmpi ne, %rem3A, %ne3A_66 : i32
      %and3A = arith.andi %ne3A, %ne3A_67 : i1
      %sub3A = arith.constant 1 : i32
      %sub3A_68 = arith.subi %div3A, %sub3A : i32
      %select_n3A = arith.select %and3A, %sub3A_68, %div3A : i32
      %jit3A_69 = arith.constant 128 : i32
      %eq3A = arith.constant 0 : i32
      %eq3A_70 = arith.cmpi eq, %jit3A_69, %eq3A : i32
      %jit3A_71 = arith.constant 1 : i32
      %select_n3A_72 = arith.select %eq3A_70, %jit3A_71, %jit3A_69 : i32
      %rem3A_73 = arith.remsi %add3A_52, %select_n3A_72 : i32
      %ne3A_74 = arith.constant 0 : i32
      %ne3A_75 = arith.cmpi ne, %rem3A_73, %ne3A_74 : i32
      %lt3A = arith.constant 0 : i32
      %lt3A_76 = arith.cmpi slt, %rem3A_73, %lt3A : i32
      %lt3A_77 = arith.constant 0 : i32
      %lt3A_78 = arith.cmpi slt, %select_n3A_72, %lt3A_77 : i32
      %ne3A_79 = arith.xori %lt3A_76, %lt3A_78 : i1
      %and3A_80 = arith.andi %ne3A_79, %ne3A_75 : i1
      %add3A_81 = arith.addi %rem3A_73, %select_n3A_72 : i32
      %select_n3A_82 = arith.select %and3A_80, %add3A_81, %rem3A_73 : i32
      %mul3A_83 = arith.constant 128 : i32
      %mul3A_84 = arith.muli %select_n3A_82, %mul3A_83 : i32
      %dma_start3A_85 = arith.constant 0 : i32
      %dma_start3A_86 = tpu.memref_slice %arg4[%select_n3A, %dma_start3A_85, %mul3A_84] : memref<50x64x16384xf32, #tpu.memory_space<hbm>> -> memref<1x64x128xf32, #tpu.memory_space<hbm>>
      %dma_start3A_87 = tpu.memref_squeeze %dma_start3A_86 : memref<1x64x128xf32, #tpu.memory_space<hbm>> -> memref<64x128xf32, #tpu.memory_space<hbm>>
      %dma_start3A_88 = arith.constant 0 : i32
      %dma_start3A_89 = tpu.memref_slice %arg4[%select_n3A, %dma_start3A_88, %mul3A_84] : memref<50x64x16384xf32, #tpu.memory_space<hbm>> -> memref<1x64x128xf32, #tpu.memory_space<hbm>>
      %dma_start3A_90 = tpu.memref_squeeze %dma_start3A_89 : memref<1x64x128xf32, #tpu.memory_space<hbm>> -> memref<64x128xf32, #tpu.memory_space<hbm>>
      tpu.enqueue_dma source(%arg8 : memref<64x128xf32, #tpu.memory_space<vmem>>) target(%dma_start3A_90 : memref<64x128xf32, #tpu.memory_space<hbm>>) target_semaphore(%arg12 : memref<!tpu.dma_semaphore, #tpu.memory_space<semaphore_mem>>)
      %lt3A_91 = arith.constant 198 : i32
      %lt3A_92 = arith.cmpi slt, %add3A_39, %lt3A_91 : i32
      %convert_element_type3A_93 = arith.extui %lt3A_92 : i1 to i32
      %cond3A_94 = arith.constant 0 : i32
      %cond3A_95 = arith.cmpi ne, %convert_element_type3A_93, %cond3A_94 : i32
      scf.if %cond3A_95 {
        %add3A_166 = arith.constant 2 : i32
        %add3A_167 = arith.addi %add3A_41, %add3A_166 : i32
        %mul3A_168 = arith.constant 128 : i32
        %mul3A_169 = arith.muli %add3A_167, %mul3A_168 : i32
        %dma_start3A_170 = tpu.memref_slice %arg5[%mul3A_169] : memref<25600xi32, #tpu.memory_space<vmem>> -> memref<128xi32, #tpu.memory_space<vmem>>
        %dma_start3A_171 = arith.constant 0 : i32
        %dma_start3A_172 = arith.constant 0 : i32
        %dma_start3A_173 = tpu.memref_slice %arg3[%dma_start3A_171, %dma_start3A_172] : memref<1000000x128xf32, #tpu.memory_space<hbm>> -> memref<1000000x128xf32, #tpu.memory_space<hbm>>
        tpu.enqueue_indirect_dma source(%dma_start3A_173 : memref<1000000x128xf32, #tpu.memory_space<hbm>>) target(%arg6 : memref<128x128xf32, #tpu.memory_space<vmem>>) offsets(%dma_start3A_170 : memref<128xi32, #tpu.memory_space<vmem>>) semaphore(%arg10 : memref<!tpu.dma_semaphore, #tpu.memory_space<semaphore_mem>>)
      } else {
      }
      %add3A_96 = arith.constant 1 : i32
      %add3A_97 = arith.addi %add3A_39, %add3A_96 : i32
      %dma_wait3A_98 = arith.constant 0 : i32
      %dma_wait3A_99 = arith.constant 0 : i32
      %dma_wait3A_100 = tpu.memref_slice %arg3[%dma_wait3A_98, %dma_wait3A_99] : memref<1000000x128xf32, #tpu.memory_space<hbm>> -> memref<128x128xf32, #tpu.memory_space<hbm>>
      %dma_wait3A_101 = arith.constant 0 : i32
      %dma_wait3A_102 = arith.constant 0 : i32
      %dma_wait3A_103 = tpu.memref_slice %arg3[%dma_wait3A_101, %dma_wait3A_102] : memref<1000000x128xf32, #tpu.memory_space<hbm>> -> memref<128x128xf32, #tpu.memory_space<hbm>>
      tpu.wait_dma2 semaphore(%arg11 : memref<!tpu.dma_semaphore, #tpu.memory_space<semaphore_mem>>) src(%dma_wait3A_103 : memref<128x128xf32, #tpu.memory_space<hbm>>) dst(%arg7 : memref<128x128xf32, #tpu.memory_space<vmem>>)
      %ge3A_104 = arith.constant 2 : i32
      %ge3A_105 = arith.cmpi sge, %add3A_39, %ge3A_104 : i32
      %convert_element_type3A_106 = arith.extui %ge3A_105 : i1 to i32
      %cond3A_107 = arith.constant 0 : i32
      %cond3A_108 = arith.cmpi ne, %convert_element_type3A_106, %cond3A_107 : i32
      scf.if %cond3A_108 {
        %dma_wait3A_166 = arith.constant 0 : i32
        %dma_wait3A_167 = arith.constant 0 : i32
        %dma_wait3A_168 = arith.constant 0 : i32
        %dma_wait3A_169 = tpu.memref_slice %arg4[%dma_wait3A_166, %dma_wait3A_167, %dma_wait3A_168] : memref<50x64x16384xf32, #tpu.memory_space<hbm>> -> memref<1x64x128xf32, #tpu.memory_space<hbm>>
        %dma_wait3A_170 = tpu.memref_squeeze %dma_wait3A_169 : memref<1x64x128xf32, #tpu.memory_space<hbm>> -> memref<64x128xf32, #tpu.memory_space<hbm>>
        %dma_wait3A_171 = arith.constant 0 : i32
        %dma_wait3A_172 = arith.constant 0 : i32
        %dma_wait3A_173 = tpu.memref_slice %arg4[%dma_wait3A_166, %dma_wait3A_171, %dma_wait3A_172] : memref<50x64x16384xf32, #tpu.memory_space<hbm>> -> memref<1x64x128xf32, #tpu.memory_space<hbm>>
        %dma_wait3A_174 = tpu.memref_squeeze %dma_wait3A_173 : memref<1x64x128xf32, #tpu.memory_space<hbm>> -> memref<64x128xf32, #tpu.memory_space<hbm>>
        tpu.wait_dma2 semaphore(%arg13 : memref<!tpu.dma_semaphore, #tpu.memory_space<semaphore_mem>>) src(%arg9 : memref<64x128xf32, #tpu.memory_space<vmem>>) dst(%dma_wait3A_174 : memref<64x128xf32, #tpu.memory_space<hbm>>)
      } else {
      }
      %parallel_loop3A_109 = arith.constant 0 : i32
      %parallel_loop3A_110 = arith.constant 8 : i32
      %parallel_loop3A_111 = arith.constant 1 : i32
      scf.for %parallel_loop3A_166 = %parallel_loop3A_109 to %parallel_loop3A_110 step %parallel_loop3A_111  : i32 {
        %parallel_loop3A_167 = arith.constant 16 : i32
        %parallel_loop3A_168 = arith.muli %parallel_loop3A_166, %parallel_loop3A_167 : i32
        %parallel_loop3A_169 = vector.broadcast %parallel_loop3A_168 : i32 to vector<16xi32>
        %parallel_loop3A_170 = arith.addi %iota3A, %parallel_loop3A_169 : vector<16xi32>
        %parallel_loop3A_171 = arith.constant 0 : i32
        %parallel_loop3A_172 = vector.broadcast %parallel_loop3A_171 : i32 to vector<16xi32>
        %parallel_loop3A_173 = tpu.vector_load_idx %arg7[%parallel_loop3A_170, %parallel_loop3A_172] : memref<128x128xf32, #tpu.memory_space<vmem>>[vector<16xi32>, vector<16xi32>], vector<16xf32>,
        %parallel_loop3A_174 = arith.constant 1 : i32
        %parallel_loop3A_175 = vector.broadcast %parallel_loop3A_174 : i32 to vector<16xi32>
        %parallel_loop3A_176 = tpu.vector_load_idx %arg7[%parallel_loop3A_170, %parallel_loop3A_175] : memref<128x128xf32, #tpu.memory_space<vmem>>[vector<16xi32>, vector<16xi32>], vector<16xf32>,
        %parallel_loop3A_177 = arith.constant 2 : i32
        %parallel_loop3A_178 = vector.broadcast %parallel_loop3A_177 : i32 to vector<16xi32>
        %parallel_loop3A_179 = tpu.vector_load_idx %arg7[%parallel_loop3A_170, %parallel_loop3A_178] : memref<128x128xf32, #tpu.memory_space<vmem>>[vector<16xi32>, vector<16xi32>], vector<16xf32>,
        %parallel_loop3A_180 = arith.constant 3 : i32
        %parallel_loop3A_181 = vector.broadcast %parallel_loop3A_180 : i32 to vector<16xi32>
        %parallel_loop3A_182 = tpu.vector_load_idx %arg7[%parallel_loop3A_170, %parallel_loop3A_181] : memref<128x128xf32, #tpu.memory_space<vmem>>[vector<16xi32>, vector<16xi32>], vector<16xf32>,
        %parallel_loop3A_183 = arith.constant 4 : i32
        %parallel_loop3A_184 = vector.broadcast %parallel_loop3A_183 : i32 to vector<16xi32>
        %parallel_loop3A_185 = tpu.vector_load_idx %arg7[%parallel_loop3A_170, %parallel_loop3A_184] : memref<128x128xf32, #tpu.memory_space<vmem>>[vector<16xi32>, vector<16xi32>], vector<16xf32>,
        %parallel_loop3A_186 = arith.constant 5 : i32
        %parallel_loop3A_187 = vector.broadcast %parallel_loop3A_186 : i32 to vector<16xi32>
        %parallel_loop3A_188 = tpu.vector_load_idx %arg7[%parallel_loop3A_170, %parallel_loop3A_187] : memref<128x128xf32, #tpu.memory_space<vmem>>[vector<16xi32>, vector<16xi32>], vector<16xf32>,
        %parallel_loop3A_189 = arith.constant 6 : i32
        %parallel_loop3A_190 = vector.broadcast %parallel_loop3A_189 : i32 to vector<16xi32>
        %parallel_loop3A_191 = tpu.vector_load_idx %arg7[%parallel_loop3A_170, %parallel_loop3A_190] : memref<128x128xf32, #tpu.memory_space<vmem>>[vector<16xi32>, vector<16xi32>], vector<16xf32>,
        %parallel_loop3A_192 = arith.constant 7 : i32
        %parallel_loop3A_193 = vector.broadcast %parallel_loop3A_192 : i32 to vector<16xi32>
        %parallel_loop3A_194 = tpu.vector_load_idx %arg7[%parallel_loop3A_170, %parallel_loop3A_193] : memref<128x128xf32, #tpu.memory_space<vmem>>[vector<16xi32>, vector<16xi32>], vector<16xf32>,
        %parallel_loop3A_195 = arith.constant 8 : i32
        %parallel_loop3A_196 = vector.broadcast %parallel_loop3A_195 : i32 to vector<16xi32>
        %parallel_loop3A_197 = tpu.vector_load_idx %arg7[%parallel_loop3A_170, %parallel_loop3A_196] : memref<128x128xf32, #tpu.memory_space<vmem>>[vector<16xi32>, vector<16xi32>], vector<16xf32>,
        %parallel_loop3A_198 = arith.constant 9 : i32
        %parallel_loop3A_199 = vector.broadcast %parallel_loop3A_198 : i32 to vector<16xi32>
        %parallel_loop3A_200 = tpu.vector_load_idx %arg7[%parallel_loop3A_170, %parallel_loop3A_199] : memref<128x128xf32, #tpu.memory_space<vmem>>[vector<16xi32>, vector<16xi32>], vector<16xf32>,
        %parallel_loop3A_201 = arith.constant 10 : i32
        %parallel_loop3A_202 = vector.broadcast %parallel_loop3A_201 : i32 to vector<16xi32>
        %parallel_loop3A_203 = tpu.vector_load_idx %arg7[%parallel_loop3A_170, %parallel_loop3A_202] : memref<128x128xf32, #tpu.memory_space<vmem>>[vector<16xi32>, vector<16xi32>], vector<16xf32>,
        %parallel_loop3A_204 = arith.constant 11 : i32
        %parallel_loop3A_205 = vector.broadcast %parallel_loop3A_204 : i32 to vector<16xi32>
        %parallel_loop3A_206 = tpu.vector_load_idx %arg7[%parallel_loop3A_170, %parallel_loop3A_205] : memref<128x128xf32, #tpu.memory_space<vmem>>[vector<16xi32>, vector<16xi32>], vector<16xf32>,
        %parallel_loop3A_207 = arith.constant 12 : i32
        %parallel_loop3A_208 = vector.broadcast %parallel_loop3A_207 : i32 to vector<16xi32>
        %parallel_loop3A_209 = tpu.vector_load_idx %arg7[%parallel_loop3A_170, %parallel_loop3A_208] : memref<128x128xf32, #tpu.memory_space<vmem>>[vector<16xi32>, vector<16xi32>], vector<16xf32>,
        %parallel_loop3A_210 = arith.constant 13 : i32
        %parallel_loop3A_211 = vector.broadcast %parallel_loop3A_210 : i32 to vector<16xi32>
        %parallel_loop3A_212 = tpu.vector_load_idx %arg7[%parallel_loop3A_170, %parallel_loop3A_211] : memref<128x128xf32, #tpu.memory_space<vmem>>[vector<16xi32>, vector<16xi32>], vector<16xf32>,
        %parallel_loop3A_213 = arith.constant 14 : i32
        %parallel_loop3A_214 = vector.broadcast %parallel_loop3A_213 : i32 to vector<16xi32>
        %parallel_loop3A_215 = tpu.vector_load_idx %arg7[%parallel_loop3A_170, %parallel_loop3A_214] : memref<128x128xf32, #tpu.memory_space<vmem>>[vector<16xi32>, vector<16xi32>], vector<16xf32>,
        %parallel_loop3A_216 = arith.constant 15 : i32
        %parallel_loop3A_217 = vector.broadcast %parallel_loop3A_216 : i32 to vector<16xi32>
        %parallel_loop3A_218 = tpu.vector_load_idx %arg7[%parallel_loop3A_170, %parallel_loop3A_217] : memref<128x128xf32, #tpu.memory_space<vmem>>[vector<16xi32>, vector<16xi32>], vector<16xf32>,
        %parallel_loop3A_219 = arith.constant 16 : i32
        %parallel_loop3A_220 = arith.muli %parallel_loop3A_166, %parallel_loop3A_219 : i32
        %parallel_loop3A_221 = arith.constant 0 : i32
        %parallel_loop3A_222 = arith.index_cast %parallel_loop3A_221 : i32 to index
        %parallel_loop3A_223 = arith.index_cast %parallel_loop3A_220 : i32 to index
        %parallel_loop3A_224 = tpu.vector_load %arg9[%parallel_loop3A_222, %parallel_loop3A_223] {strides = array<i32>} : memref<64x128xf32, #tpu.memory_space<vmem>>, vector<16xf32>,
        tpu.vector_store %arg9[%parallel_loop3A_222, %parallel_loop3A_223], %parallel_loop3A_173 {strides = array<i32>} : memref<64x128xf32, #tpu.memory_space<vmem>>, vector<16xf32>,
        %parallel_loop3A_225 = arith.constant 16 : i32
        %parallel_loop3A_226 = arith.muli %parallel_loop3A_166, %parallel_loop3A_225 : i32
        %parallel_loop3A_227 = arith.constant 1 : i32
        %parallel_loop3A_228 = arith.index_cast %parallel_loop3A_227 : i32 to index
        %parallel_loop3A_229 = arith.index_cast %parallel_loop3A_226 : i32 to index
        %parallel_loop3A_230 = tpu.vector_load %arg9[%parallel_loop3A_228, %parallel_loop3A_229] {strides = array<i32>} : memref<64x128xf32, #tpu.memory_space<vmem>>, vector<16xf32>,
        tpu.vector_store %arg9[%parallel_loop3A_228, %parallel_loop3A_229], %parallel_loop3A_176 {strides = array<i32>} : memref<64x128xf32, #tpu.memory_space<vmem>>, vector<16xf32>,
        %parallel_loop3A_231 = arith.constant 16 : i32
        %parallel_loop3A_232 = arith.muli %parallel_loop3A_166, %parallel_loop3A_231 : i32
        %parallel_loop3A_233 = arith.constant 2 : i32
        %parallel_loop3A_234 = arith.index_cast %parallel_loop3A_233 : i32 to index
        %parallel_loop3A_235 = arith.index_cast %parallel_loop3A_232 : i32 to index
        %parallel_loop3A_236 = tpu.vector_load %arg9[%parallel_loop3A_234, %parallel_loop3A_235] {strides = array<i32>} : memref<64x128xf32, #tpu.memory_space<vmem>>, vector<16xf32>,
        tpu.vector_store %arg9[%parallel_loop3A_234, %parallel_loop3A_235], %parallel_loop3A_179 {strides = array<i32>} : memref<64x128xf32, #tpu.memory_space<vmem>>, vector<16xf32>,
        %parallel_loop3A_237 = arith.constant 16 : i32
        %parallel_loop3A_238 = arith.muli %parallel_loop3A_166, %parallel_loop3A_237 : i32
        %parallel_loop3A_239 = arith.constant 3 : i32
        %parallel_loop3A_240 = arith.index_cast %parallel_loop3A_239 : i32 to index
        %parallel_loop3A_241 = arith.index_cast %parallel_loop3A_238 : i32 to index
        %parallel_loop3A_242 = tpu.vector_load %arg9[%parallel_loop3A_240, %parallel_loop3A_241] {strides = array<i32>} : memref<64x128xf32, #tpu.memory_space<vmem>>, vector<16xf32>,
        tpu.vector_store %arg9[%parallel_loop3A_240, %parallel_loop3A_241], %parallel_loop3A_182 {strides = array<i32>} : memref<64x128xf32, #tpu.memory_space<vmem>>, vector<16xf32>,
        %parallel_loop3A_243 = arith.constant 16 : i32
        %parallel_loop3A_244 = arith.muli %parallel_loop3A_166, %parallel_loop3A_243 : i32
        %parallel_loop3A_245 = arith.constant 4 : i32
        %parallel_loop3A_246 = arith.index_cast %parallel_loop3A_245 : i32 to index
        %parallel_loop3A_247 = arith.index_cast %parallel_loop3A_244 : i32 to index
        %parallel_loop3A_248 = tpu.vector_load %arg9[%parallel_loop3A_246, %parallel_loop3A_247] {strides = array<i32>} : memref<64x128xf32, #tpu.memory_space<vmem>>, vector<16xf32>,
        tpu.vector_store %arg9[%parallel_loop3A_246, %parallel_loop3A_247], %parallel_loop3A_185 {strides = array<i32>} : memref<64x128xf32, #tpu.memory_space<vmem>>, vector<16xf32>,
        %parallel_loop3A_249 = arith.constant 16 : i32
        %parallel_loop3A_250 = arith.muli %parallel_loop3A_166, %parallel_loop3A_249 : i32
        %parallel_loop3A_251 = arith.constant 5 : i32
        %parallel_loop3A_252 = arith.index_cast %parallel_loop3A_251 : i32 to index
        %parallel_loop3A_253 = arith.index_cast %parallel_loop3A_250 : i32 to index
        %parallel_loop3A_254 = tpu.vector_load %arg9[%parallel_loop3A_252, %parallel_loop3A_253] {strides = array<i32>} : memref<64x128xf32, #tpu.memory_space<vmem>>, vector<16xf32>,
        tpu.vector_store %arg9[%parallel_loop3A_252, %parallel_loop3A_253], %parallel_loop3A_188 {strides = array<i32>} : memref<64x128xf32, #tpu.memory_space<vmem>>, vector<16xf32>,
        %parallel_loop3A_255 = arith.constant 16 : i32
        %parallel_loop3A_256 = arith.muli %parallel_loop3A_166, %parallel_loop3A_255 : i32
        %parallel_loop3A_257 = arith.constant 6 : i32
        %parallel_loop3A_258 = arith.index_cast %parallel_loop3A_257 : i32 to index
        %parallel_loop3A_259 = arith.index_cast %parallel_loop3A_256 : i32 to index
        %parallel_loop3A_260 = tpu.vector_load %arg9[%parallel_loop3A_258, %parallel_loop3A_259] {strides = array<i32>} : memref<64x128xf32, #tpu.memory_space<vmem>>, vector<16xf32>,
        tpu.vector_store %arg9[%parallel_loop3A_258, %parallel_loop3A_259], %parallel_loop3A_191 {strides = array<i32>} : memref<64x128xf32, #tpu.memory_space<vmem>>, vector<16xf32>,
        %parallel_loop3A_261 = arith.constant 16 : i32
        %parallel_loop3A_262 = arith.muli %parallel_loop3A_166, %parallel_loop3A_261 : i32
        %parallel_loop3A_263 = arith.constant 7 : i32
        %parallel_loop3A_264 = arith.index_cast %parallel_loop3A_263 : i32 to index
        %parallel_loop3A_265 = arith.index_cast %parallel_loop3A_262 : i32 to index
        %parallel_loop3A_266 = tpu.vector_load %arg9[%parallel_loop3A_264, %parallel_loop3A_265] {strides = array<i32>} : memref<64x128xf32, #tpu.memory_space<vmem>>, vector<16xf32>,
        tpu.vector_store %arg9[%parallel_loop3A_264, %parallel_loop3A_265], %parallel_loop3A_194 {strides = array<i32>} : memref<64x128xf32, #tpu.memory_space<vmem>>, vector<16xf32>,
        %parallel_loop3A_267 = arith.constant 16 : i32
        %parallel_loop3A_268 = arith.muli %parallel_loop3A_166, %parallel_loop3A_267 : i32
        %parallel_loop3A_269 = arith.constant 8 : i32
        %parallel_loop3A_270 = arith.index_cast %parallel_loop3A_269 : i32 to index
        %parallel_loop3A_271 = arith.index_cast %parallel_loop3A_268 : i32 to index
        %parallel_loop3A_272 = tpu.vector_load %arg9[%parallel_loop3A_270, %parallel_loop3A_271] {strides = array<i32>} : memref<64x128xf32, #tpu.memory_space<vmem>>, vector<16xf32>,
        tpu.vector_store %arg9[%parallel_loop3A_270, %parallel_loop3A_271], %parallel_loop3A_197 {strides = array<i32>} : memref<64x128xf32, #tpu.memory_space<vmem>>, vector<16xf32>,
        %parallel_loop3A_273 = arith.constant 16 : i32
        %parallel_loop3A_274 = arith.muli %parallel_loop3A_166, %parallel_loop3A_273 : i32
        %parallel_loop3A_275 = arith.constant 9 : i32
        %parallel_loop3A_276 = arith.index_cast %parallel_loop3A_275 : i32 to index
        %parallel_loop3A_277 = arith.index_cast %parallel_loop3A_274 : i32 to index
        %parallel_loop3A_278 = tpu.vector_load %arg9[%parallel_loop3A_276, %parallel_loop3A_277] {strides = array<i32>} : memref<64x128xf32, #tpu.memory_space<vmem>>, vector<16xf32>,
        tpu.vector_store %arg9[%parallel_loop3A_276, %parallel_loop3A_277], %parallel_loop3A_200 {strides = array<i32>} : memref<64x128xf32, #tpu.memory_space<vmem>>, vector<16xf32>,
        %parallel_loop3A_279 = arith.constant 16 : i32
        %parallel_loop3A_280 = arith.muli %parallel_loop3A_166, %parallel_loop3A_279 : i32
        %parallel_loop3A_281 = arith.constant 10 : i32
        %parallel_loop3A_282 = arith.index_cast %parallel_loop3A_281 : i32 to index
        %parallel_loop3A_283 = arith.index_cast %parallel_loop3A_280 : i32 to index
        %parallel_loop3A_284 = tpu.vector_load %arg9[%parallel_loop3A_282, %parallel_loop3A_283] {strides = array<i32>} : memref<64x128xf32, #tpu.memory_space<vmem>>, vector<16xf32>,
        tpu.vector_store %arg9[%parallel_loop3A_282, %parallel_loop3A_283], %parallel_loop3A_203 {strides = array<i32>} : memref<64x128xf32, #tpu.memory_space<vmem>>, vector<16xf32>,
        %parallel_loop3A_285 = arith.constant 16 : i32
        %parallel_loop3A_286 = arith.muli %parallel_loop3A_166, %parallel_loop3A_285 : i32
        %parallel_loop3A_287 = arith.constant 11 : i32
        %parallel_loop3A_288 = arith.index_cast %parallel_loop3A_287 : i32 to index
        %parallel_loop3A_289 = arith.index_cast %parallel_loop3A_286 : i32 to index
        %parallel_loop3A_290 = tpu.vector_load %arg9[%parallel_loop3A_288, %parallel_loop3A_289] {strides = array<i32>} : memref<64x128xf32, #tpu.memory_space<vmem>>, vector<16xf32>,
        tpu.vector_store %arg9[%parallel_loop3A_288, %parallel_loop3A_289], %parallel_loop3A_206 {strides = array<i32>} : memref<64x128xf32, #tpu.memory_space<vmem>>, vector<16xf32>,
        %parallel_loop3A_291 = arith.constant 16 : i32
        %parallel_loop3A_292 = arith.muli %parallel_loop3A_166, %parallel_loop3A_291 : i32
        %parallel_loop3A_293 = arith.constant 12 : i32
        %parallel_loop3A_294 = arith.index_cast %parallel_loop3A_293 : i32 to index
        %parallel_loop3A_295 = arith.index_cast %parallel_loop3A_292 : i32 to index
        %parallel_loop3A_296 = tpu.vector_load %arg9[%parallel_loop3A_294, %parallel_loop3A_295] {strides = array<i32>} : memref<64x128xf32, #tpu.memory_space<vmem>>, vector<16xf32>,
        tpu.vector_store %arg9[%parallel_loop3A_294, %parallel_loop3A_295], %parallel_loop3A_209 {strides = array<i32>} : memref<64x128xf32, #tpu.memory_space<vmem>>, vector<16xf32>,
        %parallel_loop3A_297 = arith.constant 16 : i32
        %parallel_loop3A_298 = arith.muli %parallel_loop3A_166, %parallel_loop3A_297 : i32
        %parallel_loop3A_299 = arith.constant 13 : i32
        %parallel_loop3A_300 = arith.index_cast %parallel_loop3A_299 : i32 to index
        %parallel_loop3A_301 = arith.index_cast %parallel_loop3A_298 : i32 to index
        %parallel_loop3A_302 = tpu.vector_load %arg9[%parallel_loop3A_300, %parallel_loop3A_301] {strides = array<i32>} : memref<64x128xf32, #tpu.memory_space<vmem>>, vector<16xf32>,
        tpu.vector_store %arg9[%parallel_loop3A_300, %parallel_loop3A_301], %parallel_loop3A_212 {strides = array<i32>} : memref<64x128xf32, #tpu.memory_space<vmem>>, vector<16xf32>,
        %parallel_loop3A_303 = arith.constant 16 : i32
        %parallel_loop3A_304 = arith.muli %parallel_loop3A_166, %parallel_loop3A_303 : i32
        %parallel_loop3A_305 = arith.constant 14 : i32
        %parallel_loop3A_306 = arith.index_cast %parallel_loop3A_305 : i32 to index
        %parallel_loop3A_307 = arith.index_cast %parallel_loop3A_304 : i32 to index
        %parallel_loop3A_308 = tpu.vector_load %arg9[%parallel_loop3A_306, %parallel_loop3A_307] {strides = array<i32>} : memref<64x128xf32, #tpu.memory_space<vmem>>, vector<16xf32>,
        tpu.vector_store %arg9[%parallel_loop3A_306, %parallel_loop3A_307], %parallel_loop3A_215 {strides = array<i32>} : memref<64x128xf32, #tpu.memory_space<vmem>>, vector<16xf32>,
        %parallel_loop3A_309 = arith.constant 16 : i32
        %parallel_loop3A_310 = arith.muli %parallel_loop3A_166, %parallel_loop3A_309 : i32
        %parallel_loop3A_311 = arith.constant 15 : i32
        %parallel_loop3A_312 = arith.index_cast %parallel_loop3A_311 : i32 to index
        %parallel_loop3A_313 = arith.index_cast %parallel_loop3A_310 : i32 to index
        %parallel_loop3A_314 = tpu.vector_load %arg9[%parallel_loop3A_312, %parallel_loop3A_313] {strides = array<i32>} : memref<64x128xf32, #tpu.memory_space<vmem>>, vector<16xf32>,
        tpu.vector_store %arg9[%parallel_loop3A_312, %parallel_loop3A_313], %parallel_loop3A_218 {strides = array<i32>} : memref<64x128xf32, #tpu.memory_space<vmem>>, vector<16xf32>,
        %parallel_loop3A_315 = arith.constant 16 : i32
        %parallel_loop3A_316 = vector.broadcast %parallel_loop3A_315 : i32 to vector<16xi32>
        %parallel_loop3A_317 = tpu.vector_load_idx %arg7[%parallel_loop3A_170, %parallel_loop3A_316] : memref<128x128xf32, #tpu.memory_space<vmem>>[vector<16xi32>, vector<16xi32>], vector<16xf32>,
        %parallel_loop3A_318 = arith.constant 17 : i32
        %parallel_loop3A_319 = vector.broadcast %parallel_loop3A_318 : i32 to vector<16xi32>
        %parallel_loop3A_320 = tpu.vector_load_idx %arg7[%parallel_loop3A_170, %parallel_loop3A_319] : memref<128x128xf32, #tpu.memory_space<vmem>>[vector<16xi32>, vector<16xi32>], vector<16xf32>,
        %parallel_loop3A_321 = arith.constant 18 : i32
        %parallel_loop3A_322 = vector.broadcast %parallel_loop3A_321 : i32 to vector<16xi32>
        %parallel_loop3A_323 = tpu.vector_load_idx %arg7[%parallel_loop3A_170, %parallel_loop3A_322] : memref<128x128xf32, #tpu.memory_space<vmem>>[vector<16xi32>, vector<16xi32>], vector<16xf32>,
        %parallel_loop3A_324 = arith.constant 19 : i32
        %parallel_loop3A_325 = vector.broadcast %parallel_loop3A_324 : i32 to vector<16xi32>
        %parallel_loop3A_326 = tpu.vector_load_idx %arg7[%parallel_loop3A_170, %parallel_loop3A_325] : memref<128x128xf32, #tpu.memory_space<vmem>>[vector<16xi32>, vector<16xi32>], vector<16xf32>,
        %parallel_loop3A_327 = arith.constant 20 : i32
        %parallel_loop3A_328 = vector.broadcast %parallel_loop3A_327 : i32 to vector<16xi32>
        %parallel_loop3A_329 = tpu.vector_load_idx %arg7[%parallel_loop3A_170, %parallel_loop3A_328] : memref<128x128xf32, #tpu.memory_space<vmem>>[vector<16xi32>, vector<16xi32>], vector<16xf32>,
        %parallel_loop3A_330 = arith.constant 21 : i32
        %parallel_loop3A_331 = vector.broadcast %parallel_loop3A_330 : i32 to vector<16xi32>
        %parallel_loop3A_332 = tpu.vector_load_idx %arg7[%parallel_loop3A_170, %parallel_loop3A_331] : memref<128x128xf32, #tpu.memory_space<vmem>>[vector<16xi32>, vector<16xi32>], vector<16xf32>,
        %parallel_loop3A_333 = arith.constant 22 : i32
        %parallel_loop3A_334 = vector.broadcast %parallel_loop3A_333 : i32 to vector<16xi32>
        %parallel_loop3A_335 = tpu.vector_load_idx %arg7[%parallel_loop3A_170, %parallel_loop3A_334] : memref<128x128xf32, #tpu.memory_space<vmem>>[vector<16xi32>, vector<16xi32>], vector<16xf32>,
        %parallel_loop3A_336 = arith.constant 23 : i32
        %parallel_loop3A_337 = vector.broadcast %parallel_loop3A_336 : i32 to vector<16xi32>
        %parallel_loop3A_338 = tpu.vector_load_idx %arg7[%parallel_loop3A_170, %parallel_loop3A_337] : memref<128x128xf32, #tpu.memory_space<vmem>>[vector<16xi32>, vector<16xi32>], vector<16xf32>,
        %parallel_loop3A_339 = arith.constant 24 : i32
        %parallel_loop3A_340 = vector.broadcast %parallel_loop3A_339 : i32 to vector<16xi32>
        %parallel_loop3A_341 = tpu.vector_load_idx %arg7[%parallel_loop3A_170, %parallel_loop3A_340] : memref<128x128xf32, #tpu.memory_space<vmem>>[vector<16xi32>, vector<16xi32>], vector<16xf32>,
        %parallel_loop3A_342 = arith.constant 25 : i32
        %parallel_loop3A_343 = vector.broadcast %parallel_loop3A_342 : i32 to vector<16xi32>
        %parallel_loop3A_344 = tpu.vector_load_idx %arg7[%parallel_loop3A_170, %parallel_loop3A_343] : memref<128x128xf32, #tpu.memory_space<vmem>>[vector<16xi32>, vector<16xi32>], vector<16xf32>,
        %parallel_loop3A_345 = arith.constant 26 : i32
        %parallel_loop3A_346 = vector.broadcast %parallel_loop3A_345 : i32 to vector<16xi32>
        %parallel_loop3A_347 = tpu.vector_load_idx %arg7[%parallel_loop3A_170, %parallel_loop3A_346] : memref<128x128xf32, #tpu.memory_space<vmem>>[vector<16xi32>, vector<16xi32>], vector<16xf32>,
        %parallel_loop3A_348 = arith.constant 27 : i32
        %parallel_loop3A_349 = vector.broadcast %parallel_loop3A_348 : i32 to vector<16xi32>
        %parallel_loop3A_350 = tpu.vector_load_idx %arg7[%parallel_loop3A_170, %parallel_loop3A_349] : memref<128x128xf32, #tpu.memory_space<vmem>>[vector<16xi32>, vector<16xi32>], vector<16xf32>,
        %parallel_loop3A_351 = arith.constant 28 : i32
        %parallel_loop3A_352 = vector.broadcast %parallel_loop3A_351 : i32 to vector<16xi32>
        %parallel_loop3A_353 = tpu.vector_load_idx %arg7[%parallel_loop3A_170, %parallel_loop3A_352] : memref<128x128xf32, #tpu.memory_space<vmem>>[vector<16xi32>, vector<16xi32>], vector<16xf32>,
        %parallel_loop3A_354 = arith.constant 29 : i32
        %parallel_loop3A_355 = vector.broadcast %parallel_loop3A_354 : i32 to vector<16xi32>
        %parallel_loop3A_356 = tpu.vector_load_idx %arg7[%parallel_loop3A_170, %parallel_loop3A_355] : memref<128x128xf32, #tpu.memory_space<vmem>>[vector<16xi32>, vector<16xi32>], vector<16xf32>,
        %parallel_loop3A_357 = arith.constant 30 : i32
        %parallel_loop3A_358 = vector.broadcast %parallel_loop3A_357 : i32 to vector<16xi32>
        %parallel_loop3A_359 = tpu.vector_load_idx %arg7[%parallel_loop3A_170, %parallel_loop3A_358] : memref<128x128xf32, #tpu.memory_space<vmem>>[vector<16xi32>, vector<16xi32>], vector<16xf32>,
        %parallel_loop3A_360 = arith.constant 31 : i32
        %parallel_loop3A_361 = vector.broadcast %parallel_loop3A_360 : i32 to vector<16xi32>
        %parallel_loop3A_362 = tpu.vector_load_idx %arg7[%parallel_loop3A_170, %parallel_loop3A_361] : memref<128x128xf32, #tpu.memory_space<vmem>>[vector<16xi32>, vector<16xi32>], vector<16xf32>,
        %parallel_loop3A_363 = arith.constant 16 : i32
        %parallel_loop3A_364 = arith.muli %parallel_loop3A_166, %parallel_loop3A_363 : i32
        %parallel_loop3A_365 = arith.constant 16 : i32
        %parallel_loop3A_366 = arith.index_cast %parallel_loop3A_365 : i32 to index
        %parallel_loop3A_367 = arith.index_cast %parallel_loop3A_364 : i32 to index
        %parallel_loop3A_368 = tpu.vector_load %arg9[%parallel_loop3A_366, %parallel_loop3A_367] {strides = array<i32>} : memref<64x128xf32, #tpu.memory_space<vmem>>, vector<16xf32>,
        tpu.vector_store %arg9[%parallel_loop3A_366, %parallel_loop3A_367], %parallel_loop3A_317 {strides = array<i32>} : memref<64x128xf32, #tpu.memory_space<vmem>>, vector<16xf32>,
        %parallel_loop3A_369 = arith.constant 16 : i32
        %parallel_loop3A_370 = arith.muli %parallel_loop3A_166, %parallel_loop3A_369 : i32
        %parallel_loop3A_371 = arith.constant 17 : i32
        %parallel_loop3A_372 = arith.index_cast %parallel_loop3A_371 : i32 to index
        %parallel_loop3A_373 = arith.index_cast %parallel_loop3A_370 : i32 to index
        %parallel_loop3A_374 = tpu.vector_load %arg9[%parallel_loop3A_372, %parallel_loop3A_373] {strides = array<i32>} : memref<64x128xf32, #tpu.memory_space<vmem>>, vector<16xf32>,
        tpu.vector_store %arg9[%parallel_loop3A_372, %parallel_loop3A_373], %parallel_loop3A_320 {strides = array<i32>} : memref<64x128xf32, #tpu.memory_space<vmem>>, vector<16xf32>,
        %parallel_loop3A_375 = arith.constant 16 : i32
        %parallel_loop3A_376 = arith.muli %parallel_loop3A_166, %parallel_loop3A_375 : i32
        %parallel_loop3A_377 = arith.constant 18 : i32
        %parallel_loop3A_378 = arith.index_cast %parallel_loop3A_377 : i32 to index
        %parallel_loop3A_379 = arith.index_cast %parallel_loop3A_376 : i32 to index
        %parallel_loop3A_380 = tpu.vector_load %arg9[%parallel_loop3A_378, %parallel_loop3A_379] {strides = array<i32>} : memref<64x128xf32, #tpu.memory_space<vmem>>, vector<16xf32>,
        tpu.vector_store %arg9[%parallel_loop3A_378, %parallel_loop3A_379], %parallel_loop3A_323 {strides = array<i32>} : memref<64x128xf32, #tpu.memory_space<vmem>>, vector<16xf32>,
        %parallel_loop3A_381 = arith.constant 16 : i32
        %parallel_loop3A_382 = arith.muli %parallel_loop3A_166, %parallel_loop3A_381 : i32
        %parallel_loop3A_383 = arith.constant 19 : i32
        %parallel_loop3A_384 = arith.index_cast %parallel_loop3A_383 : i32 to index
        %parallel_loop3A_385 = arith.index_cast %parallel_loop3A_382 : i32 to index
        %parallel_loop3A_386 = tpu.vector_load %arg9[%parallel_loop3A_384, %parallel_loop3A_385] {strides = array<i32>} : memref<64x128xf32, #tpu.memory_space<vmem>>, vector<16xf32>,
        tpu.vector_store %arg9[%parallel_loop3A_384, %parallel_loop3A_385], %parallel_loop3A_326 {strides = array<i32>} : memref<64x128xf32, #tpu.memory_space<vmem>>, vector<16xf32>,
        %parallel_loop3A_387 = arith.constant 16 : i32
        %parallel_loop3A_388 = arith.muli %parallel_loop3A_166, %parallel_loop3A_387 : i32
        %parallel_loop3A_389 = arith.constant 20 : i32
        %parallel_loop3A_390 = arith.index_cast %parallel_loop3A_389 : i32 to index
        %parallel_loop3A_391 = arith.index_cast %parallel_loop3A_388 : i32 to index
        %parallel_loop3A_392 = tpu.vector_load %arg9[%parallel_loop3A_390, %parallel_loop3A_391] {strides = array<i32>} : memref<64x128xf32, #tpu.memory_space<vmem>>, vector<16xf32>,
        tpu.vector_store %arg9[%parallel_loop3A_390, %parallel_loop3A_391], %parallel_loop3A_329 {strides = array<i32>} : memref<64x128xf32, #tpu.memory_space<vmem>>, vector<16xf32>,
        %parallel_loop3A_393 = arith.constant 16 : i32
        %parallel_loop3A_394 = arith.muli %parallel_loop3A_166, %parallel_loop3A_393 : i32
        %parallel_loop3A_395 = arith.constant 21 : i32
        %parallel_loop3A_396 = arith.index_cast %parallel_loop3A_395 : i32 to index
        %parallel_loop3A_397 = arith.index_cast %parallel_loop3A_394 : i32 to index
        %parallel_loop3A_398 = tpu.vector_load %arg9[%parallel_loop3A_396, %parallel_loop3A_397] {strides = array<i32>} : memref<64x128xf32, #tpu.memory_space<vmem>>, vector<16xf32>,
        tpu.vector_store %arg9[%parallel_loop3A_396, %parallel_loop3A_397], %parallel_loop3A_332 {strides = array<i32>} : memref<64x128xf32, #tpu.memory_space<vmem>>, vector<16xf32>,
        %parallel_loop3A_399 = arith.constant 16 : i32
        %parallel_loop3A_400 = arith.muli %parallel_loop3A_166, %parallel_loop3A_399 : i32
        %parallel_loop3A_401 = arith.constant 22 : i32
        %parallel_loop3A_402 = arith.index_cast %parallel_loop3A_401 : i32 to index
        %parallel_loop3A_403 = arith.index_cast %parallel_loop3A_400 : i32 to index
        %parallel_loop3A_404 = tpu.vector_load %arg9[%parallel_loop3A_402, %parallel_loop3A_403] {strides = array<i32>} : memref<64x128xf32, #tpu.memory_space<vmem>>, vector<16xf32>,
        tpu.vector_store %arg9[%parallel_loop3A_402, %parallel_loop3A_403], %parallel_loop3A_335 {strides = array<i32>} : memref<64x128xf32, #tpu.memory_space<vmem>>, vector<16xf32>,
        %parallel_loop3A_405 = arith.constant 16 : i32
        %parallel_loop3A_406 = arith.muli %parallel_loop3A_166, %parallel_loop3A_405 : i32
        %parallel_loop3A_407 = arith.constant 23 : i32
        %parallel_loop3A_408 = arith.index_cast %parallel_loop3A_407 : i32 to index
        %parallel_loop3A_409 = arith.index_cast %parallel_loop3A_406 : i32 to index
        %parallel_loop3A_410 = tpu.vector_load %arg9[%parallel_loop3A_408, %parallel_loop3A_409] {strides = array<i32>} : memref<64x128xf32, #tpu.memory_space<vmem>>, vector<16xf32>,
        tpu.vector_store %arg9[%parallel_loop3A_408, %parallel_loop3A_409], %parallel_loop3A_338 {strides = array<i32>} : memref<64x128xf32, #tpu.memory_space<vmem>>, vector<16xf32>,
        %parallel_loop3A_411 = arith.constant 16 : i32
        %parallel_loop3A_412 = arith.muli %parallel_loop3A_166, %parallel_loop3A_411 : i32
        %parallel_loop3A_413 = arith.constant 24 : i32
        %parallel_loop3A_414 = arith.index_cast %parallel_loop3A_413 : i32 to index
        %parallel_loop3A_415 = arith.index_cast %parallel_loop3A_412 : i32 to index
        %parallel_loop3A_416 = tpu.vector_load %arg9[%parallel_loop3A_414, %parallel_loop3A_415] {strides = array<i32>} : memref<64x128xf32, #tpu.memory_space<vmem>>, vector<16xf32>,
        tpu.vector_store %arg9[%parallel_loop3A_414, %parallel_loop3A_415], %parallel_loop3A_341 {strides = array<i32>} : memref<64x128xf32, #tpu.memory_space<vmem>>, vector<16xf32>,
        %parallel_loop3A_417 = arith.constant 16 : i32
        %parallel_loop3A_418 = arith.muli %parallel_loop3A_166, %parallel_loop3A_417 : i32
        %parallel_loop3A_419 = arith.constant 25 : i32
        %parallel_loop3A_420 = arith.index_cast %parallel_loop3A_419 : i32 to index
        %parallel_loop3A_421 = arith.index_cast %parallel_loop3A_418 : i32 to index
        %parallel_loop3A_422 = tpu.vector_load %arg9[%parallel_loop3A_420, %parallel_loop3A_421] {strides = array<i32>} : memref<64x128xf32, #tpu.memory_space<vmem>>, vector<16xf32>,
        tpu.vector_store %arg9[%parallel_loop3A_420, %parallel_loop3A_421], %parallel_loop3A_344 {strides = array<i32>} : memref<64x128xf32, #tpu.memory_space<vmem>>, vector<16xf32>,
        %parallel_loop3A_423 = arith.constant 16 : i32
        %parallel_loop3A_424 = arith.muli %parallel_loop3A_166, %parallel_loop3A_423 : i32
        %parallel_loop3A_425 = arith.constant 26 : i32
        %parallel_loop3A_426 = arith.index_cast %parallel_loop3A_425 : i32 to index
        %parallel_loop3A_427 = arith.index_cast %parallel_loop3A_424 : i32 to index
        %parallel_loop3A_428 = tpu.vector_load %arg9[%parallel_loop3A_426, %parallel_loop3A_427] {strides = array<i32>} : memref<64x128xf32, #tpu.memory_space<vmem>>, vector<16xf32>,
        tpu.vector_store %arg9[%parallel_loop3A_426, %parallel_loop3A_427], %parallel_loop3A_347 {strides = array<i32>} : memref<64x128xf32, #tpu.memory_space<vmem>>, vector<16xf32>,
        %parallel_loop3A_429 = arith.constant 16 : i32
        %parallel_loop3A_430 = arith.muli %parallel_loop3A_166, %parallel_loop3A_429 : i32
        %parallel_loop3A_431 = arith.constant 27 : i32
        %parallel_loop3A_432 = arith.index_cast %parallel_loop3A_431 : i32 to index
        %parallel_loop3A_433 = arith.index_cast %parallel_loop3A_430 : i32 to index
        %parallel_loop3A_434 = tpu.vector_load %arg9[%parallel_loop3A_432, %parallel_loop3A_433] {strides = array<i32>} : memref<64x128xf32, #tpu.memory_space<vmem>>, vector<16xf32>,
        tpu.vector_store %arg9[%parallel_loop3A_432, %parallel_loop3A_433], %parallel_loop3A_350 {strides = array<i32>} : memref<64x128xf32, #tpu.memory_space<vmem>>, vector<16xf32>,
        %parallel_loop3A_435 = arith.constant 16 : i32
        %parallel_loop3A_436 = arith.muli %parallel_loop3A_166, %parallel_loop3A_435 : i32
        %parallel_loop3A_437 = arith.constant 28 : i32
        %parallel_loop3A_438 = arith.index_cast %parallel_loop3A_437 : i32 to index
        %parallel_loop3A_439 = arith.index_cast %parallel_loop3A_436 : i32 to index
        %parallel_loop3A_440 = tpu.vector_load %arg9[%parallel_loop3A_438, %parallel_loop3A_439] {strides = array<i32>} : memref<64x128xf32, #tpu.memory_space<vmem>>, vector<16xf32>,
        tpu.vector_store %arg9[%parallel_loop3A_438, %parallel_loop3A_439], %parallel_loop3A_353 {strides = array<i32>} : memref<64x128xf32, #tpu.memory_space<vmem>>, vector<16xf32>,
        %parallel_loop3A_441 = arith.constant 16 : i32
        %parallel_loop3A_442 = arith.muli %parallel_loop3A_166, %parallel_loop3A_441 : i32
        %parallel_loop3A_443 = arith.constant 29 : i32
        %parallel_loop3A_444 = arith.index_cast %parallel_loop3A_443 : i32 to index
        %parallel_loop3A_445 = arith.index_cast %parallel_loop3A_442 : i32 to index
        %parallel_loop3A_446 = tpu.vector_load %arg9[%parallel_loop3A_444, %parallel_loop3A_445] {strides = array<i32>} : memref<64x128xf32, #tpu.memory_space<vmem>>, vector<16xf32>,
        tpu.vector_store %arg9[%parallel_loop3A_444, %parallel_loop3A_445], %parallel_loop3A_356 {strides = array<i32>} : memref<64x128xf32, #tpu.memory_space<vmem>>, vector<16xf32>,
        %parallel_loop3A_447 = arith.constant 16 : i32
        %parallel_loop3A_448 = arith.muli %parallel_loop3A_166, %parallel_loop3A_447 : i32
        %parallel_loop3A_449 = arith.constant 30 : i32
        %parallel_loop3A_450 = arith.index_cast %parallel_loop3A_449 : i32 to index
        %parallel_loop3A_451 = arith.index_cast %parallel_loop3A_448 : i32 to index
        %parallel_loop3A_452 = tpu.vector_load %arg9[%parallel_loop3A_450, %parallel_loop3A_451] {strides = array<i32>} : memref<64x128xf32, #tpu.memory_space<vmem>>, vector<16xf32>,
        tpu.vector_store %arg9[%parallel_loop3A_450, %parallel_loop3A_451], %parallel_loop3A_359 {strides = array<i32>} : memref<64x128xf32, #tpu.memory_space<vmem>>, vector<16xf32>,
        %parallel_loop3A_453 = arith.constant 16 : i32
        %parallel_loop3A_454 = arith.muli %parallel_loop3A_166, %parallel_loop3A_453 : i32
        %parallel_loop3A_455 = arith.constant 31 : i32
        %parallel_loop3A_456 = arith.index_cast %parallel_loop3A_455 : i32 to index
        %parallel_loop3A_457 = arith.index_cast %parallel_loop3A_454 : i32 to index
        %parallel_loop3A_458 = tpu.vector_load %arg9[%parallel_loop3A_456, %parallel_loop3A_457] {strides = array<i32>} : memref<64x128xf32, #tpu.memory_space<vmem>>, vector<16xf32>,
        tpu.vector_store %arg9[%parallel_loop3A_456, %parallel_loop3A_457], %parallel_loop3A_362 {strides = array<i32>} : memref<64x128xf32, #tpu.memory_space<vmem>>, vector<16xf32>,
        %parallel_loop3A_459 = arith.constant 32 : i32
        %parallel_loop3A_460 = vector.broadcast %parallel_loop3A_459 : i32 to vector<16xi32>
        %parallel_loop3A_461 = tpu.vector_load_idx %arg7[%parallel_loop3A_170, %parallel_loop3A_460] : memref<128x128xf32, #tpu.memory_space<vmem>>[vector<16xi32>, vector<16xi32>], vector<16xf32>,
        %parallel_loop3A_462 = arith.constant 33 : i32
        %parallel_loop3A_463 = vector.broadcast %parallel_loop3A_462 : i32 to vector<16xi32>
        %parallel_loop3A_464 = tpu.vector_load_idx %arg7[%parallel_loop3A_170, %parallel_loop3A_463] : memref<128x128xf32, #tpu.memory_space<vmem>>[vector<16xi32>, vector<16xi32>], vector<16xf32>,
        %parallel_loop3A_465 = arith.constant 34 : i32
        %parallel_loop3A_466 = vector.broadcast %parallel_loop3A_465 : i32 to vector<16xi32>
        %parallel_loop3A_467 = tpu.vector_load_idx %arg7[%parallel_loop3A_170, %parallel_loop3A_466] : memref<128x128xf32, #tpu.memory_space<vmem>>[vector<16xi32>, vector<16xi32>], vector<16xf32>,
        %parallel_loop3A_468 = arith.constant 35 : i32
        %parallel_loop3A_469 = vector.broadcast %parallel_loop3A_468 : i32 to vector<16xi32>
        %parallel_loop3A_470 = tpu.vector_load_idx %arg7[%parallel_loop3A_170, %parallel_loop3A_469] : memref<128x128xf32, #tpu.memory_space<vmem>>[vector<16xi32>, vector<16xi32>], vector<16xf32>,
        %parallel_loop3A_471 = arith.constant 36 : i32
        %parallel_loop3A_472 = vector.broadcast %parallel_loop3A_471 : i32 to vector<16xi32>
        %parallel_loop3A_473 = tpu.vector_load_idx %arg7[%parallel_loop3A_170, %parallel_loop3A_472] : memref<128x128xf32, #tpu.memory_space<vmem>>[vector<16xi32>, vector<16xi32>], vector<16xf32>,
        %parallel_loop3A_474 = arith.constant 37 : i32
        %parallel_loop3A_475 = vector.broadcast %parallel_loop3A_474 : i32 to vector<16xi32>
        %parallel_loop3A_476 = tpu.vector_load_idx %arg7[%parallel_loop3A_170, %parallel_loop3A_475] : memref<128x128xf32, #tpu.memory_space<vmem>>[vector<16xi32>, vector<16xi32>], vector<16xf32>,
        %parallel_loop3A_477 = arith.constant 38 : i32
        %parallel_loop3A_478 = vector.broadcast %parallel_loop3A_477 : i32 to vector<16xi32>
        %parallel_loop3A_479 = tpu.vector_load_idx %arg7[%parallel_loop3A_170, %parallel_loop3A_478] : memref<128x128xf32, #tpu.memory_space<vmem>>[vector<16xi32>, vector<16xi32>], vector<16xf32>,
        %parallel_loop3A_480 = arith.constant 39 : i32
        %parallel_loop3A_481 = vector.broadcast %parallel_loop3A_480 : i32 to vector<16xi32>
        %parallel_loop3A_482 = tpu.vector_load_idx %arg7[%parallel_loop3A_170, %parallel_loop3A_481] : memref<128x128xf32, #tpu.memory_space<vmem>>[vector<16xi32>, vector<16xi32>], vector<16xf32>,
        %parallel_loop3A_483 = arith.constant 40 : i32
        %parallel_loop3A_484 = vector.broadcast %parallel_loop3A_483 : i32 to vector<16xi32>
        %parallel_loop3A_485 = tpu.vector_load_idx %arg7[%parallel_loop3A_170, %parallel_loop3A_484] : memref<128x128xf32, #tpu.memory_space<vmem>>[vector<16xi32>, vector<16xi32>], vector<16xf32>,
        %parallel_loop3A_486 = arith.constant 41 : i32
        %parallel_loop3A_487 = vector.broadcast %parallel_loop3A_486 : i32 to vector<16xi32>
        %parallel_loop3A_488 = tpu.vector_load_idx %arg7[%parallel_loop3A_170, %parallel_loop3A_487] : memref<128x128xf32, #tpu.memory_space<vmem>>[vector<16xi32>, vector<16xi32>], vector<16xf32>,
        %parallel_loop3A_489 = arith.constant 42 : i32
        %parallel_loop3A_490 = vector.broadcast %parallel_loop3A_489 : i32 to vector<16xi32>
        %parallel_loop3A_491 = tpu.vector_load_idx %arg7[%parallel_loop3A_170, %parallel_loop3A_490] : memref<128x128xf32, #tpu.memory_space<vmem>>[vector<16xi32>, vector<16xi32>], vector<16xf32>,
        %parallel_loop3A_492 = arith.constant 43 : i32
        %parallel_loop3A_493 = vector.broadcast %parallel_loop3A_492 : i32 to vector<16xi32>
        %parallel_loop3A_494 = tpu.vector_load_idx %arg7[%parallel_loop3A_170, %parallel_loop3A_493] : memref<128x128xf32, #tpu.memory_space<vmem>>[vector<16xi32>, vector<16xi32>], vector<16xf32>,
        %parallel_loop3A_495 = arith.constant 44 : i32
        %parallel_loop3A_496 = vector.broadcast %parallel_loop3A_495 : i32 to vector<16xi32>
        %parallel_loop3A_497 = tpu.vector_load_idx %arg7[%parallel_loop3A_170, %parallel_loop3A_496] : memref<128x128xf32, #tpu.memory_space<vmem>>[vector<16xi32>, vector<16xi32>], vector<16xf32>,
        %parallel_loop3A_498 = arith.constant 45 : i32
        %parallel_loop3A_499 = vector.broadcast %parallel_loop3A_498 : i32 to vector<16xi32>
        %parallel_loop3A_500 = tpu.vector_load_idx %arg7[%parallel_loop3A_170, %parallel_loop3A_499] : memref<128x128xf32, #tpu.memory_space<vmem>>[vector<16xi32>, vector<16xi32>], vector<16xf32>,
        %parallel_loop3A_501 = arith.constant 46 : i32
        %parallel_loop3A_502 = vector.broadcast %parallel_loop3A_501 : i32 to vector<16xi32>
        %parallel_loop3A_503 = tpu.vector_load_idx %arg7[%parallel_loop3A_170, %parallel_loop3A_502] : memref<128x128xf32, #tpu.memory_space<vmem>>[vector<16xi32>, vector<16xi32>], vector<16xf32>,
        %parallel_loop3A_504 = arith.constant 47 : i32
        %parallel_loop3A_505 = vector.broadcast %parallel_loop3A_504 : i32 to vector<16xi32>
        %parallel_loop3A_506 = tpu.vector_load_idx %arg7[%parallel_loop3A_170, %parallel_loop3A_505] : memref<128x128xf32, #tpu.memory_space<vmem>>[vector<16xi32>, vector<16xi32>], vector<16xf32>,
        %parallel_loop3A_507 = arith.constant 16 : i32
        %parallel_loop3A_508 = arith.muli %parallel_loop3A_166, %parallel_loop3A_507 : i32
        %parallel_loop3A_509 = arith.constant 32 : i32
        %parallel_loop3A_510 = arith.index_cast %parallel_loop3A_509 : i32 to index
        %parallel_loop3A_511 = arith.index_cast %parallel_loop3A_508 : i32 to index
        %parallel_loop3A_512 = tpu.vector_load %arg9[%parallel_loop3A_510, %parallel_loop3A_511] {strides = array<i32>} : memref<64x128xf32, #tpu.memory_space<vmem>>, vector<16xf32>,
        tpu.vector_store %arg9[%parallel_loop3A_510, %parallel_loop3A_511], %parallel_loop3A_461 {strides = array<i32>} : memref<64x128xf32, #tpu.memory_space<vmem>>, vector<16xf32>,
        %parallel_loop3A_513 = arith.constant 16 : i32
        %parallel_loop3A_514 = arith.muli %parallel_loop3A_166, %parallel_loop3A_513 : i32
        %parallel_loop3A_515 = arith.constant 33 : i32
        %parallel_loop3A_516 = arith.index_cast %parallel_loop3A_515 : i32 to index
        %parallel_loop3A_517 = arith.index_cast %parallel_loop3A_514 : i32 to index
        %parallel_loop3A_518 = tpu.vector_load %arg9[%parallel_loop3A_516, %parallel_loop3A_517] {strides = array<i32>} : memref<64x128xf32, #tpu.memory_space<vmem>>, vector<16xf32>,
        tpu.vector_store %arg9[%parallel_loop3A_516, %parallel_loop3A_517], %parallel_loop3A_464 {strides = array<i32>} : memref<64x128xf32, #tpu.memory_space<vmem>>, vector<16xf32>,
        %parallel_loop3A_519 = arith.constant 16 : i32
        %parallel_loop3A_520 = arith.muli %parallel_loop3A_166, %parallel_loop3A_519 : i32
        %parallel_loop3A_521 = arith.constant 34 : i32
        %parallel_loop3A_522 = arith.index_cast %parallel_loop3A_521 : i32 to index
        %parallel_loop3A_523 = arith.index_cast %parallel_loop3A_520 : i32 to index
        %parallel_loop3A_524 = tpu.vector_load %arg9[%parallel_loop3A_522, %parallel_loop3A_523] {strides = array<i32>} : memref<64x128xf32, #tpu.memory_space<vmem>>, vector<16xf32>,
        tpu.vector_store %arg9[%parallel_loop3A_522, %parallel_loop3A_523], %parallel_loop3A_467 {strides = array<i32>} : memref<64x128xf32, #tpu.memory_space<vmem>>, vector<16xf32>,
        %parallel_loop3A_525 = arith.constant 16 : i32
        %parallel_loop3A_526 = arith.muli %parallel_loop3A_166, %parallel_loop3A_525 : i32
        %parallel_loop3A_527 = arith.constant 35 : i32
        %parallel_loop3A_528 = arith.index_cast %parallel_loop3A_527 : i32 to index
        %parallel_loop3A_529 = arith.index_cast %parallel_loop3A_526 : i32 to index
        %parallel_loop3A_530 = tpu.vector_load %arg9[%parallel_loop3A_528, %parallel_loop3A_529] {strides = array<i32>} : memref<64x128xf32, #tpu.memory_space<vmem>>, vector<16xf32>,
        tpu.vector_store %arg9[%parallel_loop3A_528, %parallel_loop3A_529], %parallel_loop3A_470 {strides = array<i32>} : memref<64x128xf32, #tpu.memory_space<vmem>>, vector<16xf32>,
        %parallel_loop3A_531 = arith.constant 16 : i32
        %parallel_loop3A_532 = arith.muli %parallel_loop3A_166, %parallel_loop3A_531 : i32
        %parallel_loop3A_533 = arith.constant 36 : i32
        %parallel_loop3A_534 = arith.index_cast %parallel_loop3A_533 : i32 to index
        %parallel_loop3A_535 = arith.index_cast %parallel_loop3A_532 : i32 to index
        %parallel_loop3A_536 = tpu.vector_load %arg9[%parallel_loop3A_534, %parallel_loop3A_535] {strides = array<i32>} : memref<64x128xf32, #tpu.memory_space<vmem>>, vector<16xf32>,
        tpu.vector_store %arg9[%parallel_loop3A_534, %parallel_loop3A_535], %parallel_loop3A_473 {strides = array<i32>} : memref<64x128xf32, #tpu.memory_space<vmem>>, vector<16xf32>,
        %parallel_loop3A_537 = arith.constant 16 : i32
        %parallel_loop3A_538 = arith.muli %parallel_loop3A_166, %parallel_loop3A_537 : i32
        %parallel_loop3A_539 = arith.constant 37 : i32
        %parallel_loop3A_540 = arith.index_cast %parallel_loop3A_539 : i32 to index
        %parallel_loop3A_541 = arith.index_cast %parallel_loop3A_538 : i32 to index
        %parallel_loop3A_542 = tpu.vector_load %arg9[%parallel_loop3A_540, %parallel_loop3A_541] {strides = array<i32>} : memref<64x128xf32, #tpu.memory_space<vmem>>, vector<16xf32>,
        tpu.vector_store %arg9[%parallel_loop3A_540, %parallel_loop3A_541], %parallel_loop3A_476 {strides = array<i32>} : memref<64x128xf32, #tpu.memory_space<vmem>>, vector<16xf32>,
        %parallel_loop3A_543 = arith.constant 16 : i32
        %parallel_loop3A_544 = arith.muli %parallel_loop3A_166, %parallel_loop3A_543 : i32
        %parallel_loop3A_545 = arith.constant 38 : i32
        %parallel_loop3A_546 = arith.index_cast %parallel_loop3A_545 : i32 to index
        %parallel_loop3A_547 = arith.index_cast %parallel_loop3A_544 : i32 to index
        %parallel_loop3A_548 = tpu.vector_load %arg9[%parallel_loop3A_546, %parallel_loop3A_547] {strides = array<i32>} : memref<64x128xf32, #tpu.memory_space<vmem>>, vector<16xf32>,
        tpu.vector_store %arg9[%parallel_loop3A_546, %parallel_loop3A_547], %parallel_loop3A_479 {strides = array<i32>} : memref<64x128xf32, #tpu.memory_space<vmem>>, vector<16xf32>,
        %parallel_loop3A_549 = arith.constant 16 : i32
        %parallel_loop3A_550 = arith.muli %parallel_loop3A_166, %parallel_loop3A_549 : i32
        %parallel_loop3A_551 = arith.constant 39 : i32
        %parallel_loop3A_552 = arith.index_cast %parallel_loop3A_551 : i32 to index
        %parallel_loop3A_553 = arith.index_cast %parallel_loop3A_550 : i32 to index
        %parallel_loop3A_554 = tpu.vector_load %arg9[%parallel_loop3A_552, %parallel_loop3A_553] {strides = array<i32>} : memref<64x128xf32, #tpu.memory_space<vmem>>, vector<16xf32>,
        tpu.vector_store %arg9[%parallel_loop3A_552, %parallel_loop3A_553], %parallel_loop3A_482 {strides = array<i32>} : memref<64x128xf32, #tpu.memory_space<vmem>>, vector<16xf32>,
        %parallel_loop3A_555 = arith.constant 16 : i32
        %parallel_loop3A_556 = arith.muli %parallel_loop3A_166, %parallel_loop3A_555 : i32
        %parallel_loop3A_557 = arith.constant 40 : i32
        %parallel_loop3A_558 = arith.index_cast %parallel_loop3A_557 : i32 to index
        %parallel_loop3A_559 = arith.index_cast %parallel_loop3A_556 : i32 to index
        %parallel_loop3A_560 = tpu.vector_load %arg9[%parallel_loop3A_558, %parallel_loop3A_559] {strides = array<i32>} : memref<64x128xf32, #tpu.memory_space<vmem>>, vector<16xf32>,
        tpu.vector_store %arg9[%parallel_loop3A_558, %parallel_loop3A_559], %parallel_loop3A_485 {strides = array<i32>} : memref<64x128xf32, #tpu.memory_space<vmem>>, vector<16xf32>,
        %parallel_loop3A_561 = arith.constant 16 : i32
        %parallel_loop3A_562 = arith.muli %parallel_loop3A_166, %parallel_loop3A_561 : i32
        %parallel_loop3A_563 = arith.constant 41 : i32
        %parallel_loop3A_564 = arith.index_cast %parallel_loop3A_563 : i32 to index
        %parallel_loop3A_565 = arith.index_cast %parallel_loop3A_562 : i32 to index
        %parallel_loop3A_566 = tpu.vector_load %arg9[%parallel_loop3A_564, %parallel_loop3A_565] {strides = array<i32>} : memref<64x128xf32, #tpu.memory_space<vmem>>, vector<16xf32>,
        tpu.vector_store %arg9[%parallel_loop3A_564, %parallel_loop3A_565], %parallel_loop3A_488 {strides = array<i32>} : memref<64x128xf32, #tpu.memory_space<vmem>>, vector<16xf32>,
        %parallel_loop3A_567 = arith.constant 16 : i32
        %parallel_loop3A_568 = arith.muli %parallel_loop3A_166, %parallel_loop3A_567 : i32
        %parallel_loop3A_569 = arith.constant 42 : i32
        %parallel_loop3A_570 = arith.index_cast %parallel_loop3A_569 : i32 to index
        %parallel_loop3A_571 = arith.index_cast %parallel_loop3A_568 : i32 to index
        %parallel_loop3A_572 = tpu.vector_load %arg9[%parallel_loop3A_570, %parallel_loop3A_571] {strides = array<i32>} : memref<64x128xf32, #tpu.memory_space<vmem>>, vector<16xf32>,
        tpu.vector_store %arg9[%parallel_loop3A_570, %parallel_loop3A_571], %parallel_loop3A_491 {strides = array<i32>} : memref<64x128xf32, #tpu.memory_space<vmem>>, vector<16xf32>,
        %parallel_loop3A_573 = arith.constant 16 : i32
        %parallel_loop3A_574 = arith.muli %parallel_loop3A_166, %parallel_loop3A_573 : i32
        %parallel_loop3A_575 = arith.constant 43 : i32
        %parallel_loop3A_576 = arith.index_cast %parallel_loop3A_575 : i32 to index
        %parallel_loop3A_577 = arith.index_cast %parallel_loop3A_574 : i32 to index
        %parallel_loop3A_578 = tpu.vector_load %arg9[%parallel_loop3A_576, %parallel_loop3A_577] {strides = array<i32>} : memref<64x128xf32, #tpu.memory_space<vmem>>, vector<16xf32>,
        tpu.vector_store %arg9[%parallel_loop3A_576, %parallel_loop3A_577], %parallel_loop3A_494 {strides = array<i32>} : memref<64x128xf32, #tpu.memory_space<vmem>>, vector<16xf32>,
        %parallel_loop3A_579 = arith.constant 16 : i32
        %parallel_loop3A_580 = arith.muli %parallel_loop3A_166, %parallel_loop3A_579 : i32
        %parallel_loop3A_581 = arith.constant 44 : i32
        %parallel_loop3A_582 = arith.index_cast %parallel_loop3A_581 : i32 to index
        %parallel_loop3A_583 = arith.index_cast %parallel_loop3A_580 : i32 to index
        %parallel_loop3A_584 = tpu.vector_load %arg9[%parallel_loop3A_582, %parallel_loop3A_583] {strides = array<i32>} : memref<64x128xf32, #tpu.memory_space<vmem>>, vector<16xf32>,
        tpu.vector_store %arg9[%parallel_loop3A_582, %parallel_loop3A_583], %parallel_loop3A_497 {strides = array<i32>} : memref<64x128xf32, #tpu.memory_space<vmem>>, vector<16xf32>,
        %parallel_loop3A_585 = arith.constant 16 : i32
        %parallel_loop3A_586 = arith.muli %parallel_loop3A_166, %parallel_loop3A_585 : i32
        %parallel_loop3A_587 = arith.constant 45 : i32
        %parallel_loop3A_588 = arith.index_cast %parallel_loop3A_587 : i32 to index
        %parallel_loop3A_589 = arith.index_cast %parallel_loop3A_586 : i32 to index
        %parallel_loop3A_590 = tpu.vector_load %arg9[%parallel_loop3A_588, %parallel_loop3A_589] {strides = array<i32>} : memref<64x128xf32, #tpu.memory_space<vmem>>, vector<16xf32>,
        tpu.vector_store %arg9[%parallel_loop3A_588, %parallel_loop3A_589], %parallel_loop3A_500 {strides = array<i32>} : memref<64x128xf32, #tpu.memory_space<vmem>>, vector<16xf32>,
        %parallel_loop3A_591 = arith.constant 16 : i32
        %parallel_loop3A_592 = arith.muli %parallel_loop3A_166, %parallel_loop3A_591 : i32
        %parallel_loop3A_593 = arith.constant 46 : i32
        %parallel_loop3A_594 = arith.index_cast %parallel_loop3A_593 : i32 to index
        %parallel_loop3A_595 = arith.index_cast %parallel_loop3A_592 : i32 to index
        %parallel_loop3A_596 = tpu.vector_load %arg9[%parallel_loop3A_594, %parallel_loop3A_595] {strides = array<i32>} : memref<64x128xf32, #tpu.memory_space<vmem>>, vector<16xf32>,
        tpu.vector_store %arg9[%parallel_loop3A_594, %parallel_loop3A_595], %parallel_loop3A_503 {strides = array<i32>} : memref<64x128xf32, #tpu.memory_space<vmem>>, vector<16xf32>,
        %parallel_loop3A_597 = arith.constant 16 : i32
        %parallel_loop3A_598 = arith.muli %parallel_loop3A_166, %parallel_loop3A_597 : i32
        %parallel_loop3A_599 = arith.constant 47 : i32
        %parallel_loop3A_600 = arith.index_cast %parallel_loop3A_599 : i32 to index
        %parallel_loop3A_601 = arith.index_cast %parallel_loop3A_598 : i32 to index
        %parallel_loop3A_602 = tpu.vector_load %arg9[%parallel_loop3A_600, %parallel_loop3A_601] {strides = array<i32>} : memref<64x128xf32, #tpu.memory_space<vmem>>, vector<16xf32>,
        tpu.vector_store %arg9[%parallel_loop3A_600, %parallel_loop3A_601], %parallel_loop3A_506 {strides = array<i32>} : memref<64x128xf32, #tpu.memory_space<vmem>>, vector<16xf32>,
        %parallel_loop3A_603 = arith.constant 48 : i32
        %parallel_loop3A_604 = vector.broadcast %parallel_loop3A_603 : i32 to vector<16xi32>
        %parallel_loop3A_605 = tpu.vector_load_idx %arg7[%parallel_loop3A_170, %parallel_loop3A_604] : memref<128x128xf32, #tpu.memory_space<vmem>>[vector<16xi32>, vector<16xi32>], vector<16xf32>,
        %parallel_loop3A_606 = arith.constant 49 : i32
        %parallel_loop3A_607 = vector.broadcast %parallel_loop3A_606 : i32 to vector<16xi32>
        %parallel_loop3A_608 = tpu.vector_load_idx %arg7[%parallel_loop3A_170, %parallel_loop3A_607] : memref<128x128xf32, #tpu.memory_space<vmem>>[vector<16xi32>, vector<16xi32>], vector<16xf32>,
        %parallel_loop3A_609 = arith.constant 50 : i32
        %parallel_loop3A_610 = vector.broadcast %parallel_loop3A_609 : i32 to vector<16xi32>
        %parallel_loop3A_611 = tpu.vector_load_idx %arg7[%parallel_loop3A_170, %parallel_loop3A_610] : memref<128x128xf32, #tpu.memory_space<vmem>>[vector<16xi32>, vector<16xi32>], vector<16xf32>,
        %parallel_loop3A_612 = arith.constant 51 : i32
        %parallel_loop3A_613 = vector.broadcast %parallel_loop3A_612 : i32 to vector<16xi32>
        %parallel_loop3A_614 = tpu.vector_load_idx %arg7[%parallel_loop3A_170, %parallel_loop3A_613] : memref<128x128xf32, #tpu.memory_space<vmem>>[vector<16xi32>, vector<16xi32>], vector<16xf32>,
        %parallel_loop3A_615 = arith.constant 52 : i32
        %parallel_loop3A_616 = vector.broadcast %parallel_loop3A_615 : i32 to vector<16xi32>
        %parallel_loop3A_617 = tpu.vector_load_idx %arg7[%parallel_loop3A_170, %parallel_loop3A_616] : memref<128x128xf32, #tpu.memory_space<vmem>>[vector<16xi32>, vector<16xi32>], vector<16xf32>,
        %parallel_loop3A_618 = arith.constant 53 : i32
        %parallel_loop3A_619 = vector.broadcast %parallel_loop3A_618 : i32 to vector<16xi32>
        %parallel_loop3A_620 = tpu.vector_load_idx %arg7[%parallel_loop3A_170, %parallel_loop3A_619] : memref<128x128xf32, #tpu.memory_space<vmem>>[vector<16xi32>, vector<16xi32>], vector<16xf32>,
        %parallel_loop3A_621 = arith.constant 54 : i32
        %parallel_loop3A_622 = vector.broadcast %parallel_loop3A_621 : i32 to vector<16xi32>
        %parallel_loop3A_623 = tpu.vector_load_idx %arg7[%parallel_loop3A_170, %parallel_loop3A_622] : memref<128x128xf32, #tpu.memory_space<vmem>>[vector<16xi32>, vector<16xi32>], vector<16xf32>,
        %parallel_loop3A_624 = arith.constant 55 : i32
        %parallel_loop3A_625 = vector.broadcast %parallel_loop3A_624 : i32 to vector<16xi32>
        %parallel_loop3A_626 = tpu.vector_load_idx %arg7[%parallel_loop3A_170, %parallel_loop3A_625] : memref<128x128xf32, #tpu.memory_space<vmem>>[vector<16xi32>, vector<16xi32>], vector<16xf32>,
        %parallel_loop3A_627 = arith.constant 56 : i32
        %parallel_loop3A_628 = vector.broadcast %parallel_loop3A_627 : i32 to vector<16xi32>
        %parallel_loop3A_629 = tpu.vector_load_idx %arg7[%parallel_loop3A_170, %parallel_loop3A_628] : memref<128x128xf32, #tpu.memory_space<vmem>>[vector<16xi32>, vector<16xi32>], vector<16xf32>,
        %parallel_loop3A_630 = arith.constant 57 : i32
        %parallel_loop3A_631 = vector.broadcast %parallel_loop3A_630 : i32 to vector<16xi32>
        %parallel_loop3A_632 = tpu.vector_load_idx %arg7[%parallel_loop3A_170, %parallel_loop3A_631] : memref<128x128xf32, #tpu.memory_space<vmem>>[vector<16xi32>, vector<16xi32>], vector<16xf32>,
        %parallel_loop3A_633 = arith.constant 58 : i32
        %parallel_loop3A_634 = vector.broadcast %parallel_loop3A_633 : i32 to vector<16xi32>
        %parallel_loop3A_635 = tpu.vector_load_idx %arg7[%parallel_loop3A_170, %parallel_loop3A_634] : memref<128x128xf32, #tpu.memory_space<vmem>>[vector<16xi32>, vector<16xi32>], vector<16xf32>,
        %parallel_loop3A_636 = arith.constant 59 : i32
        %parallel_loop3A_637 = vector.broadcast %parallel_loop3A_636 : i32 to vector<16xi32>
        %parallel_loop3A_638 = tpu.vector_load_idx %arg7[%parallel_loop3A_170, %parallel_loop3A_637] : memref<128x128xf32, #tpu.memory_space<vmem>>[vector<16xi32>, vector<16xi32>], vector<16xf32>,
        %parallel_loop3A_639 = arith.constant 60 : i32
        %parallel_loop3A_640 = vector.broadcast %parallel_loop3A_639 : i32 to vector<16xi32>
        %parallel_loop3A_641 = tpu.vector_load_idx %arg7[%parallel_loop3A_170, %parallel_loop3A_640] : memref<128x128xf32, #tpu.memory_space<vmem>>[vector<16xi32>, vector<16xi32>], vector<16xf32>,
        %parallel_loop3A_642 = arith.constant 61 : i32
        %parallel_loop3A_643 = vector.broadcast %parallel_loop3A_642 : i32 to vector<16xi32>
        %parallel_loop3A_644 = tpu.vector_load_idx %arg7[%parallel_loop3A_170, %parallel_loop3A_643] : memref<128x128xf32, #tpu.memory_space<vmem>>[vector<16xi32>, vector<16xi32>], vector<16xf32>,
        %parallel_loop3A_645 = arith.constant 62 : i32
        %parallel_loop3A_646 = vector.broadcast %parallel_loop3A_645 : i32 to vector<16xi32>
        %parallel_loop3A_647 = tpu.vector_load_idx %arg7[%parallel_loop3A_170, %parallel_loop3A_646] : memref<128x128xf32, #tpu.memory_space<vmem>>[vector<16xi32>, vector<16xi32>], vector<16xf32>,
        %parallel_loop3A_648 = arith.constant 63 : i32
        %parallel_loop3A_649 = vector.broadcast %parallel_loop3A_648 : i32 to vector<16xi32>
        %parallel_loop3A_650 = tpu.vector_load_idx %arg7[%parallel_loop3A_170, %parallel_loop3A_649] : memref<128x128xf32, #tpu.memory_space<vmem>>[vector<16xi32>, vector<16xi32>], vector<16xf32>,
        %parallel_loop3A_651 = arith.constant 16 : i32
        %parallel_loop3A_652 = arith.muli %parallel_loop3A_166, %parallel_loop3A_651 : i32
        %parallel_loop3A_653 = arith.constant 48 : i32
        %parallel_loop3A_654 = arith.index_cast %parallel_loop3A_653 : i32 to index
        %parallel_loop3A_655 = arith.index_cast %parallel_loop3A_652 : i32 to index
        %parallel_loop3A_656 = tpu.vector_load %arg9[%parallel_loop3A_654, %parallel_loop3A_655] {strides = array<i32>} : memref<64x128xf32, #tpu.memory_space<vmem>>, vector<16xf32>,
        tpu.vector_store %arg9[%parallel_loop3A_654, %parallel_loop3A_655], %parallel_loop3A_605 {strides = array<i32>} : memref<64x128xf32, #tpu.memory_space<vmem>>, vector<16xf32>,
        %parallel_loop3A_657 = arith.constant 16 : i32
        %parallel_loop3A_658 = arith.muli %parallel_loop3A_166, %parallel_loop3A_657 : i32
        %parallel_loop3A_659 = arith.constant 49 : i32
        %parallel_loop3A_660 = arith.index_cast %parallel_loop3A_659 : i32 to index
        %parallel_loop3A_661 = arith.index_cast %parallel_loop3A_658 : i32 to index
        %parallel_loop3A_662 = tpu.vector_load %arg9[%parallel_loop3A_660, %parallel_loop3A_661] {strides = array<i32>} : memref<64x128xf32, #tpu.memory_space<vmem>>, vector<16xf32>,
        tpu.vector_store %arg9[%parallel_loop3A_660, %parallel_loop3A_661], %parallel_loop3A_608 {strides = array<i32>} : memref<64x128xf32, #tpu.memory_space<vmem>>, vector<16xf32>,
        %parallel_loop3A_663 = arith.constant 16 : i32
        %parallel_loop3A_664 = arith.muli %parallel_loop3A_166, %parallel_loop3A_663 : i32
        %parallel_loop3A_665 = arith.constant 50 : i32
        %parallel_loop3A_666 = arith.index_cast %parallel_loop3A_665 : i32 to index
        %parallel_loop3A_667 = arith.index_cast %parallel_loop3A_664 : i32 to index
        %parallel_loop3A_668 = tpu.vector_load %arg9[%parallel_loop3A_666, %parallel_loop3A_667] {strides = array<i32>} : memref<64x128xf32, #tpu.memory_space<vmem>>, vector<16xf32>,
        tpu.vector_store %arg9[%parallel_loop3A_666, %parallel_loop3A_667], %parallel_loop3A_611 {strides = array<i32>} : memref<64x128xf32, #tpu.memory_space<vmem>>, vector<16xf32>,
        %parallel_loop3A_669 = arith.constant 16 : i32
        %parallel_loop3A_670 = arith.muli %parallel_loop3A_166, %parallel_loop3A_669 : i32
        %parallel_loop3A_671 = arith.constant 51 : i32
        %parallel_loop3A_672 = arith.index_cast %parallel_loop3A_671 : i32 to index
        %parallel_loop3A_673 = arith.index_cast %parallel_loop3A_670 : i32 to index
        %parallel_loop3A_674 = tpu.vector_load %arg9[%parallel_loop3A_672, %parallel_loop3A_673] {strides = array<i32>} : memref<64x128xf32, #tpu.memory_space<vmem>>, vector<16xf32>,
        tpu.vector_store %arg9[%parallel_loop3A_672, %parallel_loop3A_673], %parallel_loop3A_614 {strides = array<i32>} : memref<64x128xf32, #tpu.memory_space<vmem>>, vector<16xf32>,
        %parallel_loop3A_675 = arith.constant 16 : i32
        %parallel_loop3A_676 = arith.muli %parallel_loop3A_166, %parallel_loop3A_675 : i32
        %parallel_loop3A_677 = arith.constant 52 : i32
        %parallel_loop3A_678 = arith.index_cast %parallel_loop3A_677 : i32 to index
        %parallel_loop3A_679 = arith.index_cast %parallel_loop3A_676 : i32 to index
        %parallel_loop3A_680 = tpu.vector_load %arg9[%parallel_loop3A_678, %parallel_loop3A_679] {strides = array<i32>} : memref<64x128xf32, #tpu.memory_space<vmem>>, vector<16xf32>,
        tpu.vector_store %arg9[%parallel_loop3A_678, %parallel_loop3A_679], %parallel_loop3A_617 {strides = array<i32>} : memref<64x128xf32, #tpu.memory_space<vmem>>, vector<16xf32>,
        %parallel_loop3A_681 = arith.constant 16 : i32
        %parallel_loop3A_682 = arith.muli %parallel_loop3A_166, %parallel_loop3A_681 : i32
        %parallel_loop3A_683 = arith.constant 53 : i32
        %parallel_loop3A_684 = arith.index_cast %parallel_loop3A_683 : i32 to index
        %parallel_loop3A_685 = arith.index_cast %parallel_loop3A_682 : i32 to index
        %parallel_loop3A_686 = tpu.vector_load %arg9[%parallel_loop3A_684, %parallel_loop3A_685] {strides = array<i32>} : memref<64x128xf32, #tpu.memory_space<vmem>>, vector<16xf32>,
        tpu.vector_store %arg9[%parallel_loop3A_684, %parallel_loop3A_685], %parallel_loop3A_620 {strides = array<i32>} : memref<64x128xf32, #tpu.memory_space<vmem>>, vector<16xf32>,
        %parallel_loop3A_687 = arith.constant 16 : i32
        %parallel_loop3A_688 = arith.muli %parallel_loop3A_166, %parallel_loop3A_687 : i32
        %parallel_loop3A_689 = arith.constant 54 : i32
        %parallel_loop3A_690 = arith.index_cast %parallel_loop3A_689 : i32 to index
        %parallel_loop3A_691 = arith.index_cast %parallel_loop3A_688 : i32 to index
        %parallel_loop3A_692 = tpu.vector_load %arg9[%parallel_loop3A_690, %parallel_loop3A_691] {strides = array<i32>} : memref<64x128xf32, #tpu.memory_space<vmem>>, vector<16xf32>,
        tpu.vector_store %arg9[%parallel_loop3A_690, %parallel_loop3A_691], %parallel_loop3A_623 {strides = array<i32>} : memref<64x128xf32, #tpu.memory_space<vmem>>, vector<16xf32>,
        %parallel_loop3A_693 = arith.constant 16 : i32
        %parallel_loop3A_694 = arith.muli %parallel_loop3A_166, %parallel_loop3A_693 : i32
        %parallel_loop3A_695 = arith.constant 55 : i32
        %parallel_loop3A_696 = arith.index_cast %parallel_loop3A_695 : i32 to index
        %parallel_loop3A_697 = arith.index_cast %parallel_loop3A_694 : i32 to index
        %parallel_loop3A_698 = tpu.vector_load %arg9[%parallel_loop3A_696, %parallel_loop3A_697] {strides = array<i32>} : memref<64x128xf32, #tpu.memory_space<vmem>>, vector<16xf32>,
        tpu.vector_store %arg9[%parallel_loop3A_696, %parallel_loop3A_697], %parallel_loop3A_626 {strides = array<i32>} : memref<64x128xf32, #tpu.memory_space<vmem>>, vector<16xf32>,
        %parallel_loop3A_699 = arith.constant 16 : i32
        %parallel_loop3A_700 = arith.muli %parallel_loop3A_166, %parallel_loop3A_699 : i32
        %parallel_loop3A_701 = arith.constant 56 : i32
        %parallel_loop3A_702 = arith.index_cast %parallel_loop3A_701 : i32 to index
        %parallel_loop3A_703 = arith.index_cast %parallel_loop3A_700 : i32 to index
        %parallel_loop3A_704 = tpu.vector_load %arg9[%parallel_loop3A_702, %parallel_loop3A_703] {strides = array<i32>} : memref<64x128xf32, #tpu.memory_space<vmem>>, vector<16xf32>,
        tpu.vector_store %arg9[%parallel_loop3A_702, %parallel_loop3A_703], %parallel_loop3A_629 {strides = array<i32>} : memref<64x128xf32, #tpu.memory_space<vmem>>, vector<16xf32>,
        %parallel_loop3A_705 = arith.constant 16 : i32
        %parallel_loop3A_706 = arith.muli %parallel_loop3A_166, %parallel_loop3A_705 : i32
        %parallel_loop3A_707 = arith.constant 57 : i32
        %parallel_loop3A_708 = arith.index_cast %parallel_loop3A_707 : i32 to index
        %parallel_loop3A_709 = arith.index_cast %parallel_loop3A_706 : i32 to index
        %parallel_loop3A_710 = tpu.vector_load %arg9[%parallel_loop3A_708, %parallel_loop3A_709] {strides = array<i32>} : memref<64x128xf32, #tpu.memory_space<vmem>>, vector<16xf32>,
        tpu.vector_store %arg9[%parallel_loop3A_708, %parallel_loop3A_709], %parallel_loop3A_632 {strides = array<i32>} : memref<64x128xf32, #tpu.memory_space<vmem>>, vector<16xf32>,
        %parallel_loop3A_711 = arith.constant 16 : i32
        %parallel_loop3A_712 = arith.muli %parallel_loop3A_166, %parallel_loop3A_711 : i32
        %parallel_loop3A_713 = arith.constant 58 : i32
        %parallel_loop3A_714 = arith.index_cast %parallel_loop3A_713 : i32 to index
        %parallel_loop3A_715 = arith.index_cast %parallel_loop3A_712 : i32 to index
        %parallel_loop3A_716 = tpu.vector_load %arg9[%parallel_loop3A_714, %parallel_loop3A_715] {strides = array<i32>} : memref<64x128xf32, #tpu.memory_space<vmem>>, vector<16xf32>,
        tpu.vector_store %arg9[%parallel_loop3A_714, %parallel_loop3A_715], %parallel_loop3A_635 {strides = array<i32>} : memref<64x128xf32, #tpu.memory_space<vmem>>, vector<16xf32>,
        %parallel_loop3A_717 = arith.constant 16 : i32
        %parallel_loop3A_718 = arith.muli %parallel_loop3A_166, %parallel_loop3A_717 : i32
        %parallel_loop3A_719 = arith.constant 59 : i32
        %parallel_loop3A_720 = arith.index_cast %parallel_loop3A_719 : i32 to index
        %parallel_loop3A_721 = arith.index_cast %parallel_loop3A_718 : i32 to index
        %parallel_loop3A_722 = tpu.vector_load %arg9[%parallel_loop3A_720, %parallel_loop3A_721] {strides = array<i32>} : memref<64x128xf32, #tpu.memory_space<vmem>>, vector<16xf32>,
        tpu.vector_store %arg9[%parallel_loop3A_720, %parallel_loop3A_721], %parallel_loop3A_638 {strides = array<i32>} : memref<64x128xf32, #tpu.memory_space<vmem>>, vector<16xf32>,
        %parallel_loop3A_723 = arith.constant 16 : i32
        %parallel_loop3A_724 = arith.muli %parallel_loop3A_166, %parallel_loop3A_723 : i32
        %parallel_loop3A_725 = arith.constant 60 : i32
        %parallel_loop3A_726 = arith.index_cast %parallel_loop3A_725 : i32 to index
        %parallel_loop3A_727 = arith.index_cast %parallel_loop3A_724 : i32 to index
        %parallel_loop3A_728 = tpu.vector_load %arg9[%parallel_loop3A_726, %parallel_loop3A_727] {strides = array<i32>} : memref<64x128xf32, #tpu.memory_space<vmem>>, vector<16xf32>,
        tpu.vector_store %arg9[%parallel_loop3A_726, %parallel_loop3A_727], %parallel_loop3A_641 {strides = array<i32>} : memref<64x128xf32, #tpu.memory_space<vmem>>, vector<16xf32>,
        %parallel_loop3A_729 = arith.constant 16 : i32
        %parallel_loop3A_730 = arith.muli %parallel_loop3A_166, %parallel_loop3A_729 : i32
        %parallel_loop3A_731 = arith.constant 61 : i32
        %parallel_loop3A_732 = arith.index_cast %parallel_loop3A_731 : i32 to index
        %parallel_loop3A_733 = arith.index_cast %parallel_loop3A_730 : i32 to index
        %parallel_loop3A_734 = tpu.vector_load %arg9[%parallel_loop3A_732, %parallel_loop3A_733] {strides = array<i32>} : memref<64x128xf32, #tpu.memory_space<vmem>>, vector<16xf32>,
        tpu.vector_store %arg9[%parallel_loop3A_732, %parallel_loop3A_733], %parallel_loop3A_644 {strides = array<i32>} : memref<64x128xf32, #tpu.memory_space<vmem>>, vector<16xf32>,
        %parallel_loop3A_735 = arith.constant 16 : i32
        %parallel_loop3A_736 = arith.muli %parallel_loop3A_166, %parallel_loop3A_735 : i32
        %parallel_loop3A_737 = arith.constant 62 : i32
        %parallel_loop3A_738 = arith.index_cast %parallel_loop3A_737 : i32 to index
        %parallel_loop3A_739 = arith.index_cast %parallel_loop3A_736 : i32 to index
        %parallel_loop3A_740 = tpu.vector_load %arg9[%parallel_loop3A_738, %parallel_loop3A_739] {strides = array<i32>} : memref<64x128xf32, #tpu.memory_space<vmem>>, vector<16xf32>,
        tpu.vector_store %arg9[%parallel_loop3A_738, %parallel_loop3A_739], %parallel_loop3A_647 {strides = array<i32>} : memref<64x128xf32, #tpu.memory_space<vmem>>, vector<16xf32>,
        %parallel_loop3A_741 = arith.constant 16 : i32
        %parallel_loop3A_742 = arith.muli %parallel_loop3A_166, %parallel_loop3A_741 : i32
        %parallel_loop3A_743 = arith.constant 63 : i32
        %parallel_loop3A_744 = arith.index_cast %parallel_loop3A_743 : i32 to index
        %parallel_loop3A_745 = arith.index_cast %parallel_loop3A_742 : i32 to index
        %parallel_loop3A_746 = tpu.vector_load %arg9[%parallel_loop3A_744, %parallel_loop3A_745] {strides = array<i32>} : memref<64x128xf32, #tpu.memory_space<vmem>>, vector<16xf32>,
        tpu.vector_store %arg9[%parallel_loop3A_744, %parallel_loop3A_745], %parallel_loop3A_650 {strides = array<i32>} : memref<64x128xf32, #tpu.memory_space<vmem>>, vector<16xf32>,
      } {sc.loop_unroll_factor = 1 : i64, sc.parallel_access}
      %add3A_112 = arith.addi %mul3A_4, %add3A_97 : i32
      %jit3A_113 = arith.constant 128 : i32
      %div3A_114 = arith.divsi %add3A_112, %jit3A_113 : i32
      %sign3A_115 = arith.constant 0 : i32
      %sign3A_116 = arith.cmpi sgt, %add3A_112, %sign3A_115 : i32
      %sign3A_117 = arith.extui %sign3A_116 : i1 to i32
      %sign3A_118 = arith.constant 0 : i32
      %sign3A_119 = arith.cmpi slt, %add3A_112, %sign3A_118 : i32
      %sign3A_120 = arith.extui %sign3A_119 : i1 to i32
      %sign3A_121 = arith.subi %sign3A_117, %sign3A_120 : i32
      %sign3A_122 = arith.constant 0 : i32
      %sign3A_123 = arith.cmpi sgt, %jit3A_113, %sign3A_122 : i32
      %sign3A_124 = arith.extui %sign3A_123 : i1 to i32
      %sign3A_125 = arith.constant 0 : i32
      %sign3A_126 = arith.cmpi slt, %jit3A_113, %sign3A_125 : i32
      %sign3A_127 = arith.extui %sign3A_126 : i1 to i32
      %sign3A_128 = arith.subi %sign3A_124, %sign3A_127 : i32
      %ne3A_129 = arith.cmpi ne, %sign3A_121, %sign3A_128 : i32
      %rem3A_130 = arith.remsi %add3A_112, %jit3A_113 : i32
      %ne3A_131 = arith.constant 0 : i32
      %ne3A_132 = arith.cmpi ne, %rem3A_130, %ne3A_131 : i32
      %and3A_133 = arith.andi %ne3A_129, %ne3A_132 : i1
      %sub3A_134 = arith.constant 1 : i32
      %sub3A_135 = arith.subi %div3A_114, %sub3A_134 : i32
      %select_n3A_136 = arith.select %and3A_133, %sub3A_135, %div3A_114 : i32
      %jit3A_137 = arith.constant 128 : i32
      %eq3A_138 = arith.constant 0 : i32
      %eq3A_139 = arith.cmpi eq, %jit3A_137, %eq3A_138 : i32
      %jit3A_140 = arith.constant 1 : i32
      %select_n3A_141 = arith.select %eq3A_139, %jit3A_140, %jit3A_137 : i32
      %rem3A_142 = arith.remsi %add3A_112, %select_n3A_141 : i32
      %ne3A_143 = arith.constant 0 : i32
      %ne3A_144 = arith.cmpi ne, %rem3A_142, %ne3A_143 : i32
      %lt3A_145 = arith.constant 0 : i32
      %lt3A_146 = arith.cmpi slt, %rem3A_142, %lt3A_145 : i32
      %lt3A_147 = arith.constant 0 : i32
      %lt3A_148 = arith.cmpi slt, %select_n3A_141, %lt3A_147 : i32
      %ne3A_149 = arith.xori %lt3A_146, %lt3A_148 : i1
      %and3A_150 = arith.andi %ne3A_149, %ne3A_144 : i1
      %add3A_151 = arith.addi %rem3A_142, %select_n3A_141 : i32
      %select_n3A_152 = arith.select %and3A_150, %add3A_151, %rem3A_142 : i32
      %mul3A_153 = arith.constant 128 : i32
      %mul3A_154 = arith.muli %select_n3A_152, %mul3A_153 : i32
      %dma_start3A_155 = arith.constant 0 : i32
      %dma_start3A_156 = tpu.memref_slice %arg4[%select_n3A_136, %dma_start3A_155, %mul3A_154] : memref<50x64x16384xf32, #tpu.memory_space<hbm>> -> memref<1x64x128xf32, #tpu.memory_space<hbm>>
      %dma_start3A_157 = tpu.memref_squeeze %dma_start3A_156 : memref<1x64x128xf32, #tpu.memory_space<hbm>> -> memref<64x128xf32, #tpu.memory_space<hbm>>
      %dma_start3A_158 = arith.constant 0 : i32
      %dma_start3A_159 = tpu.memref_slice %arg4[%select_n3A_136, %dma_start3A_158, %mul3A_154] : memref<50x64x16384xf32, #tpu.memory_space<hbm>> -> memref<1x64x128xf32, #tpu.memory_space<hbm>>
      %dma_start3A_160 = tpu.memref_squeeze %dma_start3A_159 : memref<1x64x128xf32, #tpu.memory_space<hbm>> -> memref<64x128xf32, #tpu.memory_space<hbm>>
      tpu.enqueue_dma source(%arg9 : memref<64x128xf32, #tpu.memory_space<vmem>>) target(%dma_start3A_160 : memref<64x128xf32, #tpu.memory_space<hbm>>) target_semaphore(%arg13 : memref<!tpu.dma_semaphore, #tpu.memory_space<semaphore_mem>>)
      %lt3A_161 = arith.constant 198 : i32
      %lt3A_162 = arith.cmpi slt, %add3A_39, %lt3A_161 : i32
      %convert_element_type3A_163 = arith.extui %lt3A_162 : i1 to i32
      %cond3A_164 = arith.constant 0 : i32
      %cond3A_165 = arith.cmpi ne, %convert_element_type3A_163, %cond3A_164 : i32
      scf.if %cond3A_165 {
        %add3A_166 = arith.constant 2 : i32
        %add3A_167 = arith.addi %add3A_97, %add3A_166 : i32
        %mul3A_168 = arith.constant 128 : i32
        %mul3A_169 = arith.muli %add3A_167, %mul3A_168 : i32
        %dma_start3A_170 = tpu.memref_slice %arg5[%mul3A_169] : memref<25600xi32, #tpu.memory_space<vmem>> -> memref<128xi32, #tpu.memory_space<vmem>>
        %dma_start3A_171 = arith.constant 0 : i32
        %dma_start3A_172 = arith.constant 0 : i32
        %dma_start3A_173 = tpu.memref_slice %arg3[%dma_start3A_171, %dma_start3A_172] : memref<1000000x128xf32, #tpu.memory_space<hbm>> -> memref<1000000x128xf32, #tpu.memory_space<hbm>>
        tpu.enqueue_indirect_dma source(%dma_start3A_173 : memref<1000000x128xf32, #tpu.memory_space<hbm>>) target(%arg7 : memref<128x128xf32, #tpu.memory_space<vmem>>) offsets(%dma_start3A_170 : memref<128xi32, #tpu.memory_space<vmem>>) semaphore(%arg11 : memref<!tpu.dma_semaphore, #tpu.memory_space<semaphore_mem>>)
      } else {
      }
    }
    %scan3A_17 = arith.constant 100 : i32
    %dma_wait3A = arith.constant 0 : i32
    %dma_wait3A_18 = arith.constant 0 : i32
    %dma_wait3A_19 = arith.constant 0 : i32
    %dma_wait3A_20 = tpu.memref_slice %arg4[%dma_wait3A, %dma_wait3A_18, %dma_wait3A_19] : memref<50x64x16384xf32, #tpu.memory_space<hbm>> -> memref<1x64x128xf32, #tpu.memory_space<hbm>>
    %dma_wait3A_21 = tpu.memref_squeeze %dma_wait3A_20 : memref<1x64x128xf32, #tpu.memory_space<hbm>> -> memref<64x128xf32, #tpu.memory_space<hbm>>
    %dma_wait3A_22 = arith.constant 0 : i32
    %dma_wait3A_23 = arith.constant 0 : i32
    %dma_wait3A_24 = tpu.memref_slice %arg4[%dma_wait3A, %dma_wait3A_22, %dma_wait3A_23] : memref<50x64x16384xf32, #tpu.memory_space<hbm>> -> memref<1x64x128xf32, #tpu.memory_space<hbm>>
    %dma_wait3A_25 = tpu.memref_squeeze %dma_wait3A_24 : memref<1x64x128xf32, #tpu.memory_space<hbm>> -> memref<64x128xf32, #tpu.memory_space<hbm>>
    tpu.wait_dma2 semaphore(%arg12 : memref<!tpu.dma_semaphore, #tpu.memory_space<semaphore_mem>>) src(%arg8 : memref<64x128xf32, #tpu.memory_space<vmem>>) dst(%dma_wait3A_25 : memref<64x128xf32, #tpu.memory_space<hbm>>)
    %dma_wait3A_26 = arith.constant 0 : i32
    %dma_wait3A_27 = arith.constant 0 : i32
    %dma_wait3A_28 = arith.constant 0 : i32
    %dma_wait3A_29 = tpu.memref_slice %arg4[%dma_wait3A_26, %dma_wait3A_27, %dma_wait3A_28] : memref<50x64x16384xf32, #tpu.memory_space<hbm>> -> memref<1x64x128xf32, #tpu.memory_space<hbm>>
    %dma_wait3A_30 = tpu.memref_squeeze %dma_wait3A_29 : memref<1x64x128xf32, #tpu.memory_space<hbm>> -> memref<64x128xf32, #tpu.memory_space<hbm>>
    %dma_wait3A_31 = arith.constant 0 : i32
    %dma_wait3A_32 = arith.constant 0 : i32
    %dma_wait3A_33 = tpu.memref_slice %arg4[%dma_wait3A_26, %dma_wait3A_31, %dma_wait3A_32] : memref<50x64x16384xf32, #tpu.memory_space<hbm>> -> memref<1x64x128xf32, #tpu.memory_space<hbm>>
    %dma_wait3A_34 = tpu.memref_squeeze %dma_wait3A_33 : memref<1x64x128xf32, #tpu.memory_space<hbm>> -> memref<64x128xf32, #tpu.memory_space<hbm>>
    tpu.wait_dma2 semaphore(%arg13 : memref<!tpu.dma_semaphore, #tpu.memory_space<semaphore_mem>>) src(%arg9 : memref<64x128xf32, #tpu.memory_space<vmem>>) dst(%dma_wait3A_34 : memref<64x128xf32, #tpu.memory_space<hbm>>)
    return
  }
}

</mosaic_0001>

<sc_bundles>
// kernel: _run.3.cloned.1.call-start
scs
__scs_entry_jumppad:
0x0: {  	(pc) =	sbr.rel $0x88, $3  }
0x1: {  	(tag) =	ssettag $0x0;
	lr =	simm.s32 $0x1  }
0x2: {  	[smem:$0x3F9F] =	sst lr;
	_ =	strace $0xD0000000  }
0x3: {  	_ = 	snop  }
0x4: {  	_ = 	snop  }
0x5: {  	_ = 	snop  }
0x6: {  	_ = 	snop  }
0x7: {  	_ = 	snop  }
__scs_overlays_trampoline_lowered:
0x8: {  	[smem:$0x3FAE] =	sst s0  }
0x9: {  	[smem:$0x3FAF] =	sst s1  }
0xa: {  	[smem:$0x3FB0] =	sst s2  }
0xb: {  	[smem:$0x3FB1] =	sst s3  }
0xc: {  	[smem:$0x3FB2] =	sst s4  }
0xd: {  	[smem:$0x3FB3] =	sst s5  }
0xe: {  	[smem:$0x3FB4] =	sst s6  }
0xf: {  	[smem:$0x3FB5] =	sst s7  }
0x10: {  	[smem:$0x3FB6] =	sst s8  }
0x11: {  	[smem:$0x3FB7] =	sst s9;
	s0 =	simm.s32 @!p0 $0x0  }
0x12: {  	s1 =	sld [smem:$0x3F9D];
	s0 =	simm.s32 @p0 $0x1  }
0x13: {  	[smem:$0x3FB8] =	sst s0;
	s0 =	simm.s32 @!p1 $0x0  }
0x14: {  	s2 =	sld [smem:$0x3F9C];
	s0 =	simm.s32 @p1 $0x1  }
0x15: {  	[smem:$0x3FB9] =	sst s0;
	s0 =	simm.s32 @!p2 $0x0  }
0x16: {  	s3 =	sld [smem:$0x3FDB];
	s0 =	simm.s32 @p2 $0x1  }
0x17: {  	s4 =	simm.s32 $0x1BF5;
	[smem:$0x3FBB] =	sst s0  }
0x18: {  	s0 =	sld [smem:$0x3F9E];
	_ =	swait.ge [sflag:s4], $0x0  }
0x19: {  	s7 =	sld [smem:$0x3F9F]  }
0x1a: {  	s8 =	sadd.s32 $0xFFFFE003, lr  }
0x1b: {  	s9 =	sadd.s32 $0xFFFFFEF7, lr;
	s5 =	simm.s32 $0xFFFFFFFF;
	p2 =	slt.u32 s8, $0xFFFFF086  }
0x1c: {  	p1 =	slt.u32 s9, $0xF7A;
	s5 =	simm.s32 @!p2 $0x0  }
0x1d: {  	s5 =	simm.s32 @p1 $0x1;
	p0 =	seq.s32 s7, s2  }
0x1e: {  	s7 =	smul.u32 @!p0 $0xF7A, s2;
	p2 =	seq.s32 @!p0 s5, $0x0  }
0x1f: {  	s9 =	smul.u32 $0xF7A, s1;
	s8 =	simm.s32 @!p0 $0x1BF5;
	p2 =	por !p2, p0  }
0x20: {  	[sflag:s8] =	ssyncset.s32 @!p0 $0xFFFFF086;
	s6 =	sadd.s32 @!p0 s3, s7;
	s7 =	simm.s32 @!p0 $0x108  }
0x21: {  	s3 =	sadd.s32 s3, s9;
	s6 =	sadd.s32 @!p0 $0x88, s6;
	s7 =	simm.s32 @p2 $0x1082  }
0x22: {  	[simem:s7], [sflag:s8] =	dma.local @!p0 [hbm:s6], $0xF7A  }
0x23: {  	s9 =	sor.u32 $0xD0000000, s2;
	s6 =	simm.s32 $0x108;
	_ =	swait.ge @!p0 [sflag:s8], $0x0  }
0x24: {  	s3 =	sadd.s32 $0x88, s3;
	s6 =	simm.s32 @!p1 $0x1082;
	[sflag:s4] =	ssyncset.s32 $0xFFFFF086  }
0x25: {  	[simem:s6], [sflag:s4] =	dma.local [hbm:s3], $0xF7A  }
0x26: {  	[smem:$0x3F9F] =	sst s1;
	(tag) =	ssettag s2;
	_ =	strace s9  }
0x27: {  	s1 =	sld [smem:$0x3FAF]  }
0x28: {  	s2 =	sld [smem:$0x3FB0]  }
0x29: {  	s4 =	sld [smem:$0x3FB2]  }
0x2a: {  	p0 =	seq.s32 s5, $0x0;
	s5 =	sld [smem:$0x3FB3]  }
0x2b: {  	s6 =	sld [smem:$0x3FB4]  }
0x2c: {  	s7 =	sld [smem:$0x3FB5]  }
0x2d: {  	s3 =	simm.s32 $0x108;
	s8 =	sld [smem:$0x3FB6]  }
0x2e: {  	s3 =	simm.s32 @!p0 $0x1082;
	s9 =	sld [smem:$0x3FB7]  }
0x2f: {  	lr =	sadd.s32 s0, s3;
	s0 =	sld [smem:$0x3FAE]  }
0x30: {  	s3 =	sld [smem:$0x3FB1]  }
0x31: {  	[smem:$0x3FBA] =	sst s10  }
0x32: {  	s10 =	sld [smem:$0x3FB8];
	_ =	sdelay $0x3  }
0x33: {  	p0 =	seq.s32 s10, $0x1;
	s10 =	sld [smem:$0x3FBA];
	_ =	sdelay $0x3  }
0x34: {  	[smem:$0x3FBA] =	sst s10  }
0x35: {  	s10 =	sld [smem:$0x3FB9];
	_ =	sdelay $0x3  }
0x36: {  	p1 =	seq.s32 s10, $0x1;
	s10 =	sld [smem:$0x3FBA];
	_ =	sdelay $0x3  }
0x37: {  	[smem:$0x3FBA] =	sst s10  }
0x38: {  	s10 =	sld [smem:$0x3FBB]  }
0x39: {  	_ = 	snop;
	(pc) =	sbr.ind lr, $3  }
0x3a: {  	_ = 	snop  }
0x3b: {  	_ = 	snop  }
0x3c: {  	p2 =	seq.s32 s10, $0x1;
	s10 =	sld [smem:$0x3FBA]  }
0x3d: {  	_ =	shalt  }
0x3e: {  	_ =	shalt  }
0x3f: {  	_ =	shalt  }
0x40: {  	_ =	shalt  }
0x41: {  	_ =	shalt  }
0x42: {  	_ =	shalt  }
0x43: {  	_ =	shalt  }
0x44: {  	_ =	shalt  }
0x45: {  	_ =	shalt  }
0x46: {  	_ =	shalt  }
0x47: {  	_ =	shalt  }
0x48: {  	_ =	shalt  }
0x49: {  	_ =	shalt  }
0x4a: {  	_ =	shalt  }
0x4b: {  	_ =	shalt  }
0x4c: {  	_ =	shalt  }
0x4d: {  	_ =	shalt  }
0x4e: {  	_ =	shalt  }
0x4f: {  	_ =	shalt  }
0x50: {  	_ =	shalt  }
0x51: {  	_ =	shalt  }
0x52: {  	_ =	shalt  }
0x53: {  	_ =	shalt  }
0x54: {  	_ =	shalt  }
0x55: {  	_ =	shalt  }
0x56: {  	_ =	shalt  }
0x57: {  	_ =	shalt  }
0x58: {  	_ =	shalt  }
0x59: {  	_ =	shalt  }
0x5a: {  	_ =	shalt  }
0x5b: {  	_ =	shalt  }
0x5c: {  	_ =	shalt  }
0x5d: {  	_ =	shalt  }
0x5e: {  	_ =	shalt  }
0x5f: {  	_ =	shalt  }
0x60: {  	_ =	shalt  }
0x61: {  	_ =	shalt  }
0x62: {  	_ =	shalt  }
0x63: {  	_ =	shalt  }
0x64: {  	_ =	shalt  }
0x65: {  	_ =	shalt  }
0x66: {  	_ =	shalt  }
0x67: {  	_ =	shalt  }
0x68: {  	_ =	shalt  }
0x69: {  	_ =	shalt  }
0x6a: {  	_ =	shalt  }
0x6b: {  	_ =	shalt  }
0x6c: {  	_ =	shalt  }
0x6d: {  	_ =	shalt  }
0x6e: {  	_ =	shalt  }
0x6f: {  	_ =	shalt  }
0x70: {  	_ =	shalt  }
0x71: {  	_ =	shalt  }
0x72: {  	_ =	shalt  }
0x73: {  	_ =	shalt  }
0x74: {  	_ =	shalt  }
0x75: {  	_ =	shalt  }
0x76: {  	_ =	shalt  }
0x77: {  	_ =	shalt  }
0x78: {  	_ =	shalt  }
0x79: {  	_ =	shalt  }
0x7a: {  	_ =	shalt  }
0x7b: {  	_ =	shalt  }
0x7c: {  	_ =	shalt  }
0x7d: {  	_ =	shalt  }
0x7e: {  	_ =	shalt  }
0x7f: {  	_ =	shalt  }
0x80: {  	_ =	shalt  }
0x81: {  	_ =	shalt  }
0x82: {  	_ =	shalt  }
0x83: {  	_ =	shalt  }
0x84: {  	_ =	shalt  }
0x85: {  	_ =	shalt  }
0x86: {  	_ =	shalt  }
0x87: {  	_ =	shalt  }
.Lfunc_end0:
.L_simem_size_0:
called_computation_lowered:
.L_overlay_start_0:
0x88: {  	s2 =	sld [smem:$0x3FD9]  }
0x89: {  	s3 =	sld [smem:$0x3FFE];
	_ =	sdelay $0x1  }
0x8a: {  	s1 =	srdreg.scid  }
0x8b: {  	s0 =	sand.u32 $0x1, s1  }
0x8c: {  	s17 =	sshll.u32 s0, $0xA;
	s2 =	sadd.s32 s3, s2  }
0x8d: {  	s2 =	sadd.s32 s2, s17  }
0x8e: {  	[smem:$0x3FC6] =	sst s2  }
0x8f: {  	_ = 	snop  }
0x90: {  	s2 =	sld [smem:$0x3FD0];
	(tm) =	ssettm $0x1  }
0x91: {  	s18 =	sld [smem:$0x3FFB];
	_ =	sdelay $0x3  }
0x92: {  	_ =	strace s18  }
0x93: {  	s3 =	sld [smem:$0x3FFC];
	_ =	sdelay $0x3  }
0x94: {  	_ =	strace s3  }
0x95: {  	s3 =	sld [smem:$0x3FFD];
	_ =	sdelay $0x3  }
0x96: {  	_ =	strace s3  }
0x97: {  	_ =	strace $0x8FFFFFFF  }
0x98: {  	s19 =	sld [smem:$0x3FDB];
	_ =	sdelay $0x1  }
0x99: {  	s4 =	simm.s32 $_scs_section_size  }
0x9a: {  	s5 =	simm.s32 $_size__tile_overlayer_lowered;
	s6 =	simm.s32 $_tile_overlayer_lowered  }
0x9b: {  	s22 =	simm.s32 $0x1BFF;
	s21 =	sshll.u32 s6, $0x1;
	s3 =	sadd.s32 s4, s19  }
0x9c: {  	s7 =	simm.s32 $0x0;
	s20 =	sshll.u32 s5, $0x1;
	s5 =	sadd.s32 s21, s3  }
0x9d: {  	[timem:s7], [sflag:s22] =	dma.local [hbm:s5], s20  }
0x9e: {  	_ =	swait.ge [sflag:s22], s20  }
0x9f: {  	s4 =	ssub.s32 $0x0, s20;
	[sflag:s22] =	ssyncset.done $0x0  }
0xa0: {  	[sflag:s22] =	ssyncadd.s32 s4;
	_ =	sdelay $0x1  }
0xa1: {  	s23 =	simm.s32 $0x1B8B  }
0xa2: {  	_ =	swait.ge [sflag:s23], $0x1  }
0xa3: {  	[sflag:s23] =	ssyncset.done $0x0  }
0xa4: {  	s25 =	simm.s32 $0x1B8E;
	s24 =	sld [smem:$0x3FFE];
	[sflag:s23] =	ssyncadd.s32 $0xFFFFFFFF  }
0xa5: {  	s26 =	simm.s32 $execute0_lowered;
	[smem:$0x3FD2] =	sst s25  }
0xa6: {  	s5 =	sshll.u32 s26, $0x1;
	_ =	strace $0x80000046;
	[dreg:$0x1] =	wrdreg $0xFFFFFFFF  }
0xa7: {  	s28 =	simm.s32 $_size_execute0_lowered;
	s3 =	sadd.s32 s3, s5;
	[dreg:$0x0] =	wrdreg $0x0  }
0xa8: {  	s5 =	sshll.u32 s28, $0x1;
	[dreg:$0x2] =	wrdreg s3  }
0xa9: {  	[dreg:$0x3] =	wrdreg s5  }
0xaa: {  	[dreg:$0x4] =	wrdreg $0xC0  }
0xab: {  	_ =	task [dreg:s7], $0x5FFFF  }
0xac: {  	[dreg:$0x1] =	wrdreg $0xFFFFFFFF  }
0xad: {  	[dreg:$0x0] =	wrdreg $0x60  }
0xae: {  	[dreg:$0x2] =	wrdreg s24  }
0xaf: {  	[dreg:$0x3] =	wrdreg s2  }
0xb0: {  	[dreg:$0x4] =	wrdreg $0x9  }
0xb1: {  	_ =	task.clear_ibuf [dreg:s7], $0x5FFFF;
	_ =	strace $0x90000046  }
0xb2: {  	s29 =	simm.s32 $0x9;
	_ =	strace $0x80000048  }
0xb3: {  	_ =	swait.ge [sflag:s29], $0x1  }
0xb4: {  	[sflag:s29] =	ssyncadd.s32 $0xFFFFFFFF  }
0xb5: {  	_ =	strace $0x90000048  }
0xb6: {  	_ =	sfence  }
0xb7: {  	s30 =	sld [smem:$0x0];
	_ =	sdelay $0x2  }
0xb8: {  	s31 =	sshll.u32 s1, $0xD;
	s1 =	sshrl.u32 s1, $0x2  }
0xb9: {  	s3 =	sand.u32 $0x4000, s31;
	s1 =	sadd.s32 s1, s30  }
0xba: {  	s0 =	sor.u32 s3, s0;
	s1 =	sshll.u32 s1, $0x11  }
0xbb: {  	s0 =	sor.u32 s1, s0  }
0xbc: {  	s0 =	sadd.s32 $0x8F2B, s0  }
0xbd: {  	[sflag:s0] =	ssyncadd.remote.s32 $0x1  }
0xbe: {  	_ =	sfence.sel $0xFFFF  }
0xbf: {  	[dreg:$0x0] =	wrdreg $0xFFFFFFFF;
	(pc) =	sbr.abs _section_cstart, $3  }
0xc0: {  	[dreg:$0x1] =	wrdreg $0xFFFFFFFF  }
0xc1: {  	_ =	task.clear_ibuf [dreg:s7], $0x2FFFF;
	_ =	strace $0x9FFFFFFF  }
0xc2: {  	(tm) =	ssettm $0x7FFFFFFF  }
0xc3: {  	_ =	shalt  }
tec
execute0_lowered:
.L_overlay_start_1:
0x0: {  	(tag) =	ssettag $0x1  }
0x1: {  	s1 =	srdreg.scid;
	s4 =	rddreg [dreg:$0x0]  }
0x2: {  	s0 =	stileid.u32;
	s2 =	rddreg [dreg:$0x1];
	s3 =	simm.s32 $0x0  }
0x3: {  	s9 =	simm.s32 $0x80;
	s10 =	simm.s32 $0x6400;
	s11 =	simm.s32 $0xA400  }
0x4: {  	s12 =	simm.s32 $0x1;
	s13 =	simm.s32 $0x400;
	s14 =	simm.s32 $0x20000  }
0x5: {  	s15 =	simm.s32 $0xE400;
	s16 =	simm.s32 $0x2;
	s17 =	simm.s32 $0x10400  }
0x6: {  	s18 =	simm.s32 $0x3;
	s19 =	simm.s32 $0x4;
	s20 =	simm.s32 $0x0  }
0x7: {  	s26 =	simm.s32 $0x0;
	s5 =	sand.u32 $0x1, s1;
	s31 =	sshll.u32 s0, $0x1  }
.Ltmp0:
0x8: {  	s6 =	sor.u32 s5, s31;
	s5 =	ssub.s32 $0x2, s5;
	(pc) =	sbr.rel .LBB2_1-.Ltmp0, $4  }
0x9: {  	[smem:$0x7FF] =	sst s3;
	s7 =	smul.u32 $0xC80, s6;
	s8 =	sshrl.u32 s5, $0x1  }
0xa: {  	s1 =	rddreg [dreg:$0x2];
	_ =	strace $0x80000047;
	s8 =	ssub.s32 s5, s8  }
0xb: {  	v0 =	vlaneseq.u32;
	s5 =	smul.u32 $0xC8, s6;
	s7 =	sadd.s32 s7, s4;
	s4 =	sadd.s32 $0xF5BA00, s4  }
0xc: {  	v0 =	vmul.u32 $0x80, v0;
	s6 =	sadd.s32 $0xF42A00, s7;
	s7 =	smax.u32 s8, $0x1;
	s8 =	simm.s32 $0x5  }
.LBB2_8:
0xd: {  	s20 =	sadd.s32 $0x1, s20  }
0xe: {  	_ =	swait.ge [sflag:s18], $0x2000;
	p0 =	sne.s32 s20, s7  }
.Ltmp1:
0xf: {  	[sflag:s18] =	ssyncset.done $0x0;
	(pc) =	sbr.rel @!p0 .LBB2_9-.Ltmp1, $4  }
0x10: {  	[sflag:s18] =	ssyncadd.s32 $0xFFFFE000  }
0x11: {  	_ =	swait.ge [sflag:s19], $0x2000  }
0x12: {  	[sflag:s19] =	ssyncset.done $0x0  }
0x13: {  	[sflag:s19] =	ssyncadd.s32 $0xFFFFE000  }
.LBB2_1:
0x14: {  	[tilespmem:s3], [sflag:$0x5] =	stream.linear.gather [hbm4b:s6+s3], $0x6400, $0x38;
	[tilespmem:$0x12400] =	vst v63  }
0x15: {  	_ =	swait.ge [sflag:s8], $0x6400  }
0x16: {  	[sflag:s8] =	ssyncset.done $0x0  }
0x17: {  	[sflag:s8] =	ssyncadd.s32 $0xFFFF9C00  }
0x18: {  	[tilespmem:s10], [sflag:$0x1] =	stream.indirect.gather [hbm4b:s4+s9], $0x80, s3, s9, $0xb8;
	[tilespmem:$0x12400] =	vst v63  }
0x19: {  	s21 =	simm.s32 $0x0  }
0x1a: {  	[tilespmem:s11], [sflag:$0x2] =	stream.indirect.gather [hbm4b:s4+s9], $0x80, s9, s9, $0xb8;
	[tilespmem:$0x12400] =	vst v63  }
.LBB2_2:
0x1b: {  	s22 =	simm.s32 $0x0  }
0x1c: {  	v1 =	vmov s22  }
0x1d: {  	_ =	swait.ge [sflag:s12], $0x4000;
	v1 =	vshll.u32 v1, $0x7  }
0x1e: {  	p0 =	seq.s32 s21, $0x0;
	[sflag:s12] =	ssyncset.done $0x0;
	v1 =	vor.u32 v0, v1  }
0x1f: {  	s22 =	simm.s32 @!p0 $0x3;
	[sflag:s12] =	ssyncadd.s32 $0xFFFFC000;
	v2 =	vor.u32 $0x1, v1  }
0x20: {  	_ =	swait.ge @!p0 [sflag:s22], $0x2000;
	v3 =	vor.u32 $0x2, v1  }
0x21: {  	[sflag:s22] =	ssyncset.done @!p0 $0x0;
	v4 =	vor.u32 $0x3, v1  }
0x22: {  	v5 =	vor.u32 $0x4, v1;
	[sflag:s22] =	ssyncadd.s32 @!p0 $0xFFFFE000  }
0x23: {  	v7 =	vor.u32 $0x5, v1;
	v6 =	vld.idx.msk [tilespmem:v1+s10+$0x0], $0xffff  }
0x24: {  	v8 =	vor.u32 $0x6, v1;
	v2 =	vld.idx.msk [tilespmem:v2+s10+$0x0], $0xffff  }
0x25: {  	v9 =	vor.u32 $0x7, v1;
	v3 =	vld.idx.msk [tilespmem:v3+s10+$0x0], $0xffff  }
0x26: {  	v10 =	vor.u32 $0x8, v1;
	v4 =	vld.idx.msk [tilespmem:v4+s10+$0x0], $0xffff  }
0x27: {  	v11 =	vor.u32 $0x9, v1;
	v5 =	vld.idx.msk [tilespmem:v5+s10+$0x0], $0xffff  }
0x28: {  	v12 =	vor.u32 $0xA, v1;
	v7 =	vld.idx.msk [tilespmem:v7+s10+$0x0], $0xffff  }
0x29: {  	v13 =	vor.u32 $0xB, v1;
	v8 =	vld.idx.msk [tilespmem:v8+s10+$0x0], $0xffff  }
0x2a: {  	v14 =	vor.u32 $0xC, v1;
	v9 =	vld.idx.msk [tilespmem:v9+s10+$0x0], $0xffff  }
0x2b: {  	v15 =	vor.u32 $0xD, v1;
	v10 =	vld.idx.msk [tilespmem:v10+s10+$0x0], $0xffff  }
0x2c: {  	v16 =	vor.u32 $0xE, v1;
	v11 =	vld.idx.msk [tilespmem:v11+s10+$0x0], $0xffff  }
0x2d: {  	v17 =	vor.u32 $0xF, v1;
	v12 =	vld.idx.msk [tilespmem:v12+s10+$0x0], $0xffff  }
0x2e: {  	v13 =	vld.idx.msk [tilespmem:v13+s10+$0x0], $0xffff  }
0x2f: {  	v14 =	vld.idx.msk [tilespmem:v14+s10+$0x0], $0xffff  }
0x30: {  	v15 =	vld.idx.msk [tilespmem:v15+s10+$0x0], $0xffff  }
0x31: {  	s23 =	simm.s32 $0xF400;
	v16 =	vld.idx.msk [tilespmem:v16+s10+$0x0], $0xffff  }
0x32: {  	v17 =	vld.idx.msk [tilespmem:v17+s10+$0x0], $0xffff;
	[tilespmem:s23+$0xFFFFF000] =	vst v6  }
0x33: {  	[tilespmem:s23+$0xFFFFF080] =	vst v2  }
0x34: {  	[tilespmem:s23+$0xFFFFF100] =	vst v3  }
0x35: {  	[tilespmem:s23+$0xFFFFF180] =	vst v4  }
0x36: {  	[tilespmem:s23+$0xFFFFF200] =	vst v5  }
0x37: {  	[tilespmem:s23+$0xFFFFF280] =	vst v7  }
0x38: {  	[tilespmem:s23+$0xFFFFF300] =	vst v8  }
0x39: {  	[tilespmem:s23+$0xFFFFF380] =	vst v9  }
0x3a: {  	[tilespmem:s23+$0xFFFFF400] =	vst v10  }
0x3b: {  	[tilespmem:s23+$0xFFFFF480] =	vst v11  }
0x3c: {  	[tilespmem:s23+$0xFFFFF500] =	vst v12  }
0x3d: {  	v6 =	vor.u32 $0x14, v1;
	[tilespmem:s23+$0xFFFFF580] =	vst v13  }
0x3e: {  	v2 =	vor.u32 $0x10, v1;
	[tilespmem:s23+$0xFFFFF600] =	vst v14  }
0x3f: {  	v3 =	vor.u32 $0x11, v1;
	[tilespmem:s23+$0xFFFFF680] =	vst v15  }
0x40: {  	v4 =	vor.u32 $0x12, v1;
	[tilespmem:s23+$0xFFFFF700] =	vst v16  }
0x41: {  	v5 =	vor.u32 $0x13, v1;
	[tilespmem:s23+$0xFFFFF780] =	vst v17  }
0x42: {  	v7 =	vor.u32 $0x15, v1;
	v6 =	vld.idx.msk [tilespmem:v6+s10+$0x0], $0xffff  }
0x43: {  	v8 =	vor.u32 $0x16, v1;
	v2 =	vld.idx.msk [tilespmem:v2+s10+$0x0], $0xffff  }
0x44: {  	v9 =	vor.u32 $0x17, v1;
	v3 =	vld.idx.msk [tilespmem:v3+s10+$0x0], $0xffff  }
0x45: {  	v10 =	vor.u32 $0x18, v1;
	v4 =	vld.idx.msk [tilespmem:v4+s10+$0x0], $0xffff  }
0x46: {  	v11 =	vor.u32 $0x19, v1;
	v5 =	vld.idx.msk [tilespmem:v5+s10+$0x0], $0xffff  }
0x47: {  	v12 =	vor.u32 $0x1A, v1;
	v7 =	vld.idx.msk [tilespmem:v7+s10+$0x0], $0xffff  }
0x48: {  	v13 =	vor.u32 $0x1B, v1;
	v8 =	vld.idx.msk [tilespmem:v8+s10+$0x0], $0xffff  }
0x49: {  	v14 =	vor.u32 $0x1C, v1;
	v9 =	vld.idx.msk [tilespmem:v9+s10+$0x0], $0xffff  }
0x4a: {  	v15 =	vor.u32 $0x1D, v1;
	v10 =	vld.idx.msk [tilespmem:v10+s10+$0x0], $0xffff  }
0x4b: {  	v16 =	vor.u32 $0x1E, v1;
	v11 =	vld.idx.msk [tilespmem:v11+s10+$0x0], $0xffff  }
0x4c: {  	v17 =	vor.u32 $0x1F, v1;
	v12 =	vld.idx.msk [tilespmem:v12+s10+$0x0], $0xffff  }
0x4d: {  	v13 =	vld.idx.msk [tilespmem:v13+s10+$0x0], $0xffff  }
0x4e: {  	v14 =	vld.idx.msk [tilespmem:v14+s10+$0x0], $0xffff  }
0x4f: {  	v15 =	vld.idx.msk [tilespmem:v15+s10+$0x0], $0xffff  }
0x50: {  	v16 =	vld.idx.msk [tilespmem:v16+s10+$0x0], $0xffff  }
0x51: {  	v17 =	vld.idx.msk [tilespmem:v17+s10+$0x0], $0xffff;
	[tilespmem:s23+$0xFFFFFA00] =	vst v6  }
0x52: {  	[tilespmem:s23+$0xFFFFF800] =	vst v2  }
0x53: {  	[tilespmem:s23+$0xFFFFF880] =	vst v3  }
0x54: {  	[tilespmem:s23+$0xFFFFF900] =	vst v4  }
0x55: {  	[tilespmem:s23+$0xFFFFF980] =	vst v5  }
0x56: {  	[tilespmem:s23+$0xFFFFFA80] =	vst v7  }
0x57: {  	[tilespmem:s23+$0xFFFFFB00] =	vst v8  }
0x58: {  	[tilespmem:s23+$0xFFFFFB80] =	vst v9  }
0x59: {  	[tilespmem:s23+$0xFFFFFC00] =	vst v10  }
0x5a: {  	[tilespmem:s23+$0xFFFFFC80] =	vst v11  }
0x5b: {  	[tilespmem:s23+$0xFFFFFD00] =	vst v12  }
0x5c: {  	[tilespmem:s23+$0xFFFFFD80] =	vst v13;
	v2 =	vor.u32 $0x20, v1  }
0x5d: {  	[tilespmem:s23+$0xFFFFFE00] =	vst v14;
	v3 =	vor.u32 $0x21, v1  }
0x5e: {  	[tilespmem:s23+$0xFFFFFE80] =	vst v15;
	v5 =	vor.u32 $0x23, v1  }
0x5f: {  	v4 =	vor.u32 $0x22, v1;
	[tilespmem:s23+$0xFFFFFF00] =	vst v16  }
0x60: {  	[tilespmem:s23+$0xFFFFFF80] =	vst v17;
	v7 =	vor.u32 $0x24, v1  }
0x61: {  	v10 =	vor.u32 $0x25, v1;
	v2 =	vld.idx.msk [tilespmem:v2+s10+$0x0], $0xffff  }
0x62: {  	v11 =	vor.u32 $0x26, v1;
	v3 =	vld.idx.msk [tilespmem:v3+s10+$0x0], $0xffff  }
0x63: {  	v8 =	vld.idx.msk [tilespmem:v5+s10+$0x0], $0xffff;
	v5 =	vor.u32 $0x28, v1  }
0x64: {  	v15 =	vor.u32 $0x2A, v1;
	v6 =	vld.idx.msk [tilespmem:v4+s10+$0x0], $0xffff  }
0x65: {  	v4 =	vor.u32 $0x27, v1;
	v9 =	vld.idx.msk [tilespmem:v7+s10+$0x0], $0xffff  }
0x66: {  	v13 =	vor.u32 $0x29, v1;
	v10 =	vld.idx.msk [tilespmem:v10+s10+$0x0], $0xffff  }
0x67: {  	v18 =	vor.u32 $0x2B, v1;
	v11 =	vld.idx.msk [tilespmem:v11+s10+$0x0], $0xffff  }
0x68: {  	v14 =	vor.u32 $0x2C, v1;
	v7 =	vld.idx.msk [tilespmem:v5+s10+$0x0], $0xffff  }
0x69: {  	v5 =	vld.idx.msk [tilespmem:v15+s10+$0x0], $0xffff;
	v15 =	vor.u32 $0x2D, v1  }
0x6a: {  	v16 =	vor.u32 $0x2E, v1;
	v12 =	vld.idx.msk [tilespmem:v4+s10+$0x0], $0xffff  }
0x6b: {  	v17 =	vor.u32 $0x2F, v1;
	v4 =	vld.idx.msk [tilespmem:v13+s10+$0x0], $0xffff  }
0x6c: {  	s25 =	simm.s32 $0x10;
	s24 =	simm.s32 $0xF400;
	s22 =	sshll.u32 s21, $0x1;
	v13 =	vld.idx.msk [tilespmem:v18+s10+$0x0], $0xffff  }
.LBB2_3:
0x6d: {  	v18 =	vmov s25;
	p1 =	sne.s32 s25, $0x70;
	v14 =	vld.idx.msk [tilespmem:v14+s10+$0x0], $0xffff  }
0x6e: {  	v18 =	vshll.u32 v18, $0x7;
	v15 =	vld.idx.msk [tilespmem:v15+s10+$0x0], $0xffff  }
0x6f: {  	v18 =	vor.u32 v0, v18;
	v16 =	vld.idx.msk [tilespmem:v16+s10+$0x0], $0xffff  }
0x70: {  	v19 =	vor.u32 $0x1, v18;
	v17 =	vld.idx.msk [tilespmem:v17+s10+$0x0], $0xffff;
	[tilespmem:s23+$0x0] =	vst v2  }
0x71: {  	v2 =	vor.u32 $0x2, v18;
	[tilespmem:s23+$0x80] =	vst v3  }
0x72: {  	v3 =	vor.u32 $0x3, v18;
	[tilespmem:s23+$0x100] =	vst v6  }
0x73: {  	v6 =	vor.u32 $0x4, v18;
	[tilespmem:s23+$0x180] =	vst v8  }
0x74: {  	v20 =	vor.u32 $0x5, v18;
	v8 =	vld.idx.msk [tilespmem:v18+s10+$0x0], $0xffff;
	[tilespmem:s23+$0x200] =	vst v9  }
0x75: {  	v9 =	vld.idx.msk [tilespmem:v19+s10+$0x0], $0xffff;
	v19 =	vor.u32 $0x6, v18;
	[tilespmem:s23+$0x280] =	vst v10  }
0x76: {  	v10 =	vor.u32 $0x7, v18;
	v2 =	vld.idx.msk [tilespmem:v2+s10+$0x0], $0xffff;
	[tilespmem:s23+$0x300] =	vst v11  }
0x77: {  	v11 =	vor.u32 $0x8, v18;
	v3 =	vld.idx.msk [tilespmem:v3+s10+$0x0], $0xffff;
	[tilespmem:s23+$0x380] =	vst v12  }
0x78: {  	v12 =	vor.u32 $0x9, v18;
	v6 =	vld.idx.msk [tilespmem:v6+s10+$0x0], $0xffff;
	[tilespmem:s23+$0x400] =	vst v7  }
0x79: {  	v7 =	vld.idx.msk [tilespmem:v20+s10+$0x0], $0xffff;
	v20 =	vor.u32 $0xA, v18;
	[tilespmem:s23+$0x480] =	vst v4  }
0x7a: {  	v4 =	vld.idx.msk [tilespmem:v19+s10+$0x0], $0xffff;
	v19 =	vor.u32 $0xB, v18;
	[tilespmem:s23+$0x500] =	vst v5  }
0x7b: {  	v5 =	vld.idx.msk [tilespmem:v10+s10+$0x0], $0xffff;
	[tilespmem:s23+$0x580] =	vst v13;
	v10 =	vor.u32 $0x30, v1  }
0x7c: {  	v13 =	vor.u32 $0x31, v1;
	v11 =	vld.idx.msk [tilespmem:v11+s10+$0x0], $0xffff;
	[tilespmem:s23+$0x600] =	vst v14  }
0x7d: {  	v14 =	vor.u32 $0x32, v1;
	v12 =	vld.idx.msk [tilespmem:v12+s10+$0x0], $0xffff;
	[tilespmem:s23+$0x680] =	vst v15  }
0x7e: {  	v15 =	vld.idx.msk [tilespmem:v20+s10+$0x0], $0xffff;
	[tilespmem:s23+$0x700] =	vst v16;
	v16 =	vor.u32 $0x33, v1  }
0x7f: {  	v19 =	vld.idx.msk [tilespmem:v19+s10+$0x0], $0xffff;
	[tilespmem:s23+$0x780] =	vst v17;
	v17 =	vor.u32 $0x34, v1  }
0x80: {  	v20 =	vor.u32 $0x35, v1;
	v10 =	vld.idx.msk [tilespmem:v10+s10+$0x0], $0xffff  }
0x81: {  	v21 =	vor.u32 $0x36, v1;
	v13 =	vld.idx.msk [tilespmem:v13+s10+$0x0], $0xffff  }
0x82: {  	v22 =	vor.u32 $0x37, v1;
	v14 =	vld.idx.msk [tilespmem:v14+s10+$0x0], $0xffff  }
0x83: {  	v23 =	vor.u32 $0x38, v1;
	v16 =	vld.idx.msk [tilespmem:v16+s10+$0x0], $0xffff  }
0x84: {  	v24 =	vor.u32 $0x3F, v1;
	v17 =	vld.idx.msk [tilespmem:v17+s10+$0x0], $0xffff  }
0x85: {  	v25 =	vor.u32 $0x39, v1;
	v20 =	vld.idx.msk [tilespmem:v20+s10+$0x0], $0xffff  }
0x86: {  	v26 =	vor.u32 $0x3A, v1;
	v21 =	vld.idx.msk [tilespmem:v21+s10+$0x0], $0xffff  }
0x87: {  	v27 =	vor.u32 $0x3B, v1;
	v22 =	vld.idx.msk [tilespmem:v22+s10+$0x0], $0xffff  }
0x88: {  	v28 =	vor.u32 $0x3C, v1;
	v23 =	vld.idx.msk [tilespmem:v23+s10+$0x0], $0xffff  }
0x89: {  	v29 =	vor.u32 $0x3D, v1;
	v24 =	vld.idx.msk [tilespmem:v24+s10+$0x0], $0xffff  }
0x8a: {  	v30 =	vor.u32 $0x3E, v1;
	v1 =	vmov v18;
	v25 =	vld.idx.msk [tilespmem:v25+s10+$0x0], $0xffff  }
0x8b: {  	v18 =	vor.u32 $0xC, v1;
	v26 =	vld.idx.msk [tilespmem:v26+s10+$0x0], $0xffff  }
0x8c: {  	v31 =	vor.u32 $0xD, v1;
	v27 =	vld.idx.msk [tilespmem:v27+s10+$0x0], $0xffff  }
0x8d: {  	v32 =	vor.u32 $0xE, v1;
	v28 =	vld.idx.msk [tilespmem:v28+s10+$0x0], $0xffff  }
0x8e: {  	v33 =	vor.u32 $0xF, v1;
	v29 =	vld.idx.msk [tilespmem:v29+s10+$0x0], $0xffff  }
0x8f: {  	v30 =	vld.idx.msk [tilespmem:v30+s10+$0x0], $0xffff;
	[tilespmem:s23+$0xF80] =	vst v24  }
0x90: {  	v18 =	vld.idx.msk [tilespmem:v18+s10+$0x0], $0xffff;
	[tilespmem:s23+$0x800] =	vst v10  }
0x91: {  	v10 =	vld.idx.msk [tilespmem:v31+s10+$0x0], $0xffff;
	[tilespmem:s23+$0x880] =	vst v13  }
0x92: {  	s23 =	sadd.s32 $0x10, s23;
	v13 =	vld.idx.msk [tilespmem:v32+s10+$0x0], $0xffff;
	[tilespmem:s24+$0x900] =	vst v14  }
0x93: {  	v14 =	vld.idx.msk [tilespmem:v33+s10+$0x0], $0xffff;
	[tilespmem:s23+$0xFFFFF000] =	vst v8  }
0x94: {  	[tilespmem:s23+$0xFFFFF080] =	vst v9  }
0x95: {  	[tilespmem:s23+$0xFFFFF100] =	vst v2  }
0x96: {  	[tilespmem:s23+$0xFFFFF180] =	vst v3  }
0x97: {  	[tilespmem:s23+$0xFFFFF200] =	vst v6  }
0x98: {  	[tilespmem:s23+$0xFFFFF280] =	vst v7  }
0x99: {  	[tilespmem:s23+$0xFFFFF300] =	vst v4  }
0x9a: {  	[tilespmem:s23+$0xFFFFF380] =	vst v5  }
0x9b: {  	[tilespmem:s23+$0xFFFFF400] =	vst v11  }
0x9c: {  	[tilespmem:s23+$0xFFFFF480] =	vst v12  }
0x9d: {  	[tilespmem:s23+$0xFFFFF500] =	vst v15  }
0x9e: {  	v2 =	vor.u32 $0x10, v1;
	[tilespmem:s23+$0xFFFFF580] =	vst v19  }
0x9f: {  	v3 =	vor.u32 $0x11, v1;
	[tilespmem:s23+$0xFFFFF600] =	vst v18  }
0xa0: {  	v4 =	vor.u32 $0x12, v1;
	[tilespmem:s23+$0xFFFFF680] =	vst v10  }
0xa1: {  	v5 =	vor.u32 $0x13, v1;
	[tilespmem:s23+$0xFFFFF700] =	vst v13  }
0xa2: {  	v6 =	vor.u32 $0x14, v1;
	[tilespmem:s23+$0xFFFFF780] =	vst v14  }
0xa3: {  	v7 =	vor.u32 $0x15, v1;
	v2 =	vld.idx.msk [tilespmem:v2+s10+$0x0], $0xffff;
	[tilespmem:s24+$0x980] =	vst v16  }
0xa4: {  	v8 =	vor.u32 $0x16, v1;
	v3 =	vld.idx.msk [tilespmem:v3+s10+$0x0], $0xffff;
	[tilespmem:s24+$0xA00] =	vst v17  }
0xa5: {  	v9 =	vor.u32 $0x17, v1;
	v4 =	vld.idx.msk [tilespmem:v4+s10+$0x0], $0xffff;
	[tilespmem:s24+$0xA80] =	vst v20  }
0xa6: {  	v10 =	vor.u32 $0x18, v1;
	v5 =	vld.idx.msk [tilespmem:v5+s10+$0x0], $0xffff;
	[tilespmem:s24+$0xB00] =	vst v21  }
0xa7: {  	v11 =	vor.u32 $0x19, v1;
	v6 =	vld.idx.msk [tilespmem:v6+s10+$0x0], $0xffff;
	[tilespmem:s24+$0xB80] =	vst v22  }
0xa8: {  	v12 =	vor.u32 $0x1A, v1;
	v7 =	vld.idx.msk [tilespmem:v7+s10+$0x0], $0xffff;
	[tilespmem:s24+$0xC00] =	vst v23  }
0xa9: {  	v13 =	vor.u32 $0x1B, v1;
	v8 =	vld.idx.msk [tilespmem:v8+s10+$0x0], $0xffff;
	[tilespmem:s24+$0xC80] =	vst v25  }
0xaa: {  	v14 =	vor.u32 $0x1C, v1;
	v9 =	vld.idx.msk [tilespmem:v9+s10+$0x0], $0xffff;
	[tilespmem:s24+$0xD00] =	vst v26  }
0xab: {  	v15 =	vor.u32 $0x1D, v1;
	v10 =	vld.idx.msk [tilespmem:v10+s10+$0x0], $0xffff;
	[tilespmem:s24+$0xD80] =	vst v27  }
0xac: {  	v16 =	vor.u32 $0x1E, v1;
	v11 =	vld.idx.msk [tilespmem:v11+s10+$0x0], $0xffff;
	[tilespmem:s24+$0xE00] =	vst v28  }
0xad: {  	v17 =	vor.u32 $0x1F, v1;
	v12 =	vld.idx.msk [tilespmem:v12+s10+$0x0], $0xffff;
	[tilespmem:s24+$0xE80] =	vst v29  }
0xae: {  	v13 =	vld.idx.msk [tilespmem:v13+s10+$0x0], $0xffff;
	[tilespmem:s24+$0xF00] =	vst v30;
	s24 =	smov.u32 s23  }
0xaf: {  	v14 =	vld.idx.msk [tilespmem:v14+s10+$0x0], $0xffff  }
0xb0: {  	v15 =	vld.idx.msk [tilespmem:v15+s10+$0x0], $0xffff  }
0xb1: {  	v16 =	vld.idx.msk [tilespmem:v16+s10+$0x0], $0xffff  }
0xb2: {  	v17 =	vld.idx.msk [tilespmem:v17+s10+$0x0], $0xffff;
	[tilespmem:s23+$0xFFFFF800] =	vst v2  }
0xb3: {  	[tilespmem:s23+$0xFFFFF880] =	vst v3  }
0xb4: {  	[tilespmem:s23+$0xFFFFF900] =	vst v4  }
0xb5: {  	[tilespmem:s23+$0xFFFFF980] =	vst v5  }
0xb6: {  	[tilespmem:s23+$0xFFFFFA00] =	vst v6  }
0xb7: {  	[tilespmem:s23+$0xFFFFFA80] =	vst v7  }
0xb8: {  	[tilespmem:s23+$0xFFFFFB00] =	vst v8  }
0xb9: {  	[tilespmem:s23+$0xFFFFFB80] =	vst v9  }
0xba: {  	[tilespmem:s23+$0xFFFFFC00] =	vst v10  }
0xbb: {  	[tilespmem:s23+$0xFFFFFC80] =	vst v11  }
0xbc: {  	[tilespmem:s23+$0xFFFFFD00] =	vst v12  }
0xbd: {  	v2 =	vor.u32 $0x20, v1;
	[tilespmem:s23+$0xFFFFFD80] =	vst v13  }
0xbe: {  	v3 =	vor.u32 $0x21, v1;
	[tilespmem:s23+$0xFFFFFE00] =	vst v14  }
0xbf: {  	v4 =	vor.u32 $0x22, v1;
	[tilespmem:s23+$0xFFFFFE80] =	vst v15  }
0xc0: {  	v5 =	vor.u32 $0x23, v1;
	[tilespmem:s23+$0xFFFFFF00] =	vst v16  }
0xc1: {  	v7 =	vor.u32 $0x24, v1;
	[tilespmem:s23+$0xFFFFFF80] =	vst v17  }
0xc2: {  	v10 =	vor.u32 $0x25, v1;
	v2 =	vld.idx.msk [tilespmem:v2+s10+$0x0], $0xffff  }
0xc3: {  	v11 =	vor.u32 $0x26, v1;
	v3 =	vld.idx.msk [tilespmem:v3+s10+$0x0], $0xffff  }
0xc4: {  	v6 =	vld.idx.msk [tilespmem:v4+s10+$0x0], $0xffff;
	v4 =	vor.u32 $0x27, v1  }
0xc5: {  	v8 =	vld.idx.msk [tilespmem:v5+s10+$0x0], $0xffff;
	v5 =	vor.u32 $0x28, v1  }
0xc6: {  	v13 =	vor.u32 $0x29, v1;
	v9 =	vld.idx.msk [tilespmem:v7+s10+$0x0], $0xffff  }
0xc7: {  	v17 =	vor.u32 $0x2A, v1;
	v10 =	vld.idx.msk [tilespmem:v10+s10+$0x0], $0xffff  }
0xc8: {  	v18 =	vor.u32 $0x2B, v1;
	v11 =	vld.idx.msk [tilespmem:v11+s10+$0x0], $0xffff  }
.Ltmp2:
0xc9: {  	v14 =	vor.u32 $0x2C, v1;
	v12 =	vld.idx.msk [tilespmem:v4+s10+$0x0], $0xffff;
	(pc) =	sbr.rel @p1 .LBB2_3-.Ltmp2, $4  }
0xca: {  	v15 =	vor.u32 $0x2D, v1;
	v7 =	vld.idx.msk [tilespmem:v5+s10+$0x0], $0xffff  }
0xcb: {  	v16 =	vor.u32 $0x2E, v1;
	v4 =	vld.idx.msk [tilespmem:v13+s10+$0x0], $0xffff  }
0xcc: {  	v5 =	vld.idx.msk [tilespmem:v17+s10+$0x0], $0xffff;
	v17 =	vor.u32 $0x2F, v1  }
0xcd: {  	s25 =	sadd.s32 $0x10, s25;
	v13 =	vld.idx.msk [tilespmem:v18+s10+$0x0], $0xffff  }
0xce: {  	_ =	sdelay $0x3  }
0xcf: {  	v14 =	vld.idx.msk [tilespmem:v14+s10+$0x0], $0xffff  }
0xd0: {  	v15 =	vld.idx.msk [tilespmem:v15+s10+$0x0], $0xffff  }
0xd1: {  	v16 =	vld.idx.msk [tilespmem:v16+s10+$0x0], $0xffff  }
0xd2: {  	v17 =	vld.idx.msk [tilespmem:v17+s10+$0x0], $0xffff;
	[tilespmem:s23+$0x0] =	vst v2  }
0xd3: {  	[tilespmem:s23+$0x80] =	vst v3  }
0xd4: {  	[tilespmem:s23+$0x100] =	vst v6  }
0xd5: {  	[tilespmem:s23+$0x180] =	vst v8  }
0xd6: {  	[tilespmem:s23+$0x200] =	vst v9  }
0xd7: {  	[tilespmem:s23+$0x280] =	vst v10  }
0xd8: {  	[tilespmem:s23+$0x300] =	vst v11  }
0xd9: {  	[tilespmem:s23+$0x380] =	vst v12  }
0xda: {  	[tilespmem:s23+$0x400] =	vst v7  }
0xdb: {  	[tilespmem:s23+$0x480] =	vst v4  }
0xdc: {  	[tilespmem:s23+$0x500] =	vst v5  }
0xdd: {  	v2 =	vor.u32 $0x30, v1;
	[tilespmem:s23+$0x580] =	vst v13  }
0xde: {  	v3 =	vor.u32 $0x31, v1;
	[tilespmem:s23+$0x600] =	vst v14  }
0xdf: {  	v6 =	vor.u32 $0x34, v1;
	[tilespmem:s23+$0x680] =	vst v15  }
0xe0: {  	v7 =	vor.u32 $0x35, v1;
	[tilespmem:s23+$0x700] =	vst v16  }
0xe1: {  	v8 =	vor.u32 $0x36, v1;
	[tilespmem:s23+$0x780] =	vst v17  }
0xe2: {  	v9 =	vor.u32 $0x37, v1;
	v2 =	vld.idx.msk [tilespmem:v2+s10+$0x0], $0xffff  }
0xe3: {  	v10 =	vor.u32 $0x38, v1;
	v3 =	vld.idx.msk [tilespmem:v3+s10+$0x0], $0xffff  }
0xe4: {  	v11 =	vor.u32 $0x3F, v1;
	v6 =	vld.idx.msk [tilespmem:v6+s10+$0x0], $0xffff  }
0xe5: {  	v12 =	vor.u32 $0x39, v1;
	v7 =	vld.idx.msk [tilespmem:v7+s10+$0x0], $0xffff  }
0xe6: {  	v4 =	vor.u32 $0x32, v1;
	v8 =	vld.idx.msk [tilespmem:v8+s10+$0x0], $0xffff  }
0xe7: {  	v5 =	vor.u32 $0x33, v1;
	v9 =	vld.idx.msk [tilespmem:v9+s10+$0x0], $0xffff  }
0xe8: {  	v13 =	vor.u32 $0x3A, v1;
	v10 =	vld.idx.msk [tilespmem:v10+s10+$0x0], $0xffff  }
0xe9: {  	v14 =	vor.u32 $0x3B, v1;
	v11 =	vld.idx.msk [tilespmem:v11+s10+$0x0], $0xffff  }
0xea: {  	v15 =	vor.u32 $0x3C, v1;
	v12 =	vld.idx.msk [tilespmem:v12+s10+$0x0], $0xffff  }
0xeb: {  	v16 =	vor.u32 $0x3D, v1;
	v4 =	vld.idx.msk [tilespmem:v4+s10+$0x0], $0xffff  }
0xec: {  	v1 =	vor.u32 $0x3E, v1;
	v5 =	vld.idx.msk [tilespmem:v5+s10+$0x0], $0xffff  }
0xed: {  	v13 =	vld.idx.msk [tilespmem:v13+s10+$0x0], $0xffff  }
0xee: {  	v14 =	vld.idx.msk [tilespmem:v14+s10+$0x0], $0xffff  }
0xef: {  	v15 =	vld.idx.msk [tilespmem:v15+s10+$0x0], $0xffff  }
0xf0: {  	v16 =	vld.idx.msk [tilespmem:v16+s10+$0x0], $0xffff  }
0xf1: {  	v1 =	vld.idx.msk [tilespmem:v1+s10+$0x0], $0xffff;
	[tilespmem:s23+$0xF80] =	vst v11  }
0xf2: {  	[tilespmem:s23+$0x800] =	vst v2  }
0xf3: {  	[tilespmem:s23+$0x880] =	vst v3  }
0xf4: {  	[tilespmem:s24+$0x900] =	vst v4  }
0xf5: {  	[tilespmem:s24+$0xA00] =	vst v6  }
0xf6: {  	[tilespmem:s24+$0xA80] =	vst v7  }
0xf7: {  	[tilespmem:s24+$0xB00] =	vst v8  }
0xf8: {  	[tilespmem:s24+$0xB80] =	vst v9  }
0xf9: {  	[tilespmem:s24+$0xC00] =	vst v10  }
0xfa: {  	[tilespmem:s24+$0xC80] =	vst v12  }
0xfb: {  	[tilespmem:s24+$0x980] =	vst v5  }
0xfc: {  	s31 =	sadd.s32 s5, s22;
	[tilespmem:s24+$0xD00] =	vst v13  }
0xfd: {  	s25 =	sshll.u32 s31, $0x7;
	[tilespmem:s24+$0xD80] =	vst v14  }
0xfe: {  	s25 =	sand.u32 $0x3F00, s25;
	s23 =	sshll.u32 s31, $0xA;
	[tilespmem:s24+$0xE00] =	vst v15  }
0xff: {  	s25 =	sadd.s32 s2, s25;
	s23 =	sand.u32 $0xFFE0000, s23;
	[tilespmem:s24+$0xE80] =	vst v16  }
0x100: {  	p1 =	seq.s32 s21, $0x63;
	s23 =	sadd.s32 s23, s25;
	[tilespmem:s24+$0xF00] =	vst v1  }
0x101: {  	[hbm4b:s23+s13] =	stream.strided.scatter [tilespmem:s15], [sflag:$0x3], $0x2000, s14, s13, $0x38;
	[tilespmem:$0x12400] =	vst v63  }
0x102: {  	s23 =	sshll.u32 @!p1 s21, $0x8  }
0x103: {  	s23 =	sand.u32 @!p1 $0x3FFFFF00, s23  }
0x104: {  	s25 =	simm.s32 @!p1 $0x6400;
	s24 =	simm.s32 @!p1 $0x80;
	s23 =	sadd.s32 @!p1 $0x100, s23  }
0x105: {  	v1 =	vmov s26;
	[tilespmem:s25], [sflag:$0x1] =	stream.indirect.gather @!p1 [hbm4b:s4+s24], $0x80, s23, s24, $0xb8;
	[tilespmem:$0x12400] =	vst v63  }
0x106: {  	v1 =	vshll.u32 v1, $0x7;
	_ =	swait.ge [sflag:s16], $0x4000  }
0x107: {  	v1 =	vor.u32 v0, v1;
	[sflag:s16] =	ssyncset.done $0x0  }
0x108: {  	v2 =	vor.u32 $0x1, v1;
	s23 =	simm.s32 @!p0 $0x4;
	[sflag:s16] =	ssyncadd.s32 $0xFFFFC000  }
0x109: {  	v3 =	vor.u32 $0x2, v1;
	_ =	swait.ge @!p0 [sflag:s23], $0x2000  }
0x10a: {  	v4 =	vor.u32 $0x3, v1;
	[sflag:s23] =	ssyncset.done @!p0 $0x0  }
0x10b: {  	v5 =	vor.u32 $0x4, v1;
	[sflag:s23] =	ssyncadd.s32 @!p0 $0xFFFFE000  }
0x10c: {  	v7 =	vor.u32 $0x5, v1;
	v6 =	vld.idx.msk [tilespmem:v1+s11+$0x0], $0xffff  }
0x10d: {  	v8 =	vor.u32 $0x6, v1;
	v2 =	vld.idx.msk [tilespmem:v2+s11+$0x0], $0xffff  }
0x10e: {  	v9 =	vor.u32 $0x7, v1;
	v3 =	vld.idx.msk [tilespmem:v3+s11+$0x0], $0xffff  }
0x10f: {  	v10 =	vor.u32 $0x8, v1;
	v4 =	vld.idx.msk [tilespmem:v4+s11+$0x0], $0xffff  }
0x110: {  	v11 =	vor.u32 $0x9, v1;
	v5 =	vld.idx.msk [tilespmem:v5+s11+$0x0], $0xffff  }
0x111: {  	v12 =	vor.u32 $0xA, v1;
	v7 =	vld.idx.msk [tilespmem:v7+s11+$0x0], $0xffff  }
0x112: {  	v13 =	vor.u32 $0xB, v1;
	v8 =	vld.idx.msk [tilespmem:v8+s11+$0x0], $0xffff  }
0x113: {  	v14 =	vor.u32 $0xC, v1;
	v9 =	vld.idx.msk [tilespmem:v9+s11+$0x0], $0xffff  }
0x114: {  	v15 =	vor.u32 $0xD, v1;
	v10 =	vld.idx.msk [tilespmem:v10+s11+$0x0], $0xffff  }
0x115: {  	v16 =	vor.u32 $0xE, v1;
	v11 =	vld.idx.msk [tilespmem:v11+s11+$0x0], $0xffff  }
0x116: {  	v17 =	vor.u32 $0xF, v1;
	v12 =	vld.idx.msk [tilespmem:v12+s11+$0x0], $0xffff  }
0x117: {  	v13 =	vld.idx.msk [tilespmem:v13+s11+$0x0], $0xffff  }
0x118: {  	v14 =	vld.idx.msk [tilespmem:v14+s11+$0x0], $0xffff  }
0x119: {  	v15 =	vld.idx.msk [tilespmem:v15+s11+$0x0], $0xffff  }
0x11a: {  	s23 =	simm.s32 $0x11400;
	v16 =	vld.idx.msk [tilespmem:v16+s11+$0x0], $0xffff  }
0x11b: {  	v17 =	vld.idx.msk [tilespmem:v17+s11+$0x0], $0xffff;
	[tilespmem:s23+$0xFFFFF000] =	vst v6  }
0x11c: {  	[tilespmem:s23+$0xFFFFF080] =	vst v2  }
0x11d: {  	[tilespmem:s23+$0xFFFFF100] =	vst v3  }
0x11e: {  	[tilespmem:s23+$0xFFFFF180] =	vst v4  }
0x11f: {  	[tilespmem:s23+$0xFFFFF200] =	vst v5  }
0x120: {  	[tilespmem:s23+$0xFFFFF280] =	vst v7  }
0x121: {  	[tilespmem:s23+$0xFFFFF300] =	vst v8  }
0x122: {  	[tilespmem:s23+$0xFFFFF380] =	vst v9  }
0x123: {  	[tilespmem:s23+$0xFFFFF400] =	vst v10  }
0x124: {  	[tilespmem:s23+$0xFFFFF480] =	vst v11  }
0x125: {  	[tilespmem:s23+$0xFFFFF500] =	vst v12  }
0x126: {  	[tilespmem:s23+$0xFFFFF580] =	vst v13;
	v2 =	vor.u32 $0x10, v1  }
0x127: {  	[tilespmem:s23+$0xFFFFF600] =	vst v14;
	v3 =	vor.u32 $0x11, v1  }
0x128: {  	[tilespmem:s23+$0xFFFFF680] =	vst v15;
	v4 =	vor.u32 $0x12, v1  }
0x129: {  	[tilespmem:s23+$0xFFFFF700] =	vst v16;
	v5 =	vor.u32 $0x13, v1  }
0x12a: {  	[tilespmem:s23+$0xFFFFF780] =	vst v17;
	v6 =	vor.u32 $0x14, v1  }
0x12b: {  	v7 =	vor.u32 $0x15, v1;
	v2 =	vld.idx.msk [tilespmem:v2+s11+$0x0], $0xffff  }
0x12c: {  	v8 =	vor.u32 $0x16, v1;
	v3 =	vld.idx.msk [tilespmem:v3+s11+$0x0], $0xffff  }
0x12d: {  	v9 =	vor.u32 $0x17, v1;
	v4 =	vld.idx.msk [tilespmem:v4+s11+$0x0], $0xffff  }
0x12e: {  	v10 =	vor.u32 $0x18, v1;
	v5 =	vld.idx.msk [tilespmem:v5+s11+$0x0], $0xffff  }
0x12f: {  	v11 =	vor.u32 $0x19, v1;
	v6 =	vld.idx.msk [tilespmem:v6+s11+$0x0], $0xffff  }
0x130: {  	v12 =	vor.u32 $0x1A, v1;
	v7 =	vld.idx.msk [tilespmem:v7+s11+$0x0], $0xffff  }
0x131: {  	v13 =	vor.u32 $0x1B, v1;
	v8 =	vld.idx.msk [tilespmem:v8+s11+$0x0], $0xffff  }
0x132: {  	v14 =	vor.u32 $0x1C, v1;
	v9 =	vld.idx.msk [tilespmem:v9+s11+$0x0], $0xffff  }
0x133: {  	v15 =	vor.u32 $0x1D, v1;
	v10 =	vld.idx.msk [tilespmem:v10+s11+$0x0], $0xffff  }
0x134: {  	v16 =	vor.u32 $0x1E, v1;
	v11 =	vld.idx.msk [tilespmem:v11+s11+$0x0], $0xffff  }
0x135: {  	v17 =	vor.u32 $0x1F, v1;
	v12 =	vld.idx.msk [tilespmem:v12+s11+$0x0], $0xffff  }
0x136: {  	v13 =	vld.idx.msk [tilespmem:v13+s11+$0x0], $0xffff  }
0x137: {  	v14 =	vld.idx.msk [tilespmem:v14+s11+$0x0], $0xffff  }
0x138: {  	v15 =	vld.idx.msk [tilespmem:v15+s11+$0x0], $0xffff  }
0x139: {  	v16 =	vld.idx.msk [tilespmem:v16+s11+$0x0], $0xffff  }
0x13a: {  	v17 =	vld.idx.msk [tilespmem:v17+s11+$0x0], $0xffff;
	[tilespmem:s23+$0xFFFFF800] =	vst v2  }
0x13b: {  	[tilespmem:s23+$0xFFFFF880] =	vst v3  }
0x13c: {  	[tilespmem:s23+$0xFFFFF900] =	vst v4  }
0x13d: {  	[tilespmem:s23+$0xFFFFF980] =	vst v5  }
0x13e: {  	[tilespmem:s23+$0xFFFFFA00] =	vst v6  }
0x13f: {  	[tilespmem:s23+$0xFFFFFA80] =	vst v7  }
0x140: {  	[tilespmem:s23+$0xFFFFFB00] =	vst v8  }
0x141: {  	[tilespmem:s23+$0xFFFFFB80] =	vst v9  }
0x142: {  	[tilespmem:s23+$0xFFFFFC00] =	vst v10  }
0x143: {  	[tilespmem:s23+$0xFFFFFC80] =	vst v11  }
0x144: {  	[tilespmem:s23+$0xFFFFFD00] =	vst v12  }
0x145: {  	[tilespmem:s23+$0xFFFFFD80] =	vst v13;
	v2 =	vor.u32 $0x20, v1  }
0x146: {  	[tilespmem:s23+$0xFFFFFE00] =	vst v14;
	v3 =	vor.u32 $0x21, v1  }
0x147: {  	[tilespmem:s23+$0xFFFFFE80] =	vst v15;
	v5 =	vor.u32 $0x23, v1  }
0x148: {  	v4 =	vor.u32 $0x22, v1;
	[tilespmem:s23+$0xFFFFFF00] =	vst v16  }
0x149: {  	[tilespmem:s23+$0xFFFFFF80] =	vst v17;
	v7 =	vor.u32 $0x24, v1  }
0x14a: {  	v10 =	vor.u32 $0x25, v1;
	v2 =	vld.idx.msk [tilespmem:v2+s11+$0x0], $0xffff  }
0x14b: {  	v11 =	vor.u32 $0x26, v1;
	v3 =	vld.idx.msk [tilespmem:v3+s11+$0x0], $0xffff  }
0x14c: {  	v8 =	vld.idx.msk [tilespmem:v5+s11+$0x0], $0xffff;
	v5 =	vor.u32 $0x28, v1  }
0x14d: {  	v15 =	vor.u32 $0x2A, v1;
	v6 =	vld.idx.msk [tilespmem:v4+s11+$0x0], $0xffff  }
0x14e: {  	v4 =	vor.u32 $0x27, v1;
	v9 =	vld.idx.msk [tilespmem:v7+s11+$0x0], $0xffff  }
0x14f: {  	v13 =	vor.u32 $0x29, v1;
	v10 =	vld.idx.msk [tilespmem:v10+s11+$0x0], $0xffff  }
0x150: {  	v18 =	vor.u32 $0x2B, v1;
	v11 =	vld.idx.msk [tilespmem:v11+s11+$0x0], $0xffff  }
0x151: {  	v14 =	vor.u32 $0x2C, v1;
	v7 =	vld.idx.msk [tilespmem:v5+s11+$0x0], $0xffff  }
0x152: {  	v5 =	vld.idx.msk [tilespmem:v15+s11+$0x0], $0xffff;
	v15 =	vor.u32 $0x2D, v1  }
0x153: {  	v16 =	vor.u32 $0x2E, v1;
	v12 =	vld.idx.msk [tilespmem:v4+s11+$0x0], $0xffff  }
0x154: {  	v17 =	vor.u32 $0x2F, v1;
	v4 =	vld.idx.msk [tilespmem:v13+s11+$0x0], $0xffff  }
0x155: {  	s24 =	sor.u32 $0x1, s22;
	s25 =	simm.s32 $0x10;
	s22 =	simm.s32 $0x11400;
	v13 =	vld.idx.msk [tilespmem:v18+s11+$0x0], $0xffff  }
.LBB2_5:
0x156: {  	v18 =	vmov s25;
	p0 =	sne.s32 s25, $0x70;
	v14 =	vld.idx.msk [tilespmem:v14+s11+$0x0], $0xffff  }
0x157: {  	v18 =	vshll.u32 v18, $0x7;
	v15 =	vld.idx.msk [tilespmem:v15+s11+$0x0], $0xffff  }
0x158: {  	v18 =	vor.u32 v0, v18;
	v16 =	vld.idx.msk [tilespmem:v16+s11+$0x0], $0xffff  }
0x159: {  	v19 =	vor.u32 $0x1, v18;
	v17 =	vld.idx.msk [tilespmem:v17+s11+$0x0], $0xffff;
	[tilespmem:s23+$0x0] =	vst v2  }
0x15a: {  	v2 =	vor.u32 $0x2, v18;
	[tilespmem:s23+$0x80] =	vst v3  }
0x15b: {  	v3 =	vor.u32 $0x3, v18;
	[tilespmem:s23+$0x100] =	vst v6  }
0x15c: {  	v6 =	vor.u32 $0x4, v18;
	[tilespmem:s23+$0x180] =	vst v8  }
0x15d: {  	v20 =	vor.u32 $0x5, v18;
	v8 =	vld.idx.msk [tilespmem:v18+s11+$0x0], $0xffff;
	[tilespmem:s23+$0x200] =	vst v9  }
0x15e: {  	v9 =	vld.idx.msk [tilespmem:v19+s11+$0x0], $0xffff;
	v19 =	vor.u32 $0x6, v18;
	[tilespmem:s23+$0x280] =	vst v10  }
0x15f: {  	v10 =	vor.u32 $0x7, v18;
	v2 =	vld.idx.msk [tilespmem:v2+s11+$0x0], $0xffff;
	[tilespmem:s23+$0x300] =	vst v11  }
0x160: {  	v11 =	vor.u32 $0x8, v18;
	v3 =	vld.idx.msk [tilespmem:v3+s11+$0x0], $0xffff;
	[tilespmem:s23+$0x380] =	vst v12  }
0x161: {  	v12 =	vor.u32 $0x9, v18;
	v6 =	vld.idx.msk [tilespmem:v6+s11+$0x0], $0xffff;
	[tilespmem:s23+$0x400] =	vst v7  }
0x162: {  	v7 =	vld.idx.msk [tilespmem:v20+s11+$0x0], $0xffff;
	v20 =	vor.u32 $0xA, v18;
	[tilespmem:s23+$0x480] =	vst v4  }
0x163: {  	v4 =	vld.idx.msk [tilespmem:v19+s11+$0x0], $0xffff;
	v19 =	vor.u32 $0xB, v18;
	[tilespmem:s23+$0x500] =	vst v5  }
0x164: {  	v5 =	vld.idx.msk [tilespmem:v10+s11+$0x0], $0xffff;
	[tilespmem:s23+$0x580] =	vst v13;
	v10 =	vor.u32 $0x30, v1  }
0x165: {  	v13 =	vor.u32 $0x31, v1;
	v11 =	vld.idx.msk [tilespmem:v11+s11+$0x0], $0xffff;
	[tilespmem:s23+$0x600] =	vst v14  }
0x166: {  	v14 =	vor.u32 $0x32, v1;
	v12 =	vld.idx.msk [tilespmem:v12+s11+$0x0], $0xffff;
	[tilespmem:s23+$0x680] =	vst v15  }
0x167: {  	v15 =	vld.idx.msk [tilespmem:v20+s11+$0x0], $0xffff;
	[tilespmem:s23+$0x700] =	vst v16;
	v16 =	vor.u32 $0x33, v1  }
0x168: {  	v19 =	vld.idx.msk [tilespmem:v19+s11+$0x0], $0xffff;
	[tilespmem:s23+$0x780] =	vst v17;
	v17 =	vor.u32 $0x34, v1  }
0x169: {  	v20 =	vor.u32 $0x35, v1;
	v10 =	vld.idx.msk [tilespmem:v10+s11+$0x0], $0xffff  }
0x16a: {  	v21 =	vor.u32 $0x36, v1;
	v13 =	vld.idx.msk [tilespmem:v13+s11+$0x0], $0xffff  }
0x16b: {  	v22 =	vor.u32 $0x37, v1;
	v14 =	vld.idx.msk [tilespmem:v14+s11+$0x0], $0xffff  }
0x16c: {  	v23 =	vor.u32 $0x38, v1;
	v16 =	vld.idx.msk [tilespmem:v16+s11+$0x0], $0xffff  }
0x16d: {  	v24 =	vor.u32 $0x3F, v1;
	v17 =	vld.idx.msk [tilespmem:v17+s11+$0x0], $0xffff  }
0x16e: {  	v25 =	vor.u32 $0x39, v1;
	v20 =	vld.idx.msk [tilespmem:v20+s11+$0x0], $0xffff  }
0x16f: {  	v26 =	vor.u32 $0x3A, v1;
	v21 =	vld.idx.msk [tilespmem:v21+s11+$0x0], $0xffff  }
0x170: {  	v27 =	vor.u32 $0x3B, v1;
	v22 =	vld.idx.msk [tilespmem:v22+s11+$0x0], $0xffff  }
0x171: {  	v28 =	vor.u32 $0x3C, v1;
	v23 =	vld.idx.msk [tilespmem:v23+s11+$0x0], $0xffff  }
0x172: {  	v29 =	vor.u32 $0x3D, v1;
	v24 =	vld.idx.msk [tilespmem:v24+s11+$0x0], $0xffff  }
0x173: {  	v30 =	vor.u32 $0x3E, v1;
	v1 =	vmov v18;
	v25 =	vld.idx.msk [tilespmem:v25+s11+$0x0], $0xffff  }
0x174: {  	v18 =	vor.u32 $0xC, v1;
	v26 =	vld.idx.msk [tilespmem:v26+s11+$0x0], $0xffff  }
0x175: {  	v31 =	vor.u32 $0xD, v1;
	v27 =	vld.idx.msk [tilespmem:v27+s11+$0x0], $0xffff  }
0x176: {  	v32 =	vor.u32 $0xE, v1;
	v28 =	vld.idx.msk [tilespmem:v28+s11+$0x0], $0xffff  }
0x177: {  	v33 =	vor.u32 $0xF, v1;
	v29 =	vld.idx.msk [tilespmem:v29+s11+$0x0], $0xffff  }
0x178: {  	v30 =	vld.idx.msk [tilespmem:v30+s11+$0x0], $0xffff;
	[tilespmem:s23+$0xF80] =	vst v24  }
0x179: {  	v18 =	vld.idx.msk [tilespmem:v18+s11+$0x0], $0xffff;
	[tilespmem:s23+$0x800] =	vst v10  }
0x17a: {  	v10 =	vld.idx.msk [tilespmem:v31+s11+$0x0], $0xffff;
	[tilespmem:s23+$0x880] =	vst v13  }
0x17b: {  	s23 =	sadd.s32 $0x10, s23;
	v13 =	vld.idx.msk [tilespmem:v32+s11+$0x0], $0xffff;
	[tilespmem:s22+$0x900] =	vst v14  }
0x17c: {  	v14 =	vld.idx.msk [tilespmem:v33+s11+$0x0], $0xffff;
	[tilespmem:s23+$0xFFFFF000] =	vst v8  }
0x17d: {  	[tilespmem:s23+$0xFFFFF080] =	vst v9  }
0x17e: {  	[tilespmem:s23+$0xFFFFF100] =	vst v2  }
0x17f: {  	[tilespmem:s23+$0xFFFFF180] =	vst v3  }
0x180: {  	[tilespmem:s23+$0xFFFFF200] =	vst v6  }
0x181: {  	[tilespmem:s23+$0xFFFFF280] =	vst v7  }
0x182: {  	[tilespmem:s23+$0xFFFFF300] =	vst v4  }
0x183: {  	[tilespmem:s23+$0xFFFFF380] =	vst v5  }
0x184: {  	[tilespmem:s23+$0xFFFFF400] =	vst v11  }
0x185: {  	[tilespmem:s23+$0xFFFFF480] =	vst v12  }
0x186: {  	[tilespmem:s23+$0xFFFFF500] =	vst v15  }
0x187: {  	v2 =	vor.u32 $0x10, v1;
	[tilespmem:s23+$0xFFFFF580] =	vst v19  }
0x188: {  	v3 =	vor.u32 $0x11, v1;
	[tilespmem:s23+$0xFFFFF600] =	vst v18  }
0x189: {  	v4 =	vor.u32 $0x12, v1;
	[tilespmem:s23+$0xFFFFF680] =	vst v10  }
0x18a: {  	v5 =	vor.u32 $0x13, v1;
	[tilespmem:s23+$0xFFFFF700] =	vst v13  }
0x18b: {  	v6 =	vor.u32 $0x14, v1;
	[tilespmem:s23+$0xFFFFF780] =	vst v14  }
0x18c: {  	v7 =	vor.u32 $0x15, v1;
	v2 =	vld.idx.msk [tilespmem:v2+s11+$0x0], $0xffff;
	[tilespmem:s22+$0x980] =	vst v16  }
0x18d: {  	v8 =	vor.u32 $0x16, v1;
	v3 =	vld.idx.msk [tilespmem:v3+s11+$0x0], $0xffff;
	[tilespmem:s22+$0xA00] =	vst v17  }
0x18e: {  	v9 =	vor.u32 $0x17, v1;
	v4 =	vld.idx.msk [tilespmem:v4+s11+$0x0], $0xffff;
	[tilespmem:s22+$0xA80] =	vst v20  }
0x18f: {  	v10 =	vor.u32 $0x18, v1;
	v5 =	vld.idx.msk [tilespmem:v5+s11+$0x0], $0xffff;
	[tilespmem:s22+$0xB00] =	vst v21  }
0x190: {  	v11 =	vor.u32 $0x19, v1;
	v6 =	vld.idx.msk [tilespmem:v6+s11+$0x0], $0xffff;
	[tilespmem:s22+$0xB80] =	vst v22  }
0x191: {  	v12 =	vor.u32 $0x1A, v1;
	v7 =	vld.idx.msk [tilespmem:v7+s11+$0x0], $0xffff;
	[tilespmem:s22+$0xC00] =	vst v23  }
0x192: {  	v13 =	vor.u32 $0x1B, v1;
	v8 =	vld.idx.msk [tilespmem:v8+s11+$0x0], $0xffff;
	[tilespmem:s22+$0xC80] =	vst v25  }
0x193: {  	v14 =	vor.u32 $0x1C, v1;
	v9 =	vld.idx.msk [tilespmem:v9+s11+$0x0], $0xffff;
	[tilespmem:s22+$0xD00] =	vst v26  }
0x194: {  	v15 =	vor.u32 $0x1D, v1;
	v10 =	vld.idx.msk [tilespmem:v10+s11+$0x0], $0xffff;
	[tilespmem:s22+$0xD80] =	vst v27  }
0x195: {  	v16 =	vor.u32 $0x1E, v1;
	v11 =	vld.idx.msk [tilespmem:v11+s11+$0x0], $0xffff;
	[tilespmem:s22+$0xE00] =	vst v28  }
0x196: {  	v17 =	vor.u32 $0x1F, v1;
	v12 =	vld.idx.msk [tilespmem:v12+s11+$0x0], $0xffff;
	[tilespmem:s22+$0xE80] =	vst v29  }
0x197: {  	v13 =	vld.idx.msk [tilespmem:v13+s11+$0x0], $0xffff;
	[tilespmem:s22+$0xF00] =	vst v30;
	s22 =	smov.u32 s23  }
0x198: {  	v14 =	vld.idx.msk [tilespmem:v14+s11+$0x0], $0xffff  }
0x199: {  	v15 =	vld.idx.msk [tilespmem:v15+s11+$0x0], $0xffff  }
0x19a: {  	v16 =	vld.idx.msk [tilespmem:v16+s11+$0x0], $0xffff  }
0x19b: {  	v17 =	vld.idx.msk [tilespmem:v17+s11+$0x0], $0xffff;
	[tilespmem:s23+$0xFFFFF800] =	vst v2  }
0x19c: {  	[tilespmem:s23+$0xFFFFF880] =	vst v3  }
0x19d: {  	[tilespmem:s23+$0xFFFFF900] =	vst v4  }
0x19e: {  	[tilespmem:s23+$0xFFFFF980] =	vst v5  }
0x19f: {  	[tilespmem:s23+$0xFFFFFA00] =	vst v6  }
0x1a0: {  	[tilespmem:s23+$0xFFFFFA80] =	vst v7  }
0x1a1: {  	[tilespmem:s23+$0xFFFFFB00] =	vst v8  }
0x1a2: {  	[tilespmem:s23+$0xFFFFFB80] =	vst v9  }
0x1a3: {  	[tilespmem:s23+$0xFFFFFC00] =	vst v10  }
0x1a4: {  	[tilespmem:s23+$0xFFFFFC80] =	vst v11  }
0x1a5: {  	[tilespmem:s23+$0xFFFFFD00] =	vst v12  }
0x1a6: {  	v2 =	vor.u32 $0x20, v1;
	[tilespmem:s23+$0xFFFFFD80] =	vst v13  }
0x1a7: {  	v3 =	vor.u32 $0x21, v1;
	[tilespmem:s23+$0xFFFFFE00] =	vst v14  }
0x1a8: {  	v4 =	vor.u32 $0x22, v1;
	[tilespmem:s23+$0xFFFFFE80] =	vst v15  }
0x1a9: {  	v5 =	vor.u32 $0x23, v1;
	[tilespmem:s23+$0xFFFFFF00] =	vst v16  }
0x1aa: {  	v7 =	vor.u32 $0x24, v1;
	[tilespmem:s23+$0xFFFFFF80] =	vst v17  }
0x1ab: {  	v10 =	vor.u32 $0x25, v1;
	v2 =	vld.idx.msk [tilespmem:v2+s11+$0x0], $0xffff  }
0x1ac: {  	v11 =	vor.u32 $0x26, v1;
	v3 =	vld.idx.msk [tilespmem:v3+s11+$0x0], $0xffff  }
0x1ad: {  	v6 =	vld.idx.msk [tilespmem:v4+s11+$0x0], $0xffff;
	v4 =	vor.u32 $0x27, v1  }
0x1ae: {  	v8 =	vld.idx.msk [tilespmem:v5+s11+$0x0], $0xffff;
	v5 =	vor.u32 $0x28, v1  }
0x1af: {  	v13 =	vor.u32 $0x29, v1;
	v9 =	vld.idx.msk [tilespmem:v7+s11+$0x0], $0xffff  }
0x1b0: {  	v17 =	vor.u32 $0x2A, v1;
	v10 =	vld.idx.msk [tilespmem:v10+s11+$0x0], $0xffff  }
0x1b1: {  	v18 =	vor.u32 $0x2B, v1;
	v11 =	vld.idx.msk [tilespmem:v11+s11+$0x0], $0xffff  }
.Ltmp3:
0x1b2: {  	v14 =	vor.u32 $0x2C, v1;
	v12 =	vld.idx.msk [tilespmem:v4+s11+$0x0], $0xffff;
	(pc) =	sbr.rel @p0 .LBB2_5-.Ltmp3, $4  }
0x1b3: {  	v15 =	vor.u32 $0x2D, v1;
	v7 =	vld.idx.msk [tilespmem:v5+s11+$0x0], $0xffff  }
0x1b4: {  	v16 =	vor.u32 $0x2E, v1;
	v4 =	vld.idx.msk [tilespmem:v13+s11+$0x0], $0xffff  }
0x1b5: {  	v5 =	vld.idx.msk [tilespmem:v17+s11+$0x0], $0xffff;
	v17 =	vor.u32 $0x2F, v1  }
0x1b6: {  	s25 =	sadd.s32 $0x10, s25;
	v13 =	vld.idx.msk [tilespmem:v18+s11+$0x0], $0xffff  }
0x1b7: {  	_ =	sdelay $0x3  }
0x1b8: {  	v14 =	vld.idx.msk [tilespmem:v14+s11+$0x0], $0xffff  }
0x1b9: {  	v15 =	vld.idx.msk [tilespmem:v15+s11+$0x0], $0xffff  }
0x1ba: {  	v16 =	vld.idx.msk [tilespmem:v16+s11+$0x0], $0xffff  }
0x1bb: {  	v17 =	vld.idx.msk [tilespmem:v17+s11+$0x0], $0xffff;
	[tilespmem:s23+$0x0] =	vst v2  }
0x1bc: {  	[tilespmem:s23+$0x80] =	vst v3  }
0x1bd: {  	[tilespmem:s23+$0x100] =	vst v6  }
0x1be: {  	[tilespmem:s23+$0x180] =	vst v8  }
0x1bf: {  	[tilespmem:s23+$0x200] =	vst v9  }
0x1c0: {  	[tilespmem:s23+$0x280] =	vst v10  }
0x1c1: {  	[tilespmem:s23+$0x300] =	vst v11  }
0x1c2: {  	[tilespmem:s23+$0x380] =	vst v12  }
0x1c3: {  	[tilespmem:s23+$0x400] =	vst v7  }
0x1c4: {  	[tilespmem:s23+$0x480] =	vst v4  }
0x1c5: {  	[tilespmem:s23+$0x500] =	vst v5  }
0x1c6: {  	v2 =	vor.u32 $0x30, v1;
	[tilespmem:s23+$0x580] =	vst v13  }
0x1c7: {  	v3 =	vor.u32 $0x31, v1;
	[tilespmem:s23+$0x600] =	vst v14  }
0x1c8: {  	v51 =	vor.u32 $0x32, v1;
	[tilespmem:s23+$0x680] =	vst v15  }
0x1c9: {  	v52 =	vor.u32 $0x33, v1;
	[tilespmem:s23+$0x700] =	vst v16  }
0x1ca: {  	v53 =	vor.u32 $0x34, v1;
	[tilespmem:s23+$0x780] =	vst v17  }
0x1cb: {  	v54 =	vor.u32 $0x35, v1;
	v2 =	vld.idx.msk [tilespmem:v2+s11+$0x0], $0xffff  }
0x1cc: {  	v55 =	vor.u32 $0x36, v1;
	v3 =	vld.idx.msk [tilespmem:v3+s11+$0x0], $0xffff  }
0x1cd: {  	v56 =	vor.u32 $0x37, v1;
	v4 =	vld.idx.msk [tilespmem:v51+s11+$0x0], $0xffff  }
0x1ce: {  	v57 =	vor.u32 $0x38, v1;
	v5 =	vld.idx.msk [tilespmem:v52+s11+$0x0], $0xffff  }
0x1cf: {  	v58 =	vor.u32 $0x3F, v1;
	v6 =	vld.idx.msk [tilespmem:v53+s11+$0x0], $0xffff  }
0x1d0: {  	v59 =	vor.u32 $0x39, v1;
	v7 =	vld.idx.msk [tilespmem:v54+s11+$0x0], $0xffff  }
0x1d1: {  	v60 =	vor.u32 $0x3A, v1;
	v8 =	vld.idx.msk [tilespmem:v55+s11+$0x0], $0xffff  }
0x1d2: {  	v61 =	vor.u32 $0x3B, v1;
	v9 =	vld.idx.msk [tilespmem:v56+s11+$0x0], $0xffff  }
0x1d3: {  	v62 =	vor.u32 $0x3C, v1;
	v10 =	vld.idx.msk [tilespmem:v57+s11+$0x0], $0xffff  }
0x1d4: {  	v63 =	vor.u32 $0x3D, v1;
	v11 =	vld.idx.msk [tilespmem:v58+s11+$0x0], $0xffff  }
0x1d5: {  	v1 =	vor.u32 $0x3E, v1;
	v12 =	vld.idx.msk [tilespmem:v59+s11+$0x0], $0xffff  }
0x1d6: {  	v13 =	vld.idx.msk [tilespmem:v60+s11+$0x0], $0xffff  }
0x1d7: {  	v14 =	vld.idx.msk [tilespmem:v61+s11+$0x0], $0xffff  }
0x1d8: {  	v15 =	vld.idx.msk [tilespmem:v62+s11+$0x0], $0xffff  }
0x1d9: {  	v16 =	vld.idx.msk [tilespmem:v63+s11+$0x0], $0xffff  }
0x1da: {  	v1 =	vld.idx.msk [tilespmem:v1+s11+$0x0], $0xffff;
	[tilespmem:s23+$0xF80] =	vst v11  }
0x1db: {  	[tilespmem:s23+$0x800] =	vst v2  }
0x1dc: {  	[tilespmem:s23+$0x880] =	vst v3  }
0x1dd: {  	[tilespmem:s22+$0x900] =	vst v4  }
0x1de: {  	[tilespmem:s22+$0x980] =	vst v5  }
0x1df: {  	[tilespmem:s22+$0xA00] =	vst v6  }
0x1e0: {  	[tilespmem:s22+$0xA80] =	vst v7  }
0x1e1: {  	[tilespmem:s22+$0xB00] =	vst v8  }
0x1e2: {  	[tilespmem:s22+$0xB80] =	vst v9  }
0x1e3: {  	[tilespmem:s22+$0xC00] =	vst v10  }
0x1e4: {  	[tilespmem:s22+$0xC80] =	vst v12  }
0x1e5: {  	s30 =	sadd.s32 s5, s24;
	[tilespmem:s22+$0xD00] =	vst v13  }
.Ltmp4:
0x1e6: {  	s24 =	sshll.u32 s30, $0x7;
	[tilespmem:s22+$0xD80] =	vst v14;
	(pc) =	sbr.rel @p1 .LBB2_8-.Ltmp4, $4  }
0x1e7: {  	s24 =	sand.u32 $0x3F80, s24;
	s23 =	sshll.u32 s30, $0xA;
	[tilespmem:s22+$0xE00] =	vst v15  }
0x1e8: {  	s24 =	sadd.s32 s2, s24;
	[tilespmem:s22+$0xE80] =	vst v16;
	s23 =	sand.u32 $0xFFE0000, s23  }
0x1e9: {  	[tilespmem:s22+$0xF00] =	vst v1;
	s31 =	sadd.s32 s23, s24  }
0x1ea: {  	[hbm4b:s31+s13] =	stream.strided.scatter [tilespmem:s17], [sflag:$0x4], $0x2000, s14, s13, $0x38;
	[tilespmem:$0x12400] =	vst v63  }
.Ltmp5:
0x1eb: {  	(pc) =	sbr.rel .LBB2_2-.Ltmp5, $4  }
0x1ec: {  	s22 =	sshll.u32 s21, $0x8  }
0x1ed: {  	s22 =	sand.u32 $0x3FFFFF00, s22  }
0x1ee: {  	s21 =	sadd.s32 $0x1, s21;
	s22 =	sadd.s32 $0x180, s22  }
0x1ef: {  	[tilespmem:s11], [sflag:$0x2] =	stream.indirect.gather [hbm4b:s4+s9], $0x80, s22, s9, $0xb8;
	[tilespmem:$0x12400] =	vst v63  }
.LBB2_9:
0x1f0: {  	_ =	sfence.sel $0x180000  }
0x1f1: {  	[bflag:$0x0] =	sbarrier.arrive $0xFFFF  }
0x1f2: {  	p0 =	sne.s32 s0, $0x0;
	_ =	strace $0x90000047  }
0x1f3: {  	s0 =	sadd.s32 @!p0 $0x100000, s1;
	[bflag:$0x2] =	sbarrier.arrive $0xFFFF  }
0x1f4: {  	[sflag:s0] =	ssyncadd.tile.s32 @!p0 $0x1;
	_ =	shalt  }
.Lfunc_end2:
_tile_overlayer_lowered:
.L_overlay_start_2:
0x1f5: {  	(tag) =	ssettag $0x2  }
0x1f6: {  	s0 =	rddreg [dreg:$0x0];
	s2 =	stileid.u32  }
0x1f7: {  	s1 =	rddreg [dreg:$0x1];
	p0 =	sne.s32 s2, $0x0  }
0x1f8: {  	s3 =	rddreg [dreg:$0x2];
	[bflag:$0x3] =	sbarrier.arrive $0xFFFF;
	s2 =	simm.s32 @!p0 $0x1C05  }
0x1f9: {  	[timem:s3], [sflag:s2] =	dma.local @!p0 [hbm:s0], s1  }
0x1fa: {  	s0 =	simm.s32 @!p0 $0x5  }
0x1fb: {  	_ =	swait.ge @!p0 [sflag:s0], s1  }
0x1fc: {  	s1 =	ssub.s32 @!p0 $0x0, s1;
	[sflag:s0] =	ssyncset.done @!p0 $0x0  }
0x1fd: {  	[sflag:s0] =	ssyncadd.s32 @!p0 s1  }
0x1fe: {  	[bflag:$0x3] =	sbarrier.arrive $0xFFFF  }
0x1ff: {  	_ =	shalt  }

</sc_bundles>
